<compile_context>
chip_gen: v7x
topology: tpu7x:2x2x1
jax: 0.10.2.dev20260603
libtpu: 0.0.44.dev20260713+nightly
codegen_flags: <defaults>
</compile_context>

<pallas_src>
import functools

import jax
import jax.numpy as jnp
from jax import lax
from jax.experimental import pallas as pl
from jax.experimental.pallas import tpu as pltpu
from jax.experimental.pallas import tpu_sc as plsc

N = 100000
E = 3200000
DIN = 128
DOUT = 16
DH = DOUT // 2

NC = 2
NS = 16

ROW_BLK = 2048
N_PAD = 100352
TC_GRID = N_PAD // ROW_BLK
SEG = N_PAD // NS
ZCH = SEG // 8

E_PAD = 2048 * 32 * 50
IDXN = 3200
EPT = E_PAD // NS
NCHUNK = EPT // IDXN
DIDXN = 4096
DEPT = E_PAD // (NC * NS)
DNCHUNK = DEPT // DIDXN

_mesh = plsc.VectorSubcoreMesh(
    core_axis_name="c", subcore_axis_name="s", num_cores=NC, num_subcores=NS
)
_sc_params = pltpu.CompilerParams(use_tc_tiling_on_sc=False)


def _fill1d(ref, nvec, value):
  v = jnp.full((16,), value, jnp.float32)

  def body(i, _):
    ref[pl.ds(i * 16, 16)] = v
    return 0

  lax.fori_loop(0, nvec, body, 0)


def _fill2d(ref, nvec, value):
  v = jnp.full((2, 8), value, jnp.float32)

  def body(i, _):
    ref[pl.ds(i * 2, 2), :] = v
    return 0

  lax.fori_loop(0, nvec, body, 0)


@functools.partial(
    pl.kernel,
    out_type=jax.ShapeDtypeStruct((NC, N_PAD), jnp.float32),
    mesh=_mesh,
    scratch_types=[
        pltpu.VMEM((DIDXN,), jnp.int32),
        pltpu.VMEM((DIDXN,), jnp.float32),
        pltpu.VMEM((SEG,), jnp.float32),
        pltpu.VMEM_SHARED((N_PAD,), jnp.float32),
    ],
    compiler_params=_sc_params,
)
def _sc_degree(dst_hbm, deg_hbm, idx_v, ones_v, stage_v, deg_sp):
  cid = lax.axis_index("c")
  sid = lax.axis_index("s")
  wid = cid * NS + sid

  _fill1d(ones_v, DIDXN // 16, 1.0)
  _fill1d(stage_v, SEG // 16, 0.0)
  pltpu.sync_copy(stage_v, deg_sp.at[pl.ds(sid * SEG, SEG)])
  plsc.subcore_barrier()

  tbase = wid * DEPT

  def chunk_body(ci, _):
    pltpu.sync_copy(dst_hbm.at[pl.ds(tbase + ci * DIDXN, DIDXN)], idx_v)
    pltpu.sync_copy(ones_v, deg_sp.at[idx_v], add=True)
    return 0

  lax.fori_loop(0, DNCHUNK, chunk_body, 0)
  plsc.subcore_barrier()

  pltpu.sync_copy(deg_sp.at[pl.ds(sid * SEG, SEG)],
                  deg_hbm.at[cid, pl.ds(sid * SEG, SEG)])


@functools.partial(
    pl.kernel,
    out_type=jax.ShapeDtypeStruct((NC, N_PAD, DH), jnp.float32),
    mesh=_mesh,
    scratch_types=[
        pltpu.VMEM((2, IDXN), jnp.int32),
        pltpu.VMEM((2, IDXN), jnp.int32),
        pltpu.VMEM((2, IDXN, DH), jnp.float32),
        pltpu.VMEM((ZCH, DH), jnp.float32),
        pltpu.VMEM_SHARED((N_PAD, DH), jnp.float32),
        pltpu.SemaphoreType.DMA,
        pltpu.SemaphoreType.DMA,
        pltpu.SemaphoreType.DMA,
        pltpu.SemaphoreType.DMA,
    ],
    compiler_params=_sc_params,
)
def _sc_agg(hs_hbm, src_hbm, dst_hbm, acc_hbm,
            src_v, dst_v, rows_v, stage_v, acc_sp, g0, g1, s0, s1):
  cid = lax.axis_index("c")
  sid = lax.axis_index("s")
  gsem = (g0, g1)
  ssem = (s0, s1)

  _fill2d(stage_v, ZCH // 2, 0.0)
  for k in range(8):
    pltpu.sync_copy(stage_v, acc_sp.at[pl.ds(sid * SEG + k * ZCH, ZCH)])
  plsc.subcore_barrier()

  tbase = sid * EPT
  hs_core = hs_hbm.at[cid]

  def run_core(hs_hbm):
    def gather(c, p):
      pltpu.sync_copy(src_hbm.at[pl.ds(tbase + c * IDXN, IDXN)],
                      src_v.at[p])
      pltpu.sync_copy(dst_hbm.at[pl.ds(tbase + c * IDXN, IDXN)],
                      dst_v.at[p])
      pltpu.async_copy(hs_hbm.at[src_v.at[p]], rows_v.at[p], gsem[p])

    def gwait(p):
      pltpu.make_async_copy(
          hs_hbm.at[src_v.at[p]], rows_v.at[p], gsem[p]).wait()

    def scat(p):
      pltpu.async_copy(rows_v.at[p], acc_sp.at[dst_v.at[p]], ssem[p],
                       add=True)

    def swait(p):
      pltpu.make_async_copy(
          rows_v.at[p], acc_sp.at[dst_v.at[p]], ssem[p]).wait()

    gather(0, 0)
    gather(1, 1)

    def body(i, _):
      c = 2 * i
      gwait(0)
      scat(0)
      gwait(1)
      scat(1)

      @pl.when(i < NCHUNK // 2 - 1)
      def _():
        swait(0)
        gather(c + 2, 0)
        swait(1)
        gather(c + 3, 1)
      return 0

    lax.fori_loop(0, NCHUNK // 2, body, 0)
    swait(0)
    swait(1)

  run_core(hs_core)

  plsc.subcore_barrier()

  pltpu.sync_copy(acc_sp.at[pl.ds(sid * SEG, SEG)],
                  acc_hbm.at[cid, pl.ds(sid * SEG, SEG)])


def _tc_z_body(x_ref, w_ref, z_ref):
  z_ref[...] = jnp.dot(x_ref[...], w_ref[...],
                       preferred_element_type=jnp.float32)


def _tc_scale_body(z_ref, d0_ref, d1_ref, hs_ref, dis_ref):
  d = d0_ref[...] + d1_ref[...] + 1.0
  dis = jnp.where(d > 0, lax.rsqrt(jnp.maximum(d, 1e-12)), 0.0)
  hs = z_ref[...] * dis
  hs_ref[0, :, :] = hs[:, :DH]
  hs_ref[1, :, :] = hs[:, DH:]
  dis_ref[...] = dis


def _tc_mid_body(a_ref, hs_ref, dis_ref, w_ref, b_ref, o_ref):
  dis = dis_ref[...]
  a = jnp.concatenate([a_ref[0, :, :], a_ref[1, :, :]], axis=1)
  hs = jnp.concatenate([hs_ref[0, :, :], hs_ref[1, :, :]], axis=1)
  h = dis * (a + hs) + b_ref[...]
  h = jnp.maximum(h, 0.0)
  z = jnp.dot(h, w_ref[...], preferred_element_type=jnp.float32) * dis
  o_ref[0, :, :] = z[:, :DH]
  o_ref[1, :, :] = z[:, DH:]


def _tc_last_body(a_ref, hs_ref, dis_ref, b_ref, out_ref):
  a = jnp.concatenate([a_ref[0, :, :], a_ref[1, :, :]], axis=1)
  hs = jnp.concatenate([hs_ref[0, :, :], hs_ref[1, :, :]], axis=1)
  out_ref[...] = dis_ref[...] * (a + hs) + b_ref[...]


def _rows_spec(width):
  return pl.BlockSpec((ROW_BLK, width), lambda i: (i, 0))


def _full_spec(shape):
  return pl.BlockSpec(shape, lambda i: tuple(0 for _ in shape))


_tc_params = pltpu.CompilerParams(dimension_semantics=("arbitrary",))

_tc_z = pl.pallas_call(
    _tc_z_body,
    grid=(TC_GRID,),
    in_specs=[_rows_spec(DIN), _full_spec((DIN, DOUT))],
    out_specs=_rows_spec(DOUT),
    out_shape=jax.ShapeDtypeStruct((N_PAD, DOUT), jnp.float32),
    compiler_params=_tc_params,
)

def _split_spec():
  return pl.BlockSpec((2, ROW_BLK, DH), lambda i: (0, i, 0))


_tc_scale = pl.pallas_call(
    _tc_scale_body,
    grid=(TC_GRID,),
    in_specs=[_rows_spec(DOUT), _rows_spec(1), _rows_spec(1)],
    out_specs=[_split_spec(), _rows_spec(1)],
    out_shape=[
        jax.ShapeDtypeStruct((2, N_PAD, DH), jnp.float32),
        jax.ShapeDtypeStruct((N_PAD, 1), jnp.float32),
    ],
    compiler_params=_tc_params,
)

_tc_mid = pl.pallas_call(
    _tc_mid_body,
    grid=(TC_GRID,),
    in_specs=[
        _split_spec(),
        _split_spec(),
        _rows_spec(1),
        _full_spec((DOUT, DOUT)),
        _full_spec((1, DOUT)),
    ],
    out_specs=_split_spec(),
    out_shape=jax.ShapeDtypeStruct((2, N_PAD, DH), jnp.float32),
    compiler_params=_tc_params,
)

_tc_last = pl.pallas_call(
    _tc_last_body,
    grid=(TC_GRID,),
    in_specs=[
        _split_spec(),
        _split_spec(),
        _rows_spec(1),
        _full_spec((1, DOUT)),
    ],
    out_specs=_rows_spec(DOUT),
    out_shape=jax.ShapeDtypeStruct((N_PAD, DOUT), jnp.float32),
    compiler_params=_tc_params,
)


@jax.jit
def kernel(x, edge_index, W1, b1, W2, b2):
  pad_e = E_PAD - E
  src = jnp.concatenate([edge_index[0], jnp.full((pad_e,), N, jnp.int32)])
  dst = jnp.concatenate([edge_index[1], jnp.full((pad_e,), N, jnp.int32)])
  x_pad = jnp.pad(x, ((0, N_PAD - N), (0, 0)))

  deg = _sc_degree(dst)
  z1 = _tc_z(x_pad, W1)
  d0 = deg[0].reshape(N_PAD, 1)
  d1 = deg[1].reshape(N_PAD, 1)

  hs1, dis = _tc_scale(z1, d0, d1)

  acc1 = _sc_agg(hs1, src, dst)
  hs2 = _tc_mid(acc1, hs1, dis, W2, b1.reshape(1, DOUT))

  acc2 = _sc_agg(hs2, src, dst)
  out = _tc_last(acc2, hs2, dis, b2.reshape(1, DOUT))
  return out[:N]

# --- scband reference (transcript-rebuilt; emitter-appended) ---
"""Pipeline reference for scband-gcncora-85864986182358 (READ-ONLY COPY).

The authoritative reference and input builder live on the scoring server;
editing this copy changes nothing except your own understanding.
"""

import jax, jax.numpy as jnp
import numpy as np

N = 100000
E = 3200000
DIN = 128
DOUT = 16


def gcn_conv(x, edge_index, W, b):
    # PyG-style GCNConv: transform, add self-loops, symmetric normalization, scatter-add aggregate
    n = x.shape[0]
    h = x @ W
    loop = jnp.arange(n, dtype=edge_index.dtype)
    src = jnp.concatenate([edge_index[0], loop])
    dst = jnp.concatenate([edge_index[1], loop])
    deg = jnp.zeros((n,), dtype=h.dtype).at[dst].add(1.0)
    dis = jnp.where(deg > 0, jax.lax.rsqrt(jnp.maximum(deg, 1e-12)), 0.0)
    norm = dis[src] * dis[dst]
    msg = h[src] * norm[:, None]
    out = jnp.zeros((n, h.shape[1]), dtype=h.dtype).at[dst].add(msg)
    return out + b


def setup_inputs(seed: int = 0):
    key = jax.random.key(seed)
    ks = jax.random.split(key, 6)
    x = jax.random.normal(ks[0], (N, DIN), dtype=jnp.float32)
    # int32 used for portability on default (x64-disabled) jax; values in [0, N)
    edge_index = jax.random.randint(ks[1], (2, E), 0, N, dtype=jnp.int32)
    W1 = jax.random.normal(ks[2], (DIN, DOUT), dtype=jnp.float32) / np.sqrt(DIN)
    b1 = jnp.zeros((DOUT,), dtype=jnp.float32)
    W2 = jax.random.normal(ks[3], (DOUT, DOUT), dtype=jnp.float32) / np.sqrt(DOUT)
    b2 = jnp.zeros((DOUT,), dtype=jnp.float32)
    return {"x": x, "edge_index": edge_index, "W1": W1, "b1": b1, "W2": W2, "b2": b2}


def reference(x, edge_index, W1, b1, W2, b2):
    h = jax.nn.relu(gcn_conv(x, edge_index, W1, b1))
    out = gcn_conv(h, edge_index, W2, b2)
    return out

if __name__ == "__main__":
    import jax
    _d = setup_inputs()
    print(jax.jit(kernel)(*tuple(_d.values())))

</pallas_src>

<mosaic_0001>
#map = affine_map<(d0, d1) -> (0, 0, 0)>
#map1 = affine_map<(d0, d1) -> (0)>
module attributes {stable_mosaic.version = 14 : i64} {
  func.func @_sc_agg(%arg0: i32, %arg1: i32, %arg2: memref<2x100352x8xf32, #tpu.memory_space<hbm>>, %arg3: memref<3276800xi32, #tpu.memory_space<hbm>>, %arg4: memref<3276800xi32, #tpu.memory_space<hbm>>, %arg5: memref<2x100352x8xf32, #tpu.memory_space<hbm>>, %arg6: memref<2x3200xi32, #tpu.memory_space<vmem>>, %arg7: memref<2x3200xi32, #tpu.memory_space<vmem>>, %arg8: memref<2x3200x8xf32, #tpu.memory_space<vmem>>, %arg9: memref<784x8xf32, #tpu.memory_space<vmem>>, %arg10: memref<100352x8xf32, #tpu.memory_space<vmem_shared>>, %arg11: memref<!tpu.dma_semaphore, #tpu.memory_space<semaphore_mem>>, %arg12: memref<!tpu.dma_semaphore, #tpu.memory_space<semaphore_mem>>, %arg13: memref<!tpu.dma_semaphore, #tpu.memory_space<semaphore_mem>>, %arg14: memref<!tpu.dma_semaphore, #tpu.memory_space<semaphore_mem>>) attributes {dimension_semantics = [#tpu.dimension_semantics<core_parallel>, #tpu.dimension_semantics<subcore_parallel>], iteration_bounds = array<i64: 2, 16>, scalar_prefetch = 0 : i64, scratch_operands = 9 : i64, tpu.core_type = #tpu.core_type<sc_vector_subcore>, window_params = [{transform_indices = #map}, {transform_indices = #map1}, {transform_indices = #map1}, {transform_indices = #map}]} {
    %broadcast_in_dim3A = arith.constant 0.000000e+00 : f32
    %broadcast_in_dim3A_0 = vector.broadcast %broadcast_in_dim3A : f32 to vector<2x8xf32>
    %scan3A = arith.constant 0 : i32
    %scan3A_1 = arith.constant 0 : i32
    %scan3A_2 = arith.constant 392 : i32
    %scan3A_3 = arith.addi %scan3A_1, %scan3A_2 : i32
    %scan3A_4 = arith.constant 1 : i32
    %scan3A_5 = scf.for %scan3A_116 = %scan3A_1 to %scan3A_3 step %scan3A_4 iter_args(%scan3A_117 = %scan3A) -> (i32)  : i32 {
      %mul3A_118 = arith.constant 2 : i32
      %mul3A_119 = arith.muli %scan3A_116, %mul3A_118 : i32
      %swap3A = arith.index_cast %mul3A_119 : i32 to index
      %swap3A_120 = arith.constant 0 : index
      %swap3A_121 = tpu.vector_load %arg9[%swap3A, %swap3A_120] {strides = array<i32>} : memref<784x8xf32, #tpu.memory_space<vmem>>, vector<2x8xf32>,
      %swap3A_122 = vector.shape_cast %swap3A_121 : vector<2x8xf32> to vector<2x8xf32>
      %swap3A_123 = vector.shape_cast %broadcast_in_dim3A_0 : vector<2x8xf32> to vector<2x8xf32>
      tpu.vector_store %arg9[%swap3A, %swap3A_120], %swap3A_123 {strides = array<i32>} : memref<784x8xf32, #tpu.memory_space<vmem>>, vector<2x8xf32>,
      %scan3A_124 = arith.constant 0 : i32
      scf.yield %scan3A_124 : i32
    }
    %scan3A_6 = arith.constant 392 : i32
    %mul3A = arith.constant 6272 : i32
    %mul3A_7 = arith.muli %arg1, %mul3A : i32
    %add3A = arith.constant 0 : i32
    %add3A_8 = arith.addi %mul3A_7, %add3A : i32
    "tpu.region"() ({
      %run_scoped3A_116 = tpu.sem_alloc : memref<!tpu.dma_semaphore, #tpu.memory_space<semaphore_mem>>
      %dma_start3A_117 = arith.constant 0 : i32
      %dma_start3A_118 = tpu.memref_slice %arg10[%add3A_8, %dma_start3A_117] : memref<100352x8xf32, #tpu.memory_space<vmem_shared>> -> memref<784x8xf32, #tpu.memory_space<vmem_shared>>
      %dma_start3A_119 = arith.constant 0 : i32
      %dma_start3A_120 = tpu.memref_slice %arg10[%add3A_8, %dma_start3A_119] : memref<100352x8xf32, #tpu.memory_space<vmem_shared>> -> memref<784x8xf32, #tpu.memory_space<vmem_shared>>
      tpu.enqueue_dma source(%arg9 : memref<784x8xf32, #tpu.memory_space<vmem>>) target(%dma_start3A_120 : memref<784x8xf32, #tpu.memory_space<vmem_shared>>) target_semaphore(%run_scoped3A_116 : memref<!tpu.dma_semaphore, #tpu.memory_space<semaphore_mem>>)
      %dma_wait3A_121 = arith.constant 0 : i32
      %dma_wait3A_122 = tpu.memref_slice %arg10[%add3A_8, %dma_wait3A_121] : memref<100352x8xf32, #tpu.memory_space<vmem_shared>> -> memref<784x8xf32, #tpu.memory_space<vmem_shared>>
      %dma_wait3A_123 = arith.constant 0 : i32
      %dma_wait3A_124 = tpu.memref_slice %arg10[%add3A_8, %dma_wait3A_123] : memref<100352x8xf32, #tpu.memory_space<vmem_shared>> -> memref<784x8xf32, #tpu.memory_space<vmem_shared>>
      tpu.wait_dma2 semaphore(%run_scoped3A_116 : memref<!tpu.dma_semaphore, #tpu.memory_space<semaphore_mem>>) src(%arg9 : memref<784x8xf32, #tpu.memory_space<vmem>>) dst(%dma_wait3A_124 : memref<784x8xf32, #tpu.memory_space<vmem_shared>>)
      tpu.yield
    }) : () -> ()
    %mul3A_9 = arith.constant 6272 : i32
    %mul3A_10 = arith.muli %arg1, %mul3A_9 : i32
    %add3A_11 = arith.constant 784 : i32
    %add3A_12 = arith.addi %mul3A_10, %add3A_11 : i32
    "tpu.region"() ({
      %run_scoped3A_116 = tpu.sem_alloc : memref<!tpu.dma_semaphore, #tpu.memory_space<semaphore_mem>>
      %dma_start3A_117 = arith.constant 0 : i32
      %dma_start3A_118 = tpu.memref_slice %arg10[%add3A_12, %dma_start3A_117] : memref<100352x8xf32, #tpu.memory_space<vmem_shared>> -> memref<784x8xf32, #tpu.memory_space<vmem_shared>>
      %dma_start3A_119 = arith.constant 0 : i32
      %dma_start3A_120 = tpu.memref_slice %arg10[%add3A_12, %dma_start3A_119] : memref<100352x8xf32, #tpu.memory_space<vmem_shared>> -> memref<784x8xf32, #tpu.memory_space<vmem_shared>>
      tpu.enqueue_dma source(%arg9 : memref<784x8xf32, #tpu.memory_space<vmem>>) target(%dma_start3A_120 : memref<784x8xf32, #tpu.memory_space<vmem_shared>>) target_semaphore(%run_scoped3A_116 : memref<!tpu.dma_semaphore, #tpu.memory_space<semaphore_mem>>)
      %dma_wait3A_121 = arith.constant 0 : i32
      %dma_wait3A_122 = tpu.memref_slice %arg10[%add3A_12, %dma_wait3A_121] : memref<100352x8xf32, #tpu.memory_space<vmem_shared>> -> memref<784x8xf32, #tpu.memory_space<vmem_shared>>
      %dma_wait3A_123 = arith.constant 0 : i32
      %dma_wait3A_124 = tpu.memref_slice %arg10[%add3A_12, %dma_wait3A_123] : memref<100352x8xf32, #tpu.memory_space<vmem_shared>> -> memref<784x8xf32, #tpu.memory_space<vmem_shared>>
      tpu.wait_dma2 semaphore(%run_scoped3A_116 : memref<!tpu.dma_semaphore, #tpu.memory_space<semaphore_mem>>) src(%arg9 : memref<784x8xf32, #tpu.memory_space<vmem>>) dst(%dma_wait3A_124 : memref<784x8xf32, #tpu.memory_space<vmem_shared>>)
      tpu.yield
    }) : () -> ()
    %mul3A_13 = arith.constant 6272 : i32
    %mul3A_14 = arith.muli %arg1, %mul3A_13 : i32
    %add3A_15 = arith.constant 1568 : i32
    %add3A_16 = arith.addi %mul3A_14, %add3A_15 : i32
    "tpu.region"() ({
      %run_scoped3A_116 = tpu.sem_alloc : memref<!tpu.dma_semaphore, #tpu.memory_space<semaphore_mem>>
      %dma_start3A_117 = arith.constant 0 : i32
      %dma_start3A_118 = tpu.memref_slice %arg10[%add3A_16, %dma_start3A_117] : memref<100352x8xf32, #tpu.memory_space<vmem_shared>> -> memref<784x8xf32, #tpu.memory_space<vmem_shared>>
      %dma_start3A_119 = arith.constant 0 : i32
      %dma_start3A_120 = tpu.memref_slice %arg10[%add3A_16, %dma_start3A_119] : memref<100352x8xf32, #tpu.memory_space<vmem_shared>> -> memref<784x8xf32, #tpu.memory_space<vmem_shared>>
      tpu.enqueue_dma source(%arg9 : memref<784x8xf32, #tpu.memory_space<vmem>>) target(%dma_start3A_120 : memref<784x8xf32, #tpu.memory_space<vmem_shared>>) target_semaphore(%run_scoped3A_116 : memref<!tpu.dma_semaphore, #tpu.memory_space<semaphore_mem>>)
      %dma_wait3A_121 = arith.constant 0 : i32
      %dma_wait3A_122 = tpu.memref_slice %arg10[%add3A_16, %dma_wait3A_121] : memref<100352x8xf32, #tpu.memory_space<vmem_shared>> -> memref<784x8xf32, #tpu.memory_space<vmem_shared>>
      %dma_wait3A_123 = arith.constant 0 : i32
      %dma_wait3A_124 = tpu.memref_slice %arg10[%add3A_16, %dma_wait3A_123] : memref<100352x8xf32, #tpu.memory_space<vmem_shared>> -> memref<784x8xf32, #tpu.memory_space<vmem_shared>>
      tpu.wait_dma2 semaphore(%run_scoped3A_116 : memref<!tpu.dma_semaphore, #tpu.memory_space<semaphore_mem>>) src(%arg9 : memref<784x8xf32, #tpu.memory_space<vmem>>) dst(%dma_wait3A_124 : memref<784x8xf32, #tpu.memory_space<vmem_shared>>)
      tpu.yield
    }) : () -> ()
    %mul3A_17 = arith.constant 6272 : i32
    %mul3A_18 = arith.muli %arg1, %mul3A_17 : i32
    %add3A_19 = arith.constant 2352 : i32
    %add3A_20 = arith.addi %mul3A_18, %add3A_19 : i32
    "tpu.region"() ({
      %run_scoped3A_116 = tpu.sem_alloc : memref<!tpu.dma_semaphore, #tpu.memory_space<semaphore_mem>>
      %dma_start3A_117 = arith.constant 0 : i32
      %dma_start3A_118 = tpu.memref_slice %arg10[%add3A_20, %dma_start3A_117] : memref<100352x8xf32, #tpu.memory_space<vmem_shared>> -> memref<784x8xf32, #tpu.memory_space<vmem_shared>>
      %dma_start3A_119 = arith.constant 0 : i32
      %dma_start3A_120 = tpu.memref_slice %arg10[%add3A_20, %dma_start3A_119] : memref<100352x8xf32, #tpu.memory_space<vmem_shared>> -> memref<784x8xf32, #tpu.memory_space<vmem_shared>>
      tpu.enqueue_dma source(%arg9 : memref<784x8xf32, #tpu.memory_space<vmem>>) target(%dma_start3A_120 : memref<784x8xf32, #tpu.memory_space<vmem_shared>>) target_semaphore(%run_scoped3A_116 : memref<!tpu.dma_semaphore, #tpu.memory_space<semaphore_mem>>)
      %dma_wait3A_121 = arith.constant 0 : i32
      %dma_wait3A_122 = tpu.memref_slice %arg10[%add3A_20, %dma_wait3A_121] : memref<100352x8xf32, #tpu.memory_space<vmem_shared>> -> memref<784x8xf32, #tpu.memory_space<vmem_shared>>
      %dma_wait3A_123 = arith.constant 0 : i32
      %dma_wait3A_124 = tpu.memref_slice %arg10[%add3A_20, %dma_wait3A_123] : memref<100352x8xf32, #tpu.memory_space<vmem_shared>> -> memref<784x8xf32, #tpu.memory_space<vmem_shared>>
      tpu.wait_dma2 semaphore(%run_scoped3A_116 : memref<!tpu.dma_semaphore, #tpu.memory_space<semaphore_mem>>) src(%arg9 : memref<784x8xf32, #tpu.memory_space<vmem>>) dst(%dma_wait3A_124 : memref<784x8xf32, #tpu.memory_space<vmem_shared>>)
      tpu.yield
    }) : () -> ()
    %mul3A_21 = arith.constant 6272 : i32
    %mul3A_22 = arith.muli %arg1, %mul3A_21 : i32
    %add3A_23 = arith.constant 3136 : i32
    %add3A_24 = arith.addi %mul3A_22, %add3A_23 : i32
    "tpu.region"() ({
      %run_scoped3A_116 = tpu.sem_alloc : memref<!tpu.dma_semaphore, #tpu.memory_space<semaphore_mem>>
      %dma_start3A_117 = arith.constant 0 : i32
      %dma_start3A_118 = tpu.memref_slice %arg10[%add3A_24, %dma_start3A_117] : memref<100352x8xf32, #tpu.memory_space<vmem_shared>> -> memref<784x8xf32, #tpu.memory_space<vmem_shared>>
      %dma_start3A_119 = arith.constant 0 : i32
      %dma_start3A_120 = tpu.memref_slice %arg10[%add3A_24, %dma_start3A_119] : memref<100352x8xf32, #tpu.memory_space<vmem_shared>> -> memref<784x8xf32, #tpu.memory_space<vmem_shared>>
      tpu.enqueue_dma source(%arg9 : memref<784x8xf32, #tpu.memory_space<vmem>>) target(%dma_start3A_120 : memref<784x8xf32, #tpu.memory_space<vmem_shared>>) target_semaphore(%run_scoped3A_116 : memref<!tpu.dma_semaphore, #tpu.memory_space<semaphore_mem>>)
      %dma_wait3A_121 = arith.constant 0 : i32
      %dma_wait3A_122 = tpu.memref_slice %arg10[%add3A_24, %dma_wait3A_121] : memref<100352x8xf32, #tpu.memory_space<vmem_shared>> -> memref<784x8xf32, #tpu.memory_space<vmem_shared>>
      %dma_wait3A_123 = arith.constant 0 : i32
      %dma_wait3A_124 = tpu.memref_slice %arg10[%add3A_24, %dma_wait3A_123] : memref<100352x8xf32, #tpu.memory_space<vmem_shared>> -> memref<784x8xf32, #tpu.memory_space<vmem_shared>>
      tpu.wait_dma2 semaphore(%run_scoped3A_116 : memref<!tpu.dma_semaphore, #tpu.memory_space<semaphore_mem>>) src(%arg9 : memref<784x8xf32, #tpu.memory_space<vmem>>) dst(%dma_wait3A_124 : memref<784x8xf32, #tpu.memory_space<vmem_shared>>)
      tpu.yield
    }) : () -> ()
    %mul3A_25 = arith.constant 6272 : i32
    %mul3A_26 = arith.muli %arg1, %mul3A_25 : i32
    %add3A_27 = arith.constant 3920 : i32
    %add3A_28 = arith.addi %mul3A_26, %add3A_27 : i32
    "tpu.region"() ({
      %run_scoped3A_116 = tpu.sem_alloc : memref<!tpu.dma_semaphore, #tpu.memory_space<semaphore_mem>>
      %dma_start3A_117 = arith.constant 0 : i32
      %dma_start3A_118 = tpu.memref_slice %arg10[%add3A_28, %dma_start3A_117] : memref<100352x8xf32, #tpu.memory_space<vmem_shared>> -> memref<784x8xf32, #tpu.memory_space<vmem_shared>>
      %dma_start3A_119 = arith.constant 0 : i32
      %dma_start3A_120 = tpu.memref_slice %arg10[%add3A_28, %dma_start3A_119] : memref<100352x8xf32, #tpu.memory_space<vmem_shared>> -> memref<784x8xf32, #tpu.memory_space<vmem_shared>>
      tpu.enqueue_dma source(%arg9 : memref<784x8xf32, #tpu.memory_space<vmem>>) target(%dma_start3A_120 : memref<784x8xf32, #tpu.memory_space<vmem_shared>>) target_semaphore(%run_scoped3A_116 : memref<!tpu.dma_semaphore, #tpu.memory_space<semaphore_mem>>)
      %dma_wait3A_121 = arith.constant 0 : i32
      %dma_wait3A_122 = tpu.memref_slice %arg10[%add3A_28, %dma_wait3A_121] : memref<100352x8xf32, #tpu.memory_space<vmem_shared>> -> memref<784x8xf32, #tpu.memory_space<vmem_shared>>
      %dma_wait3A_123 = arith.constant 0 : i32
      %dma_wait3A_124 = tpu.memref_slice %arg10[%add3A_28, %dma_wait3A_123] : memref<100352x8xf32, #tpu.memory_space<vmem_shared>> -> memref<784x8xf32, #tpu.memory_space<vmem_shared>>
      tpu.wait_dma2 semaphore(%run_scoped3A_116 : memref<!tpu.dma_semaphore, #tpu.memory_space<semaphore_mem>>) src(%arg9 : memref<784x8xf32, #tpu.memory_space<vmem>>) dst(%dma_wait3A_124 : memref<784x8xf32, #tpu.memory_space<vmem_shared>>)
      tpu.yield
    }) : () -> ()
    %mul3A_29 = arith.constant 6272 : i32
    %mul3A_30 = arith.muli %arg1, %mul3A_29 : i32
    %add3A_31 = arith.constant 4704 : i32
    %add3A_32 = arith.addi %mul3A_30, %add3A_31 : i32
    "tpu.region"() ({
      %run_scoped3A_116 = tpu.sem_alloc : memref<!tpu.dma_semaphore, #tpu.memory_space<semaphore_mem>>
      %dma_start3A_117 = arith.constant 0 : i32
      %dma_start3A_118 = tpu.memref_slice %arg10[%add3A_32, %dma_start3A_117] : memref<100352x8xf32, #tpu.memory_space<vmem_shared>> -> memref<784x8xf32, #tpu.memory_space<vmem_shared>>
      %dma_start3A_119 = arith.constant 0 : i32
      %dma_start3A_120 = tpu.memref_slice %arg10[%add3A_32, %dma_start3A_119] : memref<100352x8xf32, #tpu.memory_space<vmem_shared>> -> memref<784x8xf32, #tpu.memory_space<vmem_shared>>
      tpu.enqueue_dma source(%arg9 : memref<784x8xf32, #tpu.memory_space<vmem>>) target(%dma_start3A_120 : memref<784x8xf32, #tpu.memory_space<vmem_shared>>) target_semaphore(%run_scoped3A_116 : memref<!tpu.dma_semaphore, #tpu.memory_space<semaphore_mem>>)
      %dma_wait3A_121 = arith.constant 0 : i32
      %dma_wait3A_122 = tpu.memref_slice %arg10[%add3A_32, %dma_wait3A_121] : memref<100352x8xf32, #tpu.memory_space<vmem_shared>> -> memref<784x8xf32, #tpu.memory_space<vmem_shared>>
      %dma_wait3A_123 = arith.constant 0 : i32
      %dma_wait3A_124 = tpu.memref_slice %arg10[%add3A_32, %dma_wait3A_123] : memref<100352x8xf32, #tpu.memory_space<vmem_shared>> -> memref<784x8xf32, #tpu.memory_space<vmem_shared>>
      tpu.wait_dma2 semaphore(%run_scoped3A_116 : memref<!tpu.dma_semaphore, #tpu.memory_space<semaphore_mem>>) src(%arg9 : memref<784x8xf32, #tpu.memory_space<vmem>>) dst(%dma_wait3A_124 : memref<784x8xf32, #tpu.memory_space<vmem_shared>>)
      tpu.yield
    }) : () -> ()
    %mul3A_33 = arith.constant 6272 : i32
    %mul3A_34 = arith.muli %arg1, %mul3A_33 : i32
    %add3A_35 = arith.constant 5488 : i32
    %add3A_36 = arith.addi %mul3A_34, %add3A_35 : i32
    "tpu.region"() ({
      %run_scoped3A_116 = tpu.sem_alloc : memref<!tpu.dma_semaphore, #tpu.memory_space<semaphore_mem>>
      %dma_start3A_117 = arith.constant 0 : i32
      %dma_start3A_118 = tpu.memref_slice %arg10[%add3A_36, %dma_start3A_117] : memref<100352x8xf32, #tpu.memory_space<vmem_shared>> -> memref<784x8xf32, #tpu.memory_space<vmem_shared>>
      %dma_start3A_119 = arith.constant 0 : i32
      %dma_start3A_120 = tpu.memref_slice %arg10[%add3A_36, %dma_start3A_119] : memref<100352x8xf32, #tpu.memory_space<vmem_shared>> -> memref<784x8xf32, #tpu.memory_space<vmem_shared>>
      tpu.enqueue_dma source(%arg9 : memref<784x8xf32, #tpu.memory_space<vmem>>) target(%dma_start3A_120 : memref<784x8xf32, #tpu.memory_space<vmem_shared>>) target_semaphore(%run_scoped3A_116 : memref<!tpu.dma_semaphore, #tpu.memory_space<semaphore_mem>>)
      %dma_wait3A_121 = arith.constant 0 : i32
      %dma_wait3A_122 = tpu.memref_slice %arg10[%add3A_36, %dma_wait3A_121] : memref<100352x8xf32, #tpu.memory_space<vmem_shared>> -> memref<784x8xf32, #tpu.memory_space<vmem_shared>>
      %dma_wait3A_123 = arith.constant 0 : i32
      %dma_wait3A_124 = tpu.memref_slice %arg10[%add3A_36, %dma_wait3A_123] : memref<100352x8xf32, #tpu.memory_space<vmem_shared>> -> memref<784x8xf32, #tpu.memory_space<vmem_shared>>
      tpu.wait_dma2 semaphore(%run_scoped3A_116 : memref<!tpu.dma_semaphore, #tpu.memory_space<semaphore_mem>>) src(%arg9 : memref<784x8xf32, #tpu.memory_space<vmem>>) dst(%dma_wait3A_124 : memref<784x8xf32, #tpu.memory_space<vmem_shared>>)
      tpu.yield
    }) : () -> ()
    %barrier3A = arith.constant 0 : index
    tpu.barrier barrier_id(%barrier3A)
    %mul3A_37 = arith.constant 204800 : i32
    %mul3A_38 = arith.muli %arg1, %mul3A_37 : i32
    %add3A_39 = arith.constant 0 : i32
    %add3A_40 = arith.addi %mul3A_38, %add3A_39 : i32
    %run_scoped3A = arith.constant 0 : i32
    "tpu.region"() ({
      %run_scoped3A_116 = tpu.sem_alloc : memref<!tpu.dma_semaphore, #tpu.memory_space<semaphore_mem>>
      %dma_start3A_117 = arith.constant 0 : i32
      %dma_start3A_118 = tpu.memref_slice %arg6[%run_scoped3A, %dma_start3A_117] : memref<2x3200xi32, #tpu.memory_space<vmem>> -> memref<1x3200xi32, #tpu.memory_space<vmem>>
      %dma_start3A_119 = tpu.memref_squeeze %dma_start3A_118 : memref<1x3200xi32, #tpu.memory_space<vmem>> -> memref<3200xi32, #tpu.memory_space<vmem>>
      %dma_start3A_120 = tpu.memref_slice %arg3[%add3A_40] : memref<3276800xi32, #tpu.memory_space<hbm>> -> memref<3200xi32, #tpu.memory_space<hbm>>
      %dma_start3A_121 = arith.constant 0 : i32
      %dma_start3A_122 = tpu.memref_slice %arg6[%run_scoped3A, %dma_start3A_121] : memref<2x3200xi32, #tpu.memory_space<vmem>> -> memref<1x3200xi32, #tpu.memory_space<vmem>>
      %dma_start3A_123 = tpu.memref_squeeze %dma_start3A_122 : memref<1x3200xi32, #tpu.memory_space<vmem>> -> memref<3200xi32, #tpu.memory_space<vmem>>
      %dma_start3A_124 = tpu.memref_slice %arg3[%add3A_40] : memref<3276800xi32, #tpu.memory_space<hbm>> -> memref<3200xi32, #tpu.memory_space<hbm>>
      tpu.enqueue_dma source(%dma_start3A_124 : memref<3200xi32, #tpu.memory_space<hbm>>) target(%dma_start3A_123 : memref<3200xi32, #tpu.memory_space<vmem>>) target_semaphore(%run_scoped3A_116 : memref<!tpu.dma_semaphore, #tpu.memory_space<semaphore_mem>>)
      %dma_wait3A_125 = arith.constant 0 : i32
      %dma_wait3A_126 = tpu.memref_slice %arg6[%run_scoped3A, %dma_wait3A_125] : memref<2x3200xi32, #tpu.memory_space<vmem>> -> memref<1x3200xi32, #tpu.memory_space<vmem>>
      %dma_wait3A_127 = tpu.memref_squeeze %dma_wait3A_126 : memref<1x3200xi32, #tpu.memory_space<vmem>> -> memref<3200xi32, #tpu.memory_space<vmem>>
      %dma_wait3A_128 = tpu.memref_slice %arg3[%add3A_40] : memref<3276800xi32, #tpu.memory_space<hbm>> -> memref<3200xi32, #tpu.memory_space<hbm>>
      %dma_wait3A_129 = arith.constant 0 : i32
      %dma_wait3A_130 = tpu.memref_slice %arg6[%run_scoped3A, %dma_wait3A_129] : memref<2x3200xi32, #tpu.memory_space<vmem>> -> memref<1x3200xi32, #tpu.memory_space<vmem>>
      %dma_wait3A_131 = tpu.memref_squeeze %dma_wait3A_130 : memref<1x3200xi32, #tpu.memory_space<vmem>> -> memref<3200xi32, #tpu.memory_space<vmem>>
      %dma_wait3A_132 = tpu.memref_slice %arg3[%add3A_40] : memref<3276800xi32, #tpu.memory_space<hbm>> -> memref<3200xi32, #tpu.memory_space<hbm>>
      tpu.wait_dma2 semaphore(%run_scoped3A_116 : memref<!tpu.dma_semaphore, #tpu.memory_space<semaphore_mem>>) src(%dma_wait3A_132 : memref<3200xi32, #tpu.memory_space<hbm>>) dst(%dma_wait3A_131 : memref<3200xi32, #tpu.memory_space<vmem>>)
      tpu.yield
    }) : () -> ()
    %add3A_41 = arith.constant 0 : i32
    %add3A_42 = arith.addi %mul3A_38, %add3A_41 : i32
    %run_scoped3A_43 = arith.constant 0 : i32
    "tpu.region"() ({
      %run_scoped3A_116 = tpu.sem_alloc : memref<!tpu.dma_semaphore, #tpu.memory_space<semaphore_mem>>
      %dma_start3A_117 = arith.constant 0 : i32
      %dma_start3A_118 = tpu.memref_slice %arg7[%run_scoped3A_43, %dma_start3A_117] : memref<2x3200xi32, #tpu.memory_space<vmem>> -> memref<1x3200xi32, #tpu.memory_space<vmem>>
      %dma_start3A_119 = tpu.memref_squeeze %dma_start3A_118 : memref<1x3200xi32, #tpu.memory_space<vmem>> -> memref<3200xi32, #tpu.memory_space<vmem>>
      %dma_start3A_120 = tpu.memref_slice %arg4[%add3A_42] : memref<3276800xi32, #tpu.memory_space<hbm>> -> memref<3200xi32, #tpu.memory_space<hbm>>
      %dma_start3A_121 = arith.constant 0 : i32
      %dma_start3A_122 = tpu.memref_slice %arg7[%run_scoped3A_43, %dma_start3A_121] : memref<2x3200xi32, #tpu.memory_space<vmem>> -> memref<1x3200xi32, #tpu.memory_space<vmem>>
      %dma_start3A_123 = tpu.memref_squeeze %dma_start3A_122 : memref<1x3200xi32, #tpu.memory_space<vmem>> -> memref<3200xi32, #tpu.memory_space<vmem>>
      %dma_start3A_124 = tpu.memref_slice %arg4[%add3A_42] : memref<3276800xi32, #tpu.memory_space<hbm>> -> memref<3200xi32, #tpu.memory_space<hbm>>
      tpu.enqueue_dma source(%dma_start3A_124 : memref<3200xi32, #tpu.memory_space<hbm>>) target(%dma_start3A_123 : memref<3200xi32, #tpu.memory_space<vmem>>) target_semaphore(%run_scoped3A_116 : memref<!tpu.dma_semaphore, #tpu.memory_space<semaphore_mem>>)
      %dma_wait3A_125 = arith.constant 0 : i32
      %dma_wait3A_126 = tpu.memref_slice %arg7[%run_scoped3A_43, %dma_wait3A_125] : memref<2x3200xi32, #tpu.memory_space<vmem>> -> memref<1x3200xi32, #tpu.memory_space<vmem>>
      %dma_wait3A_127 = tpu.memref_squeeze %dma_wait3A_126 : memref<1x3200xi32, #tpu.memory_space<vmem>> -> memref<3200xi32, #tpu.memory_space<vmem>>
      %dma_wait3A_128 = tpu.memref_slice %arg4[%add3A_42] : memref<3276800xi32, #tpu.memory_space<hbm>> -> memref<3200xi32, #tpu.memory_space<hbm>>
      %dma_wait3A_129 = arith.constant 0 : i32
      %dma_wait3A_130 = tpu.memref_slice %arg7[%run_scoped3A_43, %dma_wait3A_129] : memref<2x3200xi32, #tpu.memory_space<vmem>> -> memref<1x3200xi32, #tpu.memory_space<vmem>>
      %dma_wait3A_131 = tpu.memref_squeeze %dma_wait3A_130 : memref<1x3200xi32, #tpu.memory_space<vmem>> -> memref<3200xi32, #tpu.memory_space<vmem>>
      %dma_wait3A_132 = tpu.memref_slice %arg4[%add3A_42] : memref<3276800xi32, #tpu.memory_space<hbm>> -> memref<3200xi32, #tpu.memory_space<hbm>>
      tpu.wait_dma2 semaphore(%run_scoped3A_116 : memref<!tpu.dma_semaphore, #tpu.memory_space<semaphore_mem>>) src(%dma_wait3A_132 : memref<3200xi32, #tpu.memory_space<hbm>>) dst(%dma_wait3A_131 : memref<3200xi32, #tpu.memory_space<vmem>>)
      tpu.yield
    }) : () -> ()
    %dma_start3A = arith.constant 0 : i32
    %dma_start3A_44 = arith.constant 0 : i32
    %dma_start3A_45 = arith.constant 0 : i32
    %dma_start3A_46 = arith.constant 0 : i32
    %dma_start3A_47 = tpu.memref_slice %arg8[%dma_start3A_44, %dma_start3A_45, %dma_start3A_46] : memref<2x3200x8xf32, #tpu.memory_space<vmem>> -> memref<1x3200x8xf32, #tpu.memory_space<vmem>>
    %dma_start3A_48 = tpu.memref_squeeze %dma_start3A_47 : memref<1x3200x8xf32, #tpu.memory_space<vmem>> -> memref<3200x8xf32, #tpu.memory_space<vmem>>
    %dma_start3A_49 = arith.constant 0 : i32
    %dma_start3A_50 = tpu.memref_slice %arg6[%dma_start3A, %dma_start3A_49] : memref<2x3200xi32, #tpu.memory_space<vmem>> -> memref<1x3200xi32, #tpu.memory_space<vmem>>
    %dma_start3A_51 = tpu.memref_squeeze %dma_start3A_50 : memref<1x3200xi32, #tpu.memory_space<vmem>> -> memref<3200xi32, #tpu.memory_space<vmem>>
    %dma_start3A_52 = arith.constant 0 : i32
    %dma_start3A_53 = arith.constant 0 : i32
    %dma_start3A_54 = tpu.memref_slice %arg2[%arg0, %dma_start3A_52, %dma_start3A_53] : memref<2x100352x8xf32, #tpu.memory_space<hbm>> -> memref<1x100352x8xf32, #tpu.memory_space<hbm>>
    %dma_start3A_55 = tpu.memref_squeeze %dma_start3A_54 : memref<1x100352x8xf32, #tpu.memory_space<hbm>> -> memref<100352x8xf32, #tpu.memory_space<hbm>>
    %dma_start3A_56 = arith.constant 0 : i32
    %dma_start3A_57 = arith.constant 0 : i32
    %dma_start3A_58 = tpu.memref_slice %dma_start3A_55[%dma_start3A_56, %dma_start3A_57] : memref<100352x8xf32, #tpu.memory_space<hbm>> -> memref<100352x8xf32, #tpu.memory_space<hbm>>
    tpu.enqueue_indirect_dma source(%dma_start3A_58 : memref<100352x8xf32, #tpu.memory_space<hbm>>) target(%dma_start3A_48 : memref<3200x8xf32, #tpu.memory_space<vmem>>) offsets(%dma_start3A_51 : memref<3200xi32, #tpu.memory_space<vmem>>) semaphore(%arg11 : memref<!tpu.dma_semaphore, #tpu.memory_space<semaphore_mem>>)
    %add3A_59 = arith.constant 3200 : i32
    %add3A_60 = arith.addi %mul3A_38, %add3A_59 : i32
    %run_scoped3A_61 = arith.constant 1 : i32
    "tpu.region"() ({
      %run_scoped3A_116 = tpu.sem_alloc : memref<!tpu.dma_semaphore, #tpu.memory_space<semaphore_mem>>
      %dma_start3A_117 = arith.constant 0 : i32
      %dma_start3A_118 = tpu.memref_slice %arg6[%run_scoped3A_61, %dma_start3A_117] : memref<2x3200xi32, #tpu.memory_space<vmem>> -> memref<1x3200xi32, #tpu.memory_space<vmem>>
      %dma_start3A_119 = tpu.memref_squeeze %dma_start3A_118 : memref<1x3200xi32, #tpu.memory_space<vmem>> -> memref<3200xi32, #tpu.memory_space<vmem>>
      %dma_start3A_120 = tpu.memref_slice %arg3[%add3A_60] : memref<3276800xi32, #tpu.memory_space<hbm>> -> memref<3200xi32, #tpu.memory_space<hbm>>
      %dma_start3A_121 = arith.constant 0 : i32
      %dma_start3A_122 = tpu.memref_slice %arg6[%run_scoped3A_61, %dma_start3A_121] : memref<2x3200xi32, #tpu.memory_space<vmem>> -> memref<1x3200xi32, #tpu.memory_space<vmem>>
      %dma_start3A_123 = tpu.memref_squeeze %dma_start3A_122 : memref<1x3200xi32, #tpu.memory_space<vmem>> -> memref<3200xi32, #tpu.memory_space<vmem>>
      %dma_start3A_124 = tpu.memref_slice %arg3[%add3A_60] : memref<3276800xi32, #tpu.memory_space<hbm>> -> memref<3200xi32, #tpu.memory_space<hbm>>
      tpu.enqueue_dma source(%dma_start3A_124 : memref<3200xi32, #tpu.memory_space<hbm>>) target(%dma_start3A_123 : memref<3200xi32, #tpu.memory_space<vmem>>) target_semaphore(%run_scoped3A_116 : memref<!tpu.dma_semaphore, #tpu.memory_space<semaphore_mem>>)
      %dma_wait3A_125 = arith.constant 0 : i32
      %dma_wait3A_126 = tpu.memref_slice %arg6[%run_scoped3A_61, %dma_wait3A_125] : memref<2x3200xi32, #tpu.memory_space<vmem>> -> memref<1x3200xi32, #tpu.memory_space<vmem>>
      %dma_wait3A_127 = tpu.memref_squeeze %dma_wait3A_126 : memref<1x3200xi32, #tpu.memory_space<vmem>> -> memref<3200xi32, #tpu.memory_space<vmem>>
      %dma_wait3A_128 = tpu.memref_slice %arg3[%add3A_60] : memref<3276800xi32, #tpu.memory_space<hbm>> -> memref<3200xi32, #tpu.memory_space<hbm>>
      %dma_wait3A_129 = arith.constant 0 : i32
      %dma_wait3A_130 = tpu.memref_slice %arg6[%run_scoped3A_61, %dma_wait3A_129] : memref<2x3200xi32, #tpu.memory_space<vmem>> -> memref<1x3200xi32, #tpu.memory_space<vmem>>
      %dma_wait3A_131 = tpu.memref_squeeze %dma_wait3A_130 : memref<1x3200xi32, #tpu.memory_space<vmem>> -> memref<3200xi32, #tpu.memory_space<vmem>>
      %dma_wait3A_132 = tpu.memref_slice %arg3[%add3A_60] : memref<3276800xi32, #tpu.memory_space<hbm>> -> memref<3200xi32, #tpu.memory_space<hbm>>
      tpu.wait_dma2 semaphore(%run_scoped3A_116 : memref<!tpu.dma_semaphore, #tpu.memory_space<semaphore_mem>>) src(%dma_wait3A_132 : memref<3200xi32, #tpu.memory_space<hbm>>) dst(%dma_wait3A_131 : memref<3200xi32, #tpu.memory_space<vmem>>)
      tpu.yield
    }) : () -> ()
    %add3A_62 = arith.constant 3200 : i32
    %add3A_63 = arith.addi %mul3A_38, %add3A_62 : i32
    %run_scoped3A_64 = arith.constant 1 : i32
    "tpu.region"() ({
      %run_scoped3A_116 = tpu.sem_alloc : memref<!tpu.dma_semaphore, #tpu.memory_space<semaphore_mem>>
      %dma_start3A_117 = arith.constant 0 : i32
      %dma_start3A_118 = tpu.memref_slice %arg7[%run_scoped3A_64, %dma_start3A_117] : memref<2x3200xi32, #tpu.memory_space<vmem>> -> memref<1x3200xi32, #tpu.memory_space<vmem>>
      %dma_start3A_119 = tpu.memref_squeeze %dma_start3A_118 : memref<1x3200xi32, #tpu.memory_space<vmem>> -> memref<3200xi32, #tpu.memory_space<vmem>>
      %dma_start3A_120 = tpu.memref_slice %arg4[%add3A_63] : memref<3276800xi32, #tpu.memory_space<hbm>> -> memref<3200xi32, #tpu.memory_space<hbm>>
      %dma_start3A_121 = arith.constant 0 : i32
      %dma_start3A_122 = tpu.memref_slice %arg7[%run_scoped3A_64, %dma_start3A_121] : memref<2x3200xi32, #tpu.memory_space<vmem>> -> memref<1x3200xi32, #tpu.memory_space<vmem>>
      %dma_start3A_123 = tpu.memref_squeeze %dma_start3A_122 : memref<1x3200xi32, #tpu.memory_space<vmem>> -> memref<3200xi32, #tpu.memory_space<vmem>>
      %dma_start3A_124 = tpu.memref_slice %arg4[%add3A_63] : memref<3276800xi32, #tpu.memory_space<hbm>> -> memref<3200xi32, #tpu.memory_space<hbm>>
      tpu.enqueue_dma source(%dma_start3A_124 : memref<3200xi32, #tpu.memory_space<hbm>>) target(%dma_start3A_123 : memref<3200xi32, #tpu.memory_space<vmem>>) target_semaphore(%run_scoped3A_116 : memref<!tpu.dma_semaphore, #tpu.memory_space<semaphore_mem>>)
      %dma_wait3A_125 = arith.constant 0 : i32
      %dma_wait3A_126 = tpu.memref_slice %arg7[%run_scoped3A_64, %dma_wait3A_125] : memref<2x3200xi32, #tpu.memory_space<vmem>> -> memref<1x3200xi32, #tpu.memory_space<vmem>>
      %dma_wait3A_127 = tpu.memref_squeeze %dma_wait3A_126 : memref<1x3200xi32, #tpu.memory_space<vmem>> -> memref<3200xi32, #tpu.memory_space<vmem>>
      %dma_wait3A_128 = tpu.memref_slice %arg4[%add3A_63] : memref<3276800xi32, #tpu.memory_space<hbm>> -> memref<3200xi32, #tpu.memory_space<hbm>>
      %dma_wait3A_129 = arith.constant 0 : i32
      %dma_wait3A_130 = tpu.memref_slice %arg7[%run_scoped3A_64, %dma_wait3A_129] : memref<2x3200xi32, #tpu.memory_space<vmem>> -> memref<1x3200xi32, #tpu.memory_space<vmem>>
      %dma_wait3A_131 = tpu.memref_squeeze %dma_wait3A_130 : memref<1x3200xi32, #tpu.memory_space<vmem>> -> memref<3200xi32, #tpu.memory_space<vmem>>
      %dma_wait3A_132 = tpu.memref_slice %arg4[%add3A_63] : memref<3276800xi32, #tpu.memory_space<hbm>> -> memref<3200xi32, #tpu.memory_space<hbm>>
      tpu.wait_dma2 semaphore(%run_scoped3A_116 : memref<!tpu.dma_semaphore, #tpu.memory_space<semaphore_mem>>) src(%dma_wait3A_132 : memref<3200xi32, #tpu.memory_space<hbm>>) dst(%dma_wait3A_131 : memref<3200xi32, #tpu.memory_space<vmem>>)
      tpu.yield
    }) : () -> ()
    %dma_start3A_65 = arith.constant 1 : i32
    %dma_start3A_66 = arith.constant 1 : i32
    %dma_start3A_67 = arith.constant 0 : i32
    %dma_start3A_68 = arith.constant 0 : i32
    %dma_start3A_69 = tpu.memref_slice %arg8[%dma_start3A_66, %dma_start3A_67, %dma_start3A_68] : memref<2x3200x8xf32, #tpu.memory_space<vmem>> -> memref<1x3200x8xf32, #tpu.memory_space<vmem>>
    %dma_start3A_70 = tpu.memref_squeeze %dma_start3A_69 : memref<1x3200x8xf32, #tpu.memory_space<vmem>> -> memref<3200x8xf32, #tpu.memory_space<vmem>>
    %dma_start3A_71 = arith.constant 0 : i32
    %dma_start3A_72 = tpu.memref_slice %arg6[%dma_start3A_65, %dma_start3A_71] : memref<2x3200xi32, #tpu.memory_space<vmem>> -> memref<1x3200xi32, #tpu.memory_space<vmem>>
    %dma_start3A_73 = tpu.memref_squeeze %dma_start3A_72 : memref<1x3200xi32, #tpu.memory_space<vmem>> -> memref<3200xi32, #tpu.memory_space<vmem>>
    %dma_start3A_74 = arith.constant 0 : i32
    %dma_start3A_75 = arith.constant 0 : i32
    %dma_start3A_76 = tpu.memref_slice %arg2[%arg0, %dma_start3A_74, %dma_start3A_75] : memref<2x100352x8xf32, #tpu.memory_space<hbm>> -> memref<1x100352x8xf32, #tpu.memory_space<hbm>>
    %dma_start3A_77 = tpu.memref_squeeze %dma_start3A_76 : memref<1x100352x8xf32, #tpu.memory_space<hbm>> -> memref<100352x8xf32, #tpu.memory_space<hbm>>
    %dma_start3A_78 = arith.constant 0 : i32
    %dma_start3A_79 = arith.constant 0 : i32
    %dma_start3A_80 = tpu.memref_slice %dma_start3A_77[%dma_start3A_78, %dma_start3A_79] : memref<100352x8xf32, #tpu.memory_space<hbm>> -> memref<100352x8xf32, #tpu.memory_space<hbm>>
    tpu.enqueue_indirect_dma source(%dma_start3A_80 : memref<100352x8xf32, #tpu.memory_space<hbm>>) target(%dma_start3A_70 : memref<3200x8xf32, #tpu.memory_space<vmem>>) offsets(%dma_start3A_73 : memref<3200xi32, #tpu.memory_space<vmem>>) semaphore(%arg12 : memref<!tpu.dma_semaphore, #tpu.memory_space<semaphore_mem>>)
    %scan3A_81 = arith.constant 0 : i32
    %scan3A_82 = arith.constant 0 : i32
    %scan3A_83 = arith.constant 32 : i32
    %scan3A_84 = arith.addi %scan3A_82, %scan3A_83 : i32
    %scan3A_85 = arith.constant 1 : i32
    %scan3A_86 = scf.for %scan3A_116 = %scan3A_82 to %scan3A_84 step %scan3A_85 iter_args(%scan3A_117 = %scan3A_81) -> (i32)  : i32 {
      %mul3A_118 = arith.constant 2 : i32
      %mul3A_119 = arith.muli %mul3A_118, %scan3A_116 : i32
      %dma_wait3A_120 = arith.constant 0 : i32
      %dma_wait3A_121 = arith.constant 0 : i32
      %dma_wait3A_122 = arith.constant 0 : i32
      %dma_wait3A_123 = arith.constant 0 : i32
      %dma_wait3A_124 = tpu.memref_slice %arg8[%dma_wait3A_121, %dma_wait3A_122, %dma_wait3A_123] : memref<2x3200x8xf32, #tpu.memory_space<vmem>> -> memref<1x3200x8xf32, #tpu.memory_space<vmem>>
      %dma_wait3A_125 = tpu.memref_squeeze %dma_wait3A_124 : memref<1x3200x8xf32, #tpu.memory_space<vmem>> -> memref<3200x8xf32, #tpu.memory_space<vmem>>
      %dma_wait3A_126 = arith.constant 0 : i32
      %dma_wait3A_127 = tpu.memref_slice %arg6[%dma_wait3A_120, %dma_wait3A_126] : memref<2x3200xi32, #tpu.memory_space<vmem>> -> memref<1x3200xi32, #tpu.memory_space<vmem>>
      %dma_wait3A_128 = tpu.memref_squeeze %dma_wait3A_127 : memref<1x3200xi32, #tpu.memory_space<vmem>> -> memref<3200xi32, #tpu.memory_space<vmem>>
      %dma_wait3A_129 = arith.constant 0 : i32
      %dma_wait3A_130 = arith.constant 0 : i32
      %dma_wait3A_131 = tpu.memref_slice %arg2[%arg0, %dma_wait3A_129, %dma_wait3A_130] : memref<2x100352x8xf32, #tpu.memory_space<hbm>> -> memref<1x100352x8xf32, #tpu.memory_space<hbm>>
      %dma_wait3A_132 = tpu.memref_squeeze %dma_wait3A_131 : memref<1x100352x8xf32, #tpu.memory_space<hbm>> -> memref<100352x8xf32, #tpu.memory_space<hbm>>
      %dma_wait3A_133 = arith.constant 0 : i32
      %dma_wait3A_134 = arith.constant 0 : i32
      %dma_wait3A_135 = tpu.memref_slice %dma_wait3A_132[%dma_wait3A_133, %dma_wait3A_134] : memref<100352x8xf32, #tpu.memory_space<hbm>> -> memref<100352x8xf32, #tpu.memory_space<hbm>>
      tpu.wait_indirect_dma semaphore(%arg11 : memref<!tpu.dma_semaphore, #tpu.memory_space<semaphore_mem>>) src(%dma_wait3A_135 : memref<100352x8xf32, #tpu.memory_space<hbm>>) dst(%dma_wait3A_125 : memref<3200x8xf32, #tpu.memory_space<vmem>>)
      %dma_start3A_136 = arith.constant 0 : i32
      %dma_start3A_137 = arith.constant 0 : i32
      %dma_start3A_138 = arith.constant 0 : i32
      %dma_start3A_139 = arith.constant 0 : i32
      %dma_start3A_140 = tpu.memref_slice %arg8[%dma_start3A_136, %dma_start3A_138, %dma_start3A_139] : memref<2x3200x8xf32, #tpu.memory_space<vmem>> -> memref<1x3200x8xf32, #tpu.memory_space<vmem>>
      %dma_start3A_141 = tpu.memref_squeeze %dma_start3A_140 : memref<1x3200x8xf32, #tpu.memory_space<vmem>> -> memref<3200x8xf32, #tpu.memory_space<vmem>>
      %dma_start3A_142 = arith.constant 0 : i32
      %dma_start3A_143 = tpu.memref_slice %arg7[%dma_start3A_137, %dma_start3A_142] : memref<2x3200xi32, #tpu.memory_space<vmem>> -> memref<1x3200xi32, #tpu.memory_space<vmem>>
      %dma_start3A_144 = tpu.memref_squeeze %dma_start3A_143 : memref<1x3200xi32, #tpu.memory_space<vmem>> -> memref<3200xi32, #tpu.memory_space<vmem>>
      %dma_start3A_145 = arith.constant 0 : i32
      %dma_start3A_146 = arith.constant 0 : i32
      %dma_start3A_147 = tpu.memref_slice %arg10[%dma_start3A_145, %dma_start3A_146] : memref<100352x8xf32, #tpu.memory_space<vmem_shared>> -> memref<100352x8xf32, #tpu.memory_space<vmem_shared>>
      tpu.enqueue_indirect_dma source(%dma_start3A_141 : memref<3200x8xf32, #tpu.memory_space<vmem>>) target(%dma_start3A_147 : memref<100352x8xf32, #tpu.memory_space<vmem_shared>>) offsets(%dma_start3A_144 : memref<3200xi32, #tpu.memory_space<vmem>>) semaphore(%arg13 : memref<!tpu.dma_semaphore, #tpu.memory_space<semaphore_mem>>) {add = true}
      %dma_wait3A_148 = arith.constant 1 : i32
      %dma_wait3A_149 = arith.constant 1 : i32
      %dma_wait3A_150 = arith.constant 0 : i32
      %dma_wait3A_151 = arith.constant 0 : i32
      %dma_wait3A_152 = tpu.memref_slice %arg8[%dma_wait3A_149, %dma_wait3A_150, %dma_wait3A_151] : memref<2x3200x8xf32, #tpu.memory_space<vmem>> -> memref<1x3200x8xf32, #tpu.memory_space<vmem>>
      %dma_wait3A_153 = tpu.memref_squeeze %dma_wait3A_152 : memref<1x3200x8xf32, #tpu.memory_space<vmem>> -> memref<3200x8xf32, #tpu.memory_space<vmem>>
      %dma_wait3A_154 = arith.constant 0 : i32
      %dma_wait3A_155 = tpu.memref_slice %arg6[%dma_wait3A_148, %dma_wait3A_154] : memref<2x3200xi32, #tpu.memory_space<vmem>> -> memref<1x3200xi32, #tpu.memory_space<vmem>>
      %dma_wait3A_156 = tpu.memref_squeeze %dma_wait3A_155 : memref<1x3200xi32, #tpu.memory_space<vmem>> -> memref<3200xi32, #tpu.memory_space<vmem>>
      %dma_wait3A_157 = arith.constant 0 : i32
      %dma_wait3A_158 = arith.constant 0 : i32
      %dma_wait3A_159 = tpu.memref_slice %arg2[%arg0, %dma_wait3A_157, %dma_wait3A_158] : memref<2x100352x8xf32, #tpu.memory_space<hbm>> -> memref<1x100352x8xf32, #tpu.memory_space<hbm>>
      %dma_wait3A_160 = tpu.memref_squeeze %dma_wait3A_159 : memref<1x100352x8xf32, #tpu.memory_space<hbm>> -> memref<100352x8xf32, #tpu.memory_space<hbm>>
      %dma_wait3A_161 = arith.constant 0 : i32
      %dma_wait3A_162 = arith.constant 0 : i32
      %dma_wait3A_163 = tpu.memref_slice %dma_wait3A_160[%dma_wait3A_161, %dma_wait3A_162] : memref<100352x8xf32, #tpu.memory_space<hbm>> -> memref<100352x8xf32, #tpu.memory_space<hbm>>
      tpu.wait_indirect_dma semaphore(%arg12 : memref<!tpu.dma_semaphore, #tpu.memory_space<semaphore_mem>>) src(%dma_wait3A_163 : memref<100352x8xf32, #tpu.memory_space<hbm>>) dst(%dma_wait3A_153 : memref<3200x8xf32, #tpu.memory_space<vmem>>)
      %dma_start3A_164 = arith.constant 1 : i32
      %dma_start3A_165 = arith.constant 1 : i32
      %dma_start3A_166 = arith.constant 0 : i32
      %dma_start3A_167 = arith.constant 0 : i32
      %dma_start3A_168 = tpu.memref_slice %arg8[%dma_start3A_164, %dma_start3A_166, %dma_start3A_167] : memref<2x3200x8xf32, #tpu.memory_space<vmem>> -> memref<1x3200x8xf32, #tpu.memory_space<vmem>>
      %dma_start3A_169 = tpu.memref_squeeze %dma_start3A_168 : memref<1x3200x8xf32, #tpu.memory_space<vmem>> -> memref<3200x8xf32, #tpu.memory_space<vmem>>
      %dma_start3A_170 = arith.constant 0 : i32
      %dma_start3A_171 = tpu.memref_slice %arg7[%dma_start3A_165, %dma_start3A_170] : memref<2x3200xi32, #tpu.memory_space<vmem>> -> memref<1x3200xi32, #tpu.memory_space<vmem>>
      %dma_start3A_172 = tpu.memref_squeeze %dma_start3A_171 : memref<1x3200xi32, #tpu.memory_space<vmem>> -> memref<3200xi32, #tpu.memory_space<vmem>>
      %dma_start3A_173 = arith.constant 0 : i32
      %dma_start3A_174 = arith.constant 0 : i32
      %dma_start3A_175 = tpu.memref_slice %arg10[%dma_start3A_173, %dma_start3A_174] : memref<100352x8xf32, #tpu.memory_space<vmem_shared>> -> memref<100352x8xf32, #tpu.memory_space<vmem_shared>>
      tpu.enqueue_indirect_dma source(%dma_start3A_169 : memref<3200x8xf32, #tpu.memory_space<vmem>>) target(%dma_start3A_175 : memref<100352x8xf32, #tpu.memory_space<vmem_shared>>) offsets(%dma_start3A_172 : memref<3200xi32, #tpu.memory_space<vmem>>) semaphore(%arg14 : memref<!tpu.dma_semaphore, #tpu.memory_space<semaphore_mem>>) {add = true}
      %lt3A = arith.constant 31 : i32
      %lt3A_176 = arith.cmpi slt, %scan3A_116, %lt3A : i32
      %convert_element_type3A = arith.extui %lt3A_176 : i1 to i32
      %cond3A = arith.constant 0 : i32
      %cond3A_177 = arith.cmpi ne, %convert_element_type3A, %cond3A : i32
      scf.if %cond3A_177 {
        %dma_wait3A_179 = arith.constant 0 : i32
        %dma_wait3A_180 = arith.constant 0 : i32
        %dma_wait3A_181 = arith.constant 0 : i32
        %dma_wait3A_182 = arith.constant 0 : i32
        %dma_wait3A_183 = tpu.memref_slice %arg8[%dma_wait3A_179, %dma_wait3A_181, %dma_wait3A_182] : memref<2x3200x8xf32, #tpu.memory_space<vmem>> -> memref<1x3200x8xf32, #tpu.memory_space<vmem>>
        %dma_wait3A_184 = tpu.memref_squeeze %dma_wait3A_183 : memref<1x3200x8xf32, #tpu.memory_space<vmem>> -> memref<3200x8xf32, #tpu.memory_space<vmem>>
        %dma_wait3A_185 = arith.constant 0 : i32
        %dma_wait3A_186 = tpu.memref_slice %arg7[%dma_wait3A_180, %dma_wait3A_185] : memref<2x3200xi32, #tpu.memory_space<vmem>> -> memref<1x3200xi32, #tpu.memory_space<vmem>>
        %dma_wait3A_187 = tpu.memref_squeeze %dma_wait3A_186 : memref<1x3200xi32, #tpu.memory_space<vmem>> -> memref<3200xi32, #tpu.memory_space<vmem>>
        %dma_wait3A_188 = arith.constant 0 : i32
        %dma_wait3A_189 = arith.constant 0 : i32
        %dma_wait3A_190 = tpu.memref_slice %arg10[%dma_wait3A_188, %dma_wait3A_189] : memref<100352x8xf32, #tpu.memory_space<vmem_shared>> -> memref<100352x8xf32, #tpu.memory_space<vmem_shared>>
        tpu.wait_indirect_dma semaphore(%arg13 : memref<!tpu.dma_semaphore, #tpu.memory_space<semaphore_mem>>) src(%dma_wait3A_184 : memref<3200x8xf32, #tpu.memory_space<vmem>>) dst(%dma_wait3A_190 : memref<100352x8xf32, #tpu.memory_space<vmem_shared>>)
        %add3A_191 = arith.constant 2 : i32
        %add3A_192 = arith.addi %mul3A_119, %add3A_191 : i32
        %mul3A_193 = arith.constant 3200 : i32
        %mul3A_194 = arith.muli %add3A_192, %mul3A_193 : i32
        %add3A_195 = arith.addi %mul3A_38, %mul3A_194 : i32
        %run_scoped3A_196 = arith.constant 0 : i32
        "tpu.region"() ({
          %run_scoped3A_255 = tpu.sem_alloc : memref<!tpu.dma_semaphore, #tpu.memory_space<semaphore_mem>>
          %dma_start3A_256 = arith.constant 0 : i32
          %dma_start3A_257 = tpu.memref_slice %arg6[%run_scoped3A_196, %dma_start3A_256] : memref<2x3200xi32, #tpu.memory_space<vmem>> -> memref<1x3200xi32, #tpu.memory_space<vmem>>
          %dma_start3A_258 = tpu.memref_squeeze %dma_start3A_257 : memref<1x3200xi32, #tpu.memory_space<vmem>> -> memref<3200xi32, #tpu.memory_space<vmem>>
          %dma_start3A_259 = tpu.memref_slice %arg3[%add3A_195] : memref<3276800xi32, #tpu.memory_space<hbm>> -> memref<3200xi32, #tpu.memory_space<hbm>>
          %dma_start3A_260 = arith.constant 0 : i32
          %dma_start3A_261 = tpu.memref_slice %arg6[%run_scoped3A_196, %dma_start3A_260] : memref<2x3200xi32, #tpu.memory_space<vmem>> -> memref<1x3200xi32, #tpu.memory_space<vmem>>
          %dma_start3A_262 = tpu.memref_squeeze %dma_start3A_261 : memref<1x3200xi32, #tpu.memory_space<vmem>> -> memref<3200xi32, #tpu.memory_space<vmem>>
          %dma_start3A_263 = tpu.memref_slice %arg3[%add3A_195] : memref<3276800xi32, #tpu.memory_space<hbm>> -> memref<3200xi32, #tpu.memory_space<hbm>>
          tpu.enqueue_dma source(%dma_start3A_263 : memref<3200xi32, #tpu.memory_space<hbm>>) target(%dma_start3A_262 : memref<3200xi32, #tpu.memory_space<vmem>>) target_semaphore(%run_scoped3A_255 : memref<!tpu.dma_semaphore, #tpu.memory_space<semaphore_mem>>)
          %dma_wait3A_264 = arith.constant 0 : i32
          %dma_wait3A_265 = tpu.memref_slice %arg6[%run_scoped3A_196, %dma_wait3A_264] : memref<2x3200xi32, #tpu.memory_space<vmem>> -> memref<1x3200xi32, #tpu.memory_space<vmem>>
          %dma_wait3A_266 = tpu.memref_squeeze %dma_wait3A_265 : memref<1x3200xi32, #tpu.memory_space<vmem>> -> memref<3200xi32, #tpu.memory_space<vmem>>
          %dma_wait3A_267 = tpu.memref_slice %arg3[%add3A_195] : memref<3276800xi32, #tpu.memory_space<hbm>> -> memref<3200xi32, #tpu.memory_space<hbm>>
          %dma_wait3A_268 = arith.constant 0 : i32
          %dma_wait3A_269 = tpu.memref_slice %arg6[%run_scoped3A_196, %dma_wait3A_268] : memref<2x3200xi32, #tpu.memory_space<vmem>> -> memref<1x3200xi32, #tpu.memory_space<vmem>>
          %dma_wait3A_270 = tpu.memref_squeeze %dma_wait3A_269 : memref<1x3200xi32, #tpu.memory_space<vmem>> -> memref<3200xi32, #tpu.memory_space<vmem>>
          %dma_wait3A_271 = tpu.memref_slice %arg3[%add3A_195] : memref<3276800xi32, #tpu.memory_space<hbm>> -> memref<3200xi32, #tpu.memory_space<hbm>>
          tpu.wait_dma2 semaphore(%run_scoped3A_255 : memref<!tpu.dma_semaphore, #tpu.memory_space<semaphore_mem>>) src(%dma_wait3A_271 : memref<3200xi32, #tpu.memory_space<hbm>>) dst(%dma_wait3A_270 : memref<3200xi32, #tpu.memory_space<vmem>>)
          tpu.yield
        }) : () -> ()
        %mul3A_197 = arith.constant 3200 : i32
        %mul3A_198 = arith.muli %add3A_192, %mul3A_197 : i32
        %add3A_199 = arith.addi %mul3A_38, %mul3A_198 : i32
        %run_scoped3A_200 = arith.constant 0 : i32
        "tpu.region"() ({
          %run_scoped3A_255 = tpu.sem_alloc : memref<!tpu.dma_semaphore, #tpu.memory_space<semaphore_mem>>
          %dma_start3A_256 = arith.constant 0 : i32
          %dma_start3A_257 = tpu.memref_slice %arg7[%run_scoped3A_200, %dma_start3A_256] : memref<2x3200xi32, #tpu.memory_space<vmem>> -> memref<1x3200xi32, #tpu.memory_space<vmem>>
          %dma_start3A_258 = tpu.memref_squeeze %dma_start3A_257 : memref<1x3200xi32, #tpu.memory_space<vmem>> -> memref<3200xi32, #tpu.memory_space<vmem>>
          %dma_start3A_259 = tpu.memref_slice %arg4[%add3A_199] : memref<3276800xi32, #tpu.memory_space<hbm>> -> memref<3200xi32, #tpu.memory_space<hbm>>
          %dma_start3A_260 = arith.constant 0 : i32
          %dma_start3A_261 = tpu.memref_slice %arg7[%run_scoped3A_200, %dma_start3A_260] : memref<2x3200xi32, #tpu.memory_space<vmem>> -> memref<1x3200xi32, #tpu.memory_space<vmem>>
          %dma_start3A_262 = tpu.memref_squeeze %dma_start3A_261 : memref<1x3200xi32, #tpu.memory_space<vmem>> -> memref<3200xi32, #tpu.memory_space<vmem>>
          %dma_start3A_263 = tpu.memref_slice %arg4[%add3A_199] : memref<3276800xi32, #tpu.memory_space<hbm>> -> memref<3200xi32, #tpu.memory_space<hbm>>
          tpu.enqueue_dma source(%dma_start3A_263 : memref<3200xi32, #tpu.memory_space<hbm>>) target(%dma_start3A_262 : memref<3200xi32, #tpu.memory_space<vmem>>) target_semaphore(%run_scoped3A_255 : memref<!tpu.dma_semaphore, #tpu.memory_space<semaphore_mem>>)
          %dma_wait3A_264 = arith.constant 0 : i32
          %dma_wait3A_265 = tpu.memref_slice %arg7[%run_scoped3A_200, %dma_wait3A_264] : memref<2x3200xi32, #tpu.memory_space<vmem>> -> memref<1x3200xi32, #tpu.memory_space<vmem>>
          %dma_wait3A_266 = tpu.memref_squeeze %dma_wait3A_265 : memref<1x3200xi32, #tpu.memory_space<vmem>> -> memref<3200xi32, #tpu.memory_space<vmem>>
          %dma_wait3A_267 = tpu.memref_slice %arg4[%add3A_199] : memref<3276800xi32, #tpu.memory_space<hbm>> -> memref<3200xi32, #tpu.memory_space<hbm>>
          %dma_wait3A_268 = arith.constant 0 : i32
          %dma_wait3A_269 = tpu.memref_slice %arg7[%run_scoped3A_200, %dma_wait3A_268] : memref<2x3200xi32, #tpu.memory_space<vmem>> -> memref<1x3200xi32, #tpu.memory_space<vmem>>
          %dma_wait3A_270 = tpu.memref_squeeze %dma_wait3A_269 : memref<1x3200xi32, #tpu.memory_space<vmem>> -> memref<3200xi32, #tpu.memory_space<vmem>>
          %dma_wait3A_271 = tpu.memref_slice %arg4[%add3A_199] : memref<3276800xi32, #tpu.memory_space<hbm>> -> memref<3200xi32, #tpu.memory_space<hbm>>
          tpu.wait_dma2 semaphore(%run_scoped3A_255 : memref<!tpu.dma_semaphore, #tpu.memory_space<semaphore_mem>>) src(%dma_wait3A_271 : memref<3200xi32, #tpu.memory_space<hbm>>) dst(%dma_wait3A_270 : memref<3200xi32, #tpu.memory_space<vmem>>)
          tpu.yield
        }) : () -> ()
        %dma_start3A_201 = arith.constant 0 : i32
        %dma_start3A_202 = arith.constant 0 : i32
        %dma_start3A_203 = arith.constant 0 : i32
        %dma_start3A_204 = arith.constant 0 : i32
        %dma_start3A_205 = tpu.memref_slice %arg8[%dma_start3A_202, %dma_start3A_203, %dma_start3A_204] : memref<2x3200x8xf32, #tpu.memory_space<vmem>> -> memref<1x3200x8xf32, #tpu.memory_space<vmem>>
        %dma_start3A_206 = tpu.memref_squeeze %dma_start3A_205 : memref<1x3200x8xf32, #tpu.memory_space<vmem>> -> memref<3200x8xf32, #tpu.memory_space<vmem>>
        %dma_start3A_207 = arith.constant 0 : i32
        %dma_start3A_208 = tpu.memref_slice %arg6[%dma_start3A_201, %dma_start3A_207] : memref<2x3200xi32, #tpu.memory_space<vmem>> -> memref<1x3200xi32, #tpu.memory_space<vmem>>
        %dma_start3A_209 = tpu.memref_squeeze %dma_start3A_208 : memref<1x3200xi32, #tpu.memory_space<vmem>> -> memref<3200xi32, #tpu.memory_space<vmem>>
        %dma_start3A_210 = arith.constant 0 : i32
        %dma_start3A_211 = arith.constant 0 : i32
        %dma_start3A_212 = tpu.memref_slice %arg2[%arg0, %dma_start3A_210, %dma_start3A_211] : memref<2x100352x8xf32, #tpu.memory_space<hbm>> -> memref<1x100352x8xf32, #tpu.memory_space<hbm>>
        %dma_start3A_213 = tpu.memref_squeeze %dma_start3A_212 : memref<1x100352x8xf32, #tpu.memory_space<hbm>> -> memref<100352x8xf32, #tpu.memory_space<hbm>>
        %dma_start3A_214 = arith.constant 0 : i32
        %dma_start3A_215 = arith.constant 0 : i32
        %dma_start3A_216 = tpu.memref_slice %dma_start3A_213[%dma_start3A_214, %dma_start3A_215] : memref<100352x8xf32, #tpu.memory_space<hbm>> -> memref<100352x8xf32, #tpu.memory_space<hbm>>
        tpu.enqueue_indirect_dma source(%dma_start3A_216 : memref<100352x8xf32, #tpu.memory_space<hbm>>) target(%dma_start3A_206 : memref<3200x8xf32, #tpu.memory_space<vmem>>) offsets(%dma_start3A_209 : memref<3200xi32, #tpu.memory_space<vmem>>) semaphore(%arg11 : memref<!tpu.dma_semaphore, #tpu.memory_space<semaphore_mem>>)
        %dma_wait3A_217 = arith.constant 1 : i32
        %dma_wait3A_218 = arith.constant 1 : i32
        %dma_wait3A_219 = arith.constant 0 : i32
        %dma_wait3A_220 = arith.constant 0 : i32
        %dma_wait3A_221 = tpu.memref_slice %arg8[%dma_wait3A_217, %dma_wait3A_219, %dma_wait3A_220] : memref<2x3200x8xf32, #tpu.memory_space<vmem>> -> memref<1x3200x8xf32, #tpu.memory_space<vmem>>
        %dma_wait3A_222 = tpu.memref_squeeze %dma_wait3A_221 : memref<1x3200x8xf32, #tpu.memory_space<vmem>> -> memref<3200x8xf32, #tpu.memory_space<vmem>>
        %dma_wait3A_223 = arith.constant 0 : i32
        %dma_wait3A_224 = tpu.memref_slice %arg7[%dma_wait3A_218, %dma_wait3A_223] : memref<2x3200xi32, #tpu.memory_space<vmem>> -> memref<1x3200xi32, #tpu.memory_space<vmem>>
        %dma_wait3A_225 = tpu.memref_squeeze %dma_wait3A_224 : memref<1x3200xi32, #tpu.memory_space<vmem>> -> memref<3200xi32, #tpu.memory_space<vmem>>
        %dma_wait3A_226 = arith.constant 0 : i32
        %dma_wait3A_227 = arith.constant 0 : i32
        %dma_wait3A_228 = tpu.memref_slice %arg10[%dma_wait3A_226, %dma_wait3A_227] : memref<100352x8xf32, #tpu.memory_space<vmem_shared>> -> memref<100352x8xf32, #tpu.memory_space<vmem_shared>>
        tpu.wait_indirect_dma semaphore(%arg14 : memref<!tpu.dma_semaphore, #tpu.memory_space<semaphore_mem>>) src(%dma_wait3A_222 : memref<3200x8xf32, #tpu.memory_space<vmem>>) dst(%dma_wait3A_228 : memref<100352x8xf32, #tpu.memory_space<vmem_shared>>)
        %add3A_229 = arith.constant 3 : i32
        %add3A_230 = arith.addi %mul3A_119, %add3A_229 : i32
        %mul3A_231 = arith.constant 3200 : i32
        %mul3A_232 = arith.muli %add3A_230, %mul3A_231 : i32
        %add3A_233 = arith.addi %mul3A_38, %mul3A_232 : i32
        %run_scoped3A_234 = arith.constant 1 : i32
        "tpu.region"() ({
          %run_scoped3A_255 = tpu.sem_alloc : memref<!tpu.dma_semaphore, #tpu.memory_space<semaphore_mem>>
          %dma_start3A_256 = arith.constant 0 : i32
          %dma_start3A_257 = tpu.memref_slice %arg6[%run_scoped3A_234, %dma_start3A_256] : memref<2x3200xi32, #tpu.memory_space<vmem>> -> memref<1x3200xi32, #tpu.memory_space<vmem>>
          %dma_start3A_258 = tpu.memref_squeeze %dma_start3A_257 : memref<1x3200xi32, #tpu.memory_space<vmem>> -> memref<3200xi32, #tpu.memory_space<vmem>>
          %dma_start3A_259 = tpu.memref_slice %arg3[%add3A_233] : memref<3276800xi32, #tpu.memory_space<hbm>> -> memref<3200xi32, #tpu.memory_space<hbm>>
          %dma_start3A_260 = arith.constant 0 : i32
          %dma_start3A_261 = tpu.memref_slice %arg6[%run_scoped3A_234, %dma_start3A_260] : memref<2x3200xi32, #tpu.memory_space<vmem>> -> memref<1x3200xi32, #tpu.memory_space<vmem>>
          %dma_start3A_262 = tpu.memref_squeeze %dma_start3A_261 : memref<1x3200xi32, #tpu.memory_space<vmem>> -> memref<3200xi32, #tpu.memory_space<vmem>>
          %dma_start3A_263 = tpu.memref_slice %arg3[%add3A_233] : memref<3276800xi32, #tpu.memory_space<hbm>> -> memref<3200xi32, #tpu.memory_space<hbm>>
          tpu.enqueue_dma source(%dma_start3A_263 : memref<3200xi32, #tpu.memory_space<hbm>>) target(%dma_start3A_262 : memref<3200xi32, #tpu.memory_space<vmem>>) target_semaphore(%run_scoped3A_255 : memref<!tpu.dma_semaphore, #tpu.memory_space<semaphore_mem>>)
          %dma_wait3A_264 = arith.constant 0 : i32
          %dma_wait3A_265 = tpu.memref_slice %arg6[%run_scoped3A_234, %dma_wait3A_264] : memref<2x3200xi32, #tpu.memory_space<vmem>> -> memref<1x3200xi32, #tpu.memory_space<vmem>>
          %dma_wait3A_266 = tpu.memref_squeeze %dma_wait3A_265 : memref<1x3200xi32, #tpu.memory_space<vmem>> -> memref<3200xi32, #tpu.memory_space<vmem>>
          %dma_wait3A_267 = tpu.memref_slice %arg3[%add3A_233] : memref<3276800xi32, #tpu.memory_space<hbm>> -> memref<3200xi32, #tpu.memory_space<hbm>>
          %dma_wait3A_268 = arith.constant 0 : i32
          %dma_wait3A_269 = tpu.memref_slice %arg6[%run_scoped3A_234, %dma_wait3A_268] : memref<2x3200xi32, #tpu.memory_space<vmem>> -> memref<1x3200xi32, #tpu.memory_space<vmem>>
          %dma_wait3A_270 = tpu.memref_squeeze %dma_wait3A_269 : memref<1x3200xi32, #tpu.memory_space<vmem>> -> memref<3200xi32, #tpu.memory_space<vmem>>
          %dma_wait3A_271 = tpu.memref_slice %arg3[%add3A_233] : memref<3276800xi32, #tpu.memory_space<hbm>> -> memref<3200xi32, #tpu.memory_space<hbm>>
          tpu.wait_dma2 semaphore(%run_scoped3A_255 : memref<!tpu.dma_semaphore, #tpu.memory_space<semaphore_mem>>) src(%dma_wait3A_271 : memref<3200xi32, #tpu.memory_space<hbm>>) dst(%dma_wait3A_270 : memref<3200xi32, #tpu.memory_space<vmem>>)
          tpu.yield
        }) : () -> ()
        %mul3A_235 = arith.constant 3200 : i32
        %mul3A_236 = arith.muli %add3A_230, %mul3A_235 : i32
        %add3A_237 = arith.addi %mul3A_38, %mul3A_236 : i32
        %run_scoped3A_238 = arith.constant 1 : i32
        "tpu.region"() ({
          %run_scoped3A_255 = tpu.sem_alloc : memref<!tpu.dma_semaphore, #tpu.memory_space<semaphore_mem>>
          %dma_start3A_256 = arith.constant 0 : i32
          %dma_start3A_257 = tpu.memref_slice %arg7[%run_scoped3A_238, %dma_start3A_256] : memref<2x3200xi32, #tpu.memory_space<vmem>> -> memref<1x3200xi32, #tpu.memory_space<vmem>>
          %dma_start3A_258 = tpu.memref_squeeze %dma_start3A_257 : memref<1x3200xi32, #tpu.memory_space<vmem>> -> memref<3200xi32, #tpu.memory_space<vmem>>
          %dma_start3A_259 = tpu.memref_slice %arg4[%add3A_237] : memref<3276800xi32, #tpu.memory_space<hbm>> -> memref<3200xi32, #tpu.memory_space<hbm>>
          %dma_start3A_260 = arith.constant 0 : i32
          %dma_start3A_261 = tpu.memref_slice %arg7[%run_scoped3A_238, %dma_start3A_260] : memref<2x3200xi32, #tpu.memory_space<vmem>> -> memref<1x3200xi32, #tpu.memory_space<vmem>>
          %dma_start3A_262 = tpu.memref_squeeze %dma_start3A_261 : memref<1x3200xi32, #tpu.memory_space<vmem>> -> memref<3200xi32, #tpu.memory_space<vmem>>
          %dma_start3A_263 = tpu.memref_slice %arg4[%add3A_237] : memref<3276800xi32, #tpu.memory_space<hbm>> -> memref<3200xi32, #tpu.memory_space<hbm>>
          tpu.enqueue_dma source(%dma_start3A_263 : memref<3200xi32, #tpu.memory_space<hbm>>) target(%dma_start3A_262 : memref<3200xi32, #tpu.memory_space<vmem>>) target_semaphore(%run_scoped3A_255 : memref<!tpu.dma_semaphore, #tpu.memory_space<semaphore_mem>>)
          %dma_wait3A_264 = arith.constant 0 : i32
          %dma_wait3A_265 = tpu.memref_slice %arg7[%run_scoped3A_238, %dma_wait3A_264] : memref<2x3200xi32, #tpu.memory_space<vmem>> -> memref<1x3200xi32, #tpu.memory_space<vmem>>
          %dma_wait3A_266 = tpu.memref_squeeze %dma_wait3A_265 : memref<1x3200xi32, #tpu.memory_space<vmem>> -> memref<3200xi32, #tpu.memory_space<vmem>>
          %dma_wait3A_267 = tpu.memref_slice %arg4[%add3A_237] : memref<3276800xi32, #tpu.memory_space<hbm>> -> memref<3200xi32, #tpu.memory_space<hbm>>
          %dma_wait3A_268 = arith.constant 0 : i32
          %dma_wait3A_269 = tpu.memref_slice %arg7[%run_scoped3A_238, %dma_wait3A_268] : memref<2x3200xi32, #tpu.memory_space<vmem>> -> memref<1x3200xi32, #tpu.memory_space<vmem>>
          %dma_wait3A_270 = tpu.memref_squeeze %dma_wait3A_269 : memref<1x3200xi32, #tpu.memory_space<vmem>> -> memref<3200xi32, #tpu.memory_space<vmem>>
          %dma_wait3A_271 = tpu.memref_slice %arg4[%add3A_237] : memref<3276800xi32, #tpu.memory_space<hbm>> -> memref<3200xi32, #tpu.memory_space<hbm>>
          tpu.wait_dma2 semaphore(%run_scoped3A_255 : memref<!tpu.dma_semaphore, #tpu.memory_space<semaphore_mem>>) src(%dma_wait3A_271 : memref<3200xi32, #tpu.memory_space<hbm>>) dst(%dma_wait3A_270 : memref<3200xi32, #tpu.memory_space<vmem>>)
          tpu.yield
        }) : () -> ()
        %dma_start3A_239 = arith.constant 1 : i32
        %dma_start3A_240 = arith.constant 1 : i32
        %dma_start3A_241 = arith.constant 0 : i32
        %dma_start3A_242 = arith.constant 0 : i32
        %dma_start3A_243 = tpu.memref_slice %arg8[%dma_start3A_240, %dma_start3A_241, %dma_start3A_242] : memref<2x3200x8xf32, #tpu.memory_space<vmem>> -> memref<1x3200x8xf32, #tpu.memory_space<vmem>>
        %dma_start3A_244 = tpu.memref_squeeze %dma_start3A_243 : memref<1x3200x8xf32, #tpu.memory_space<vmem>> -> memref<3200x8xf32, #tpu.memory_space<vmem>>
        %dma_start3A_245 = arith.constant 0 : i32
        %dma_start3A_246 = tpu.memref_slice %arg6[%dma_start3A_239, %dma_start3A_245] : memref<2x3200xi32, #tpu.memory_space<vmem>> -> memref<1x3200xi32, #tpu.memory_space<vmem>>
        %dma_start3A_247 = tpu.memref_squeeze %dma_start3A_246 : memref<1x3200xi32, #tpu.memory_space<vmem>> -> memref<3200xi32, #tpu.memory_space<vmem>>
        %dma_start3A_248 = arith.constant 0 : i32
        %dma_start3A_249 = arith.constant 0 : i32
        %dma_start3A_250 = tpu.memref_slice %arg2[%arg0, %dma_start3A_248, %dma_start3A_249] : memref<2x100352x8xf32, #tpu.memory_space<hbm>> -> memref<1x100352x8xf32, #tpu.memory_space<hbm>>
        %dma_start3A_251 = tpu.memref_squeeze %dma_start3A_250 : memref<1x100352x8xf32, #tpu.memory_space<hbm>> -> memref<100352x8xf32, #tpu.memory_space<hbm>>
        %dma_start3A_252 = arith.constant 0 : i32
        %dma_start3A_253 = arith.constant 0 : i32
        %dma_start3A_254 = tpu.memref_slice %dma_start3A_251[%dma_start3A_252, %dma_start3A_253] : memref<100352x8xf32, #tpu.memory_space<hbm>> -> memref<100352x8xf32, #tpu.memory_space<hbm>>
        tpu.enqueue_indirect_dma source(%dma_start3A_254 : memref<100352x8xf32, #tpu.memory_space<hbm>>) target(%dma_start3A_244 : memref<3200x8xf32, #tpu.memory_space<vmem>>) offsets(%dma_start3A_247 : memref<3200xi32, #tpu.memory_space<vmem>>) semaphore(%arg12 : memref<!tpu.dma_semaphore, #tpu.memory_space<semaphore_mem>>)
      } else {
      }
      %scan3A_178 = arith.constant 0 : i32
      scf.yield %scan3A_178 : i32
    }
    %scan3A_87 = arith.constant 32 : i32
    %dma_wait3A = arith.constant 0 : i32
    %dma_wait3A_88 = arith.constant 0 : i32
    %dma_wait3A_89 = arith.constant 0 : i32
    %dma_wait3A_90 = arith.constant 0 : i32
    %dma_wait3A_91 = tpu.memref_slice %arg8[%dma_wait3A, %dma_wait3A_89, %dma_wait3A_90] : memref<2x3200x8xf32, #tpu.memory_space<vmem>> -> memref<1x3200x8xf32, #tpu.memory_space<vmem>>
    %dma_wait3A_92 = tpu.memref_squeeze %dma_wait3A_91 : memref<1x3200x8xf32, #tpu.memory_space<vmem>> -> memref<3200x8xf32, #tpu.memory_space<vmem>>
    %dma_wait3A_93 = arith.constant 0 : i32
    %dma_wait3A_94 = tpu.memref_slice %arg7[%dma_wait3A_88, %dma_wait3A_93] : memref<2x3200xi32, #tpu.memory_space<vmem>> -> memref<1x3200xi32, #tpu.memory_space<vmem>>
    %dma_wait3A_95 = tpu.memref_squeeze %dma_wait3A_94 : memref<1x3200xi32, #tpu.memory_space<vmem>> -> memref<3200xi32, #tpu.memory_space<vmem>>
    %dma_wait3A_96 = arith.constant 0 : i32
    %dma_wait3A_97 = arith.constant 0 : i32
    %dma_wait3A_98 = tpu.memref_slice %arg10[%dma_wait3A_96, %dma_wait3A_97] : memref<100352x8xf32, #tpu.memory_space<vmem_shared>> -> memref<100352x8xf32, #tpu.memory_space<vmem_shared>>
    tpu.wait_indirect_dma semaphore(%arg13 : memref<!tpu.dma_semaphore, #tpu.memory_space<semaphore_mem>>) src(%dma_wait3A_92 : memref<3200x8xf32, #tpu.memory_space<vmem>>) dst(%dma_wait3A_98 : memref<100352x8xf32, #tpu.memory_space<vmem_shared>>)
    %dma_wait3A_99 = arith.constant 1 : i32
    %dma_wait3A_100 = arith.constant 1 : i32
    %dma_wait3A_101 = arith.constant 0 : i32
    %dma_wait3A_102 = arith.constant 0 : i32
    %dma_wait3A_103 = tpu.memref_slice %arg8[%dma_wait3A_99, %dma_wait3A_101, %dma_wait3A_102] : memref<2x3200x8xf32, #tpu.memory_space<vmem>> -> memref<1x3200x8xf32, #tpu.memory_space<vmem>>
    %dma_wait3A_104 = tpu.memref_squeeze %dma_wait3A_103 : memref<1x3200x8xf32, #tpu.memory_space<vmem>> -> memref<3200x8xf32, #tpu.memory_space<vmem>>
    %dma_wait3A_105 = arith.constant 0 : i32
    %dma_wait3A_106 = tpu.memref_slice %arg7[%dma_wait3A_100, %dma_wait3A_105] : memref<2x3200xi32, #tpu.memory_space<vmem>> -> memref<1x3200xi32, #tpu.memory_space<vmem>>
    %dma_wait3A_107 = tpu.memref_squeeze %dma_wait3A_106 : memref<1x3200xi32, #tpu.memory_space<vmem>> -> memref<3200xi32, #tpu.memory_space<vmem>>
    %dma_wait3A_108 = arith.constant 0 : i32
    %dma_wait3A_109 = arith.constant 0 : i32
    %dma_wait3A_110 = tpu.memref_slice %arg10[%dma_wait3A_108, %dma_wait3A_109] : memref<100352x8xf32, #tpu.memory_space<vmem_shared>> -> memref<100352x8xf32, #tpu.memory_space<vmem_shared>>
    tpu.wait_indirect_dma semaphore(%arg14 : memref<!tpu.dma_semaphore, #tpu.memory_space<semaphore_mem>>) src(%dma_wait3A_104 : memref<3200x8xf32, #tpu.memory_space<vmem>>) dst(%dma_wait3A_110 : memref<100352x8xf32, #tpu.memory_space<vmem_shared>>)
    %barrier3A_111 = arith.constant 0 : index
    tpu.barrier barrier_id(%barrier3A_111)
    %mul3A_112 = arith.constant 6272 : i32
    %mul3A_113 = arith.muli %arg1, %mul3A_112 : i32
    %mul3A_114 = arith.constant 6272 : i32
    %mul3A_115 = arith.muli %arg1, %mul3A_114 : i32
    "tpu.region"() ({
      %run_scoped3A_116 = tpu.sem_alloc : memref<!tpu.dma_semaphore, #tpu.memory_space<semaphore_mem>>
      %dma_start3A_117 = arith.constant 0 : i32
      %dma_start3A_118 = tpu.memref_slice %arg5[%arg0, %mul3A_115, %dma_start3A_117] : memref<2x100352x8xf32, #tpu.memory_space<hbm>> -> memref<1x6272x8xf32, #tpu.memory_space<hbm>>
      %dma_start3A_119 = tpu.memref_squeeze %dma_start3A_118 : memref<1x6272x8xf32, #tpu.memory_space<hbm>> -> memref<6272x8xf32, #tpu.memory_space<hbm>>
      %dma_start3A_120 = arith.constant 0 : i32
      %dma_start3A_121 = tpu.memref_slice %arg10[%mul3A_113, %dma_start3A_120] : memref<100352x8xf32, #tpu.memory_space<vmem_shared>> -> memref<6272x8xf32, #tpu.memory_space<vmem_shared>>
      tpu.enqueue_dma source(%dma_start3A_121 : memref<6272x8xf32, #tpu.memory_space<vmem_shared>>) target(%dma_start3A_119 : memref<6272x8xf32, #tpu.memory_space<hbm>>) target_semaphore(%run_scoped3A_116 : memref<!tpu.dma_semaphore, #tpu.memory_space<semaphore_mem>>)
      %dma_wait3A_122 = arith.constant 0 : i32
      %dma_wait3A_123 = tpu.memref_slice %arg5[%arg0, %mul3A_115, %dma_wait3A_122] : memref<2x100352x8xf32, #tpu.memory_space<hbm>> -> memref<1x6272x8xf32, #tpu.memory_space<hbm>>
      %dma_wait3A_124 = tpu.memref_squeeze %dma_wait3A_123 : memref<1x6272x8xf32, #tpu.memory_space<hbm>> -> memref<6272x8xf32, #tpu.memory_space<hbm>>
      %dma_wait3A_125 = arith.constant 0 : i32
      %dma_wait3A_126 = tpu.memref_slice %arg10[%mul3A_113, %dma_wait3A_125] : memref<100352x8xf32, #tpu.memory_space<vmem_shared>> -> memref<6272x8xf32, #tpu.memory_space<vmem_shared>>
      tpu.wait_dma2 semaphore(%run_scoped3A_116 : memref<!tpu.dma_semaphore, #tpu.memory_space<semaphore_mem>>) src(%dma_wait3A_126 : memref<6272x8xf32, #tpu.memory_space<vmem_shared>>) dst(%dma_wait3A_124 : memref<6272x8xf32, #tpu.memory_space<hbm>>)
      tpu.yield
    }) : () -> ()
    return
  }
}

#map = affine_map<(d0, d1) -> (0, 0, 0)>
#map1 = affine_map<(d0, d1) -> (0)>
module attributes {stable_mosaic.version = 14 : i64} {
  func.func @_sc_agg(%arg0: i32, %arg1: i32, %arg2: memref<2x100352x8xf32, #tpu.memory_space<hbm>>, %arg3: memref<3276800xi32, #tpu.memory_space<hbm>>, %arg4: memref<3276800xi32, #tpu.memory_space<hbm>>, %arg5: memref<2x100352x8xf32, #tpu.memory_space<hbm>>, %arg6: memref<2x3200xi32, #tpu.memory_space<vmem>>, %arg7: memref<2x3200xi32, #tpu.memory_space<vmem>>, %arg8: memref<2x3200x8xf32, #tpu.memory_space<vmem>>, %arg9: memref<784x8xf32, #tpu.memory_space<vmem>>, %arg10: memref<100352x8xf32, #tpu.memory_space<vmem_shared>>, %arg11: memref<!tpu.dma_semaphore, #tpu.memory_space<semaphore_mem>>, %arg12: memref<!tpu.dma_semaphore, #tpu.memory_space<semaphore_mem>>, %arg13: memref<!tpu.dma_semaphore, #tpu.memory_space<semaphore_mem>>, %arg14: memref<!tpu.dma_semaphore, #tpu.memory_space<semaphore_mem>>) attributes {dimension_semantics = [#tpu.dimension_semantics<core_parallel>, #tpu.dimension_semantics<subcore_parallel>], iteration_bounds = array<i64: 2, 16>, scalar_prefetch = 0 : i64, scratch_operands = 9 : i64, tpu.core_type = #tpu.core_type<sc_vector_subcore>, window_params = [{transform_indices = #map}, {transform_indices = #map1}, {transform_indices = #map1}, {transform_indices = #map}]} {
    %broadcast_in_dim3A = arith.constant 0.000000e+00 : f32
    %broadcast_in_dim3A_0 = vector.broadcast %broadcast_in_dim3A : f32 to vector<2x8xf32>
    %scan3A = arith.constant 0 : i32
    %scan3A_1 = arith.constant 0 : i32
    %scan3A_2 = arith.constant 392 : i32
    %scan3A_3 = arith.addi %scan3A_1, %scan3A_2 : i32
    %scan3A_4 = arith.constant 1 : i32
    %scan3A_5 = scf.for %scan3A_116 = %scan3A_1 to %scan3A_3 step %scan3A_4 iter_args(%scan3A_117 = %scan3A) -> (i32)  : i32 {
      %mul3A_118 = arith.constant 2 : i32
      %mul3A_119 = arith.muli %scan3A_116, %mul3A_118 : i32
      %swap3A = arith.index_cast %mul3A_119 : i32 to index
      %swap3A_120 = arith.constant 0 : index
      %swap3A_121 = tpu.vector_load %arg9[%swap3A, %swap3A_120] {strides = array<i32>} : memref<784x8xf32, #tpu.memory_space<vmem>>, vector<2x8xf32>,
      %swap3A_122 = vector.shape_cast %swap3A_121 : vector<2x8xf32> to vector<2x8xf32>
      %swap3A_123 = vector.shape_cast %broadcast_in_dim3A_0 : vector<2x8xf32> to vector<2x8xf32>
      tpu.vector_store %arg9[%swap3A, %swap3A_120], %swap3A_123 {strides = array<i32>} : memref<784x8xf32, #tpu.memory_space<vmem>>, vector<2x8xf32>,
      %scan3A_124 = arith.constant 0 : i32
      scf.yield %scan3A_124 : i32
    }
    %scan3A_6 = arith.constant 392 : i32
    %mul3A = arith.constant 6272 : i32
    %mul3A_7 = arith.muli %arg1, %mul3A : i32
    %add3A = arith.constant 0 : i32
    %add3A_8 = arith.addi %mul3A_7, %add3A : i32
    "tpu.region"() ({
      %run_scoped3A_116 = tpu.sem_alloc : memref<!tpu.dma_semaphore, #tpu.memory_space<semaphore_mem>>
      %dma_start3A_117 = arith.constant 0 : i32
      %dma_start3A_118 = tpu.memref_slice %arg10[%add3A_8, %dma_start3A_117] : memref<100352x8xf32, #tpu.memory_space<vmem_shared>> -> memref<784x8xf32, #tpu.memory_space<vmem_shared>>
      %dma_start3A_119 = arith.constant 0 : i32
      %dma_start3A_120 = tpu.memref_slice %arg10[%add3A_8, %dma_start3A_119] : memref<100352x8xf32, #tpu.memory_space<vmem_shared>> -> memref<784x8xf32, #tpu.memory_space<vmem_shared>>
      tpu.enqueue_dma source(%arg9 : memref<784x8xf32, #tpu.memory_space<vmem>>) target(%dma_start3A_120 : memref<784x8xf32, #tpu.memory_space<vmem_shared>>) target_semaphore(%run_scoped3A_116 : memref<!tpu.dma_semaphore, #tpu.memory_space<semaphore_mem>>)
      %dma_wait3A_121 = arith.constant 0 : i32
      %dma_wait3A_122 = tpu.memref_slice %arg10[%add3A_8, %dma_wait3A_121] : memref<100352x8xf32, #tpu.memory_space<vmem_shared>> -> memref<784x8xf32, #tpu.memory_space<vmem_shared>>
      %dma_wait3A_123 = arith.constant 0 : i32
      %dma_wait3A_124 = tpu.memref_slice %arg10[%add3A_8, %dma_wait3A_123] : memref<100352x8xf32, #tpu.memory_space<vmem_shared>> -> memref<784x8xf32, #tpu.memory_space<vmem_shared>>
      tpu.wait_dma2 semaphore(%run_scoped3A_116 : memref<!tpu.dma_semaphore, #tpu.memory_space<semaphore_mem>>) src(%arg9 : memref<784x8xf32, #tpu.memory_space<vmem>>) dst(%dma_wait3A_124 : memref<784x8xf32, #tpu.memory_space<vmem_shared>>)
      tpu.yield
    }) : () -> ()
    %mul3A_9 = arith.constant 6272 : i32
    %mul3A_10 = arith.muli %arg1, %mul3A_9 : i32
    %add3A_11 = arith.constant 784 : i32
    %add3A_12 = arith.addi %mul3A_10, %add3A_11 : i32
    "tpu.region"() ({
      %run_scoped3A_116 = tpu.sem_alloc : memref<!tpu.dma_semaphore, #tpu.memory_space<semaphore_mem>>
      %dma_start3A_117 = arith.constant 0 : i32
      %dma_start3A_118 = tpu.memref_slice %arg10[%add3A_12, %dma_start3A_117] : memref<100352x8xf32, #tpu.memory_space<vmem_shared>> -> memref<784x8xf32, #tpu.memory_space<vmem_shared>>
      %dma_start3A_119 = arith.constant 0 : i32
      %dma_start3A_120 = tpu.memref_slice %arg10[%add3A_12, %dma_start3A_119] : memref<100352x8xf32, #tpu.memory_space<vmem_shared>> -> memref<784x8xf32, #tpu.memory_space<vmem_shared>>
      tpu.enqueue_dma source(%arg9 : memref<784x8xf32, #tpu.memory_space<vmem>>) target(%dma_start3A_120 : memref<784x8xf32, #tpu.memory_space<vmem_shared>>) target_semaphore(%run_scoped3A_116 : memref<!tpu.dma_semaphore, #tpu.memory_space<semaphore_mem>>)
      %dma_wait3A_121 = arith.constant 0 : i32
      %dma_wait3A_122 = tpu.memref_slice %arg10[%add3A_12, %dma_wait3A_121] : memref<100352x8xf32, #tpu.memory_space<vmem_shared>> -> memref<784x8xf32, #tpu.memory_space<vmem_shared>>
      %dma_wait3A_123 = arith.constant 0 : i32
      %dma_wait3A_124 = tpu.memref_slice %arg10[%add3A_12, %dma_wait3A_123] : memref<100352x8xf32, #tpu.memory_space<vmem_shared>> -> memref<784x8xf32, #tpu.memory_space<vmem_shared>>
      tpu.wait_dma2 semaphore(%run_scoped3A_116 : memref<!tpu.dma_semaphore, #tpu.memory_space<semaphore_mem>>) src(%arg9 : memref<784x8xf32, #tpu.memory_space<vmem>>) dst(%dma_wait3A_124 : memref<784x8xf32, #tpu.memory_space<vmem_shared>>)
      tpu.yield
    }) : () -> ()
    %mul3A_13 = arith.constant 6272 : i32
    %mul3A_14 = arith.muli %arg1, %mul3A_13 : i32
    %add3A_15 = arith.constant 1568 : i32
    %add3A_16 = arith.addi %mul3A_14, %add3A_15 : i32
    "tpu.region"() ({
      %run_scoped3A_116 = tpu.sem_alloc : memref<!tpu.dma_semaphore, #tpu.memory_space<semaphore_mem>>
      %dma_start3A_117 = arith.constant 0 : i32
      %dma_start3A_118 = tpu.memref_slice %arg10[%add3A_16, %dma_start3A_117] : memref<100352x8xf32, #tpu.memory_space<vmem_shared>> -> memref<784x8xf32, #tpu.memory_space<vmem_shared>>
      %dma_start3A_119 = arith.constant 0 : i32
      %dma_start3A_120 = tpu.memref_slice %arg10[%add3A_16, %dma_start3A_119] : memref<100352x8xf32, #tpu.memory_space<vmem_shared>> -> memref<784x8xf32, #tpu.memory_space<vmem_shared>>
      tpu.enqueue_dma source(%arg9 : memref<784x8xf32, #tpu.memory_space<vmem>>) target(%dma_start3A_120 : memref<784x8xf32, #tpu.memory_space<vmem_shared>>) target_semaphore(%run_scoped3A_116 : memref<!tpu.dma_semaphore, #tpu.memory_space<semaphore_mem>>)
      %dma_wait3A_121 = arith.constant 0 : i32
      %dma_wait3A_122 = tpu.memref_slice %arg10[%add3A_16, %dma_wait3A_121] : memref<100352x8xf32, #tpu.memory_space<vmem_shared>> -> memref<784x8xf32, #tpu.memory_space<vmem_shared>>
      %dma_wait3A_123 = arith.constant 0 : i32
      %dma_wait3A_124 = tpu.memref_slice %arg10[%add3A_16, %dma_wait3A_123] : memref<100352x8xf32, #tpu.memory_space<vmem_shared>> -> memref<784x8xf32, #tpu.memory_space<vmem_shared>>
      tpu.wait_dma2 semaphore(%run_scoped3A_116 : memref<!tpu.dma_semaphore, #tpu.memory_space<semaphore_mem>>) src(%arg9 : memref<784x8xf32, #tpu.memory_space<vmem>>) dst(%dma_wait3A_124 : memref<784x8xf32, #tpu.memory_space<vmem_shared>>)
      tpu.yield
    }) : () -> ()
    %mul3A_17 = arith.constant 6272 : i32
    %mul3A_18 = arith.muli %arg1, %mul3A_17 : i32
    %add3A_19 = arith.constant 2352 : i32
    %add3A_20 = arith.addi %mul3A_18, %add3A_19 : i32
    "tpu.region"() ({
      %run_scoped3A_116 = tpu.sem_alloc : memref<!tpu.dma_semaphore, #tpu.memory_space<semaphore_mem>>
      %dma_start3A_117 = arith.constant 0 : i32
      %dma_start3A_118 = tpu.memref_slice %arg10[%add3A_20, %dma_start3A_117] : memref<100352x8xf32, #tpu.memory_space<vmem_shared>> -> memref<784x8xf32, #tpu.memory_space<vmem_shared>>
      %dma_start3A_119 = arith.constant 0 : i32
      %dma_start3A_120 = tpu.memref_slice %arg10[%add3A_20, %dma_start3A_119] : memref<100352x8xf32, #tpu.memory_space<vmem_shared>> -> memref<784x8xf32, #tpu.memory_space<vmem_shared>>
      tpu.enqueue_dma source(%arg9 : memref<784x8xf32, #tpu.memory_space<vmem>>) target(%dma_start3A_120 : memref<784x8xf32, #tpu.memory_space<vmem_shared>>) target_semaphore(%run_scoped3A_116 : memref<!tpu.dma_semaphore, #tpu.memory_space<semaphore_mem>>)
      %dma_wait3A_121 = arith.constant 0 : i32
      %dma_wait3A_122 = tpu.memref_slice %arg10[%add3A_20, %dma_wait3A_121] : memref<100352x8xf32, #tpu.memory_space<vmem_shared>> -> memref<784x8xf32, #tpu.memory_space<vmem_shared>>
      %dma_wait3A_123 = arith.constant 0 : i32
      %dma_wait3A_124 = tpu.memref_slice %arg10[%add3A_20, %dma_wait3A_123] : memref<100352x8xf32, #tpu.memory_space<vmem_shared>> -> memref<784x8xf32, #tpu.memory_space<vmem_shared>>
      tpu.wait_dma2 semaphore(%run_scoped3A_116 : memref<!tpu.dma_semaphore, #tpu.memory_space<semaphore_mem>>) src(%arg9 : memref<784x8xf32, #tpu.memory_space<vmem>>) dst(%dma_wait3A_124 : memref<784x8xf32, #tpu.memory_space<vmem_shared>>)
      tpu.yield
    }) : () -> ()
    %mul3A_21 = arith.constant 6272 : i32
    %mul3A_22 = arith.muli %arg1, %mul3A_21 : i32
    %add3A_23 = arith.constant 3136 : i32
    %add3A_24 = arith.addi %mul3A_22, %add3A_23 : i32
    "tpu.region"() ({
      %run_scoped3A_116 = tpu.sem_alloc : memref<!tpu.dma_semaphore, #tpu.memory_space<semaphore_mem>>
      %dma_start3A_117 = arith.constant 0 : i32
      %dma_start3A_118 = tpu.memref_slice %arg10[%add3A_24, %dma_start3A_117] : memref<100352x8xf32, #tpu.memory_space<vmem_shared>> -> memref<784x8xf32, #tpu.memory_space<vmem_shared>>
      %dma_start3A_119 = arith.constant 0 : i32
      %dma_start3A_120 = tpu.memref_slice %arg10[%add3A_24, %dma_start3A_119] : memref<100352x8xf32, #tpu.memory_space<vmem_shared>> -> memref<784x8xf32, #tpu.memory_space<vmem_shared>>
      tpu.enqueue_dma source(%arg9 : memref<784x8xf32, #tpu.memory_space<vmem>>) target(%dma_start3A_120 : memref<784x8xf32, #tpu.memory_space<vmem_shared>>) target_semaphore(%run_scoped3A_116 : memref<!tpu.dma_semaphore, #tpu.memory_space<semaphore_mem>>)
      %dma_wait3A_121 = arith.constant 0 : i32
      %dma_wait3A_122 = tpu.memref_slice %arg10[%add3A_24, %dma_wait3A_121] : memref<100352x8xf32, #tpu.memory_space<vmem_shared>> -> memref<784x8xf32, #tpu.memory_space<vmem_shared>>
      %dma_wait3A_123 = arith.constant 0 : i32
      %dma_wait3A_124 = tpu.memref_slice %arg10[%add3A_24, %dma_wait3A_123] : memref<100352x8xf32, #tpu.memory_space<vmem_shared>> -> memref<784x8xf32, #tpu.memory_space<vmem_shared>>
      tpu.wait_dma2 semaphore(%run_scoped3A_116 : memref<!tpu.dma_semaphore, #tpu.memory_space<semaphore_mem>>) src(%arg9 : memref<784x8xf32, #tpu.memory_space<vmem>>) dst(%dma_wait3A_124 : memref<784x8xf32, #tpu.memory_space<vmem_shared>>)
      tpu.yield
    }) : () -> ()
    %mul3A_25 = arith.constant 6272 : i32
    %mul3A_26 = arith.muli %arg1, %mul3A_25 : i32
    %add3A_27 = arith.constant 3920 : i32
    %add3A_28 = arith.addi %mul3A_26, %add3A_27 : i32
    "tpu.region"() ({
      %run_scoped3A_116 = tpu.sem_alloc : memref<!tpu.dma_semaphore, #tpu.memory_space<semaphore_mem>>
      %dma_start3A_117 = arith.constant 0 : i32
      %dma_start3A_118 = tpu.memref_slice %arg10[%add3A_28, %dma_start3A_117] : memref<100352x8xf32, #tpu.memory_space<vmem_shared>> -> memref<784x8xf32, #tpu.memory_space<vmem_shared>>
      %dma_start3A_119 = arith.constant 0 : i32
      %dma_start3A_120 = tpu.memref_slice %arg10[%add3A_28, %dma_start3A_119] : memref<100352x8xf32, #tpu.memory_space<vmem_shared>> -> memref<784x8xf32, #tpu.memory_space<vmem_shared>>
      tpu.enqueue_dma source(%arg9 : memref<784x8xf32, #tpu.memory_space<vmem>>) target(%dma_start3A_120 : memref<784x8xf32, #tpu.memory_space<vmem_shared>>) target_semaphore(%run_scoped3A_116 : memref<!tpu.dma_semaphore, #tpu.memory_space<semaphore_mem>>)
      %dma_wait3A_121 = arith.constant 0 : i32
      %dma_wait3A_122 = tpu.memref_slice %arg10[%add3A_28, %dma_wait3A_121] : memref<100352x8xf32, #tpu.memory_space<vmem_shared>> -> memref<784x8xf32, #tpu.memory_space<vmem_shared>>
      %dma_wait3A_123 = arith.constant 0 : i32
      %dma_wait3A_124 = tpu.memref_slice %arg10[%add3A_28, %dma_wait3A_123] : memref<100352x8xf32, #tpu.memory_space<vmem_shared>> -> memref<784x8xf32, #tpu.memory_space<vmem_shared>>
      tpu.wait_dma2 semaphore(%run_scoped3A_116 : memref<!tpu.dma_semaphore, #tpu.memory_space<semaphore_mem>>) src(%arg9 : memref<784x8xf32, #tpu.memory_space<vmem>>) dst(%dma_wait3A_124 : memref<784x8xf32, #tpu.memory_space<vmem_shared>>)
      tpu.yield
    }) : () -> ()
    %mul3A_29 = arith.constant 6272 : i32
    %mul3A_30 = arith.muli %arg1, %mul3A_29 : i32
    %add3A_31 = arith.constant 4704 : i32
    %add3A_32 = arith.addi %mul3A_30, %add3A_31 : i32
    "tpu.region"() ({
      %run_scoped3A_116 = tpu.sem_alloc : memref<!tpu.dma_semaphore, #tpu.memory_space<semaphore_mem>>
      %dma_start3A_117 = arith.constant 0 : i32
      %dma_start3A_118 = tpu.memref_slice %arg10[%add3A_32, %dma_start3A_117] : memref<100352x8xf32, #tpu.memory_space<vmem_shared>> -> memref<784x8xf32, #tpu.memory_space<vmem_shared>>
      %dma_start3A_119 = arith.constant 0 : i32
      %dma_start3A_120 = tpu.memref_slice %arg10[%add3A_32, %dma_start3A_119] : memref<100352x8xf32, #tpu.memory_space<vmem_shared>> -> memref<784x8xf32, #tpu.memory_space<vmem_shared>>
      tpu.enqueue_dma source(%arg9 : memref<784x8xf32, #tpu.memory_space<vmem>>) target(%dma_start3A_120 : memref<784x8xf32, #tpu.memory_space<vmem_shared>>) target_semaphore(%run_scoped3A_116 : memref<!tpu.dma_semaphore, #tpu.memory_space<semaphore_mem>>)
      %dma_wait3A_121 = arith.constant 0 : i32
      %dma_wait3A_122 = tpu.memref_slice %arg10[%add3A_32, %dma_wait3A_121] : memref<100352x8xf32, #tpu.memory_space<vmem_shared>> -> memref<784x8xf32, #tpu.memory_space<vmem_shared>>
      %dma_wait3A_123 = arith.constant 0 : i32
      %dma_wait3A_124 = tpu.memref_slice %arg10[%add3A_32, %dma_wait3A_123] : memref<100352x8xf32, #tpu.memory_space<vmem_shared>> -> memref<784x8xf32, #tpu.memory_space<vmem_shared>>
      tpu.wait_dma2 semaphore(%run_scoped3A_116 : memref<!tpu.dma_semaphore, #tpu.memory_space<semaphore_mem>>) src(%arg9 : memref<784x8xf32, #tpu.memory_space<vmem>>) dst(%dma_wait3A_124 : memref<784x8xf32, #tpu.memory_space<vmem_shared>>)
      tpu.yield
    }) : () -> ()
    %mul3A_33 = arith.constant 6272 : i32
    %mul3A_34 = arith.muli %arg1, %mul3A_33 : i32
    %add3A_35 = arith.constant 5488 : i32
    %add3A_36 = arith.addi %mul3A_34, %add3A_35 : i32
    "tpu.region"() ({
      %run_scoped3A_116 = tpu.sem_alloc : memref<!tpu.dma_semaphore, #tpu.memory_space<semaphore_mem>>
      %dma_start3A_117 = arith.constant 0 : i32
      %dma_start3A_118 = tpu.memref_slice %arg10[%add3A_36, %dma_start3A_117] : memref<100352x8xf32, #tpu.memory_space<vmem_shared>> -> memref<784x8xf32, #tpu.memory_space<vmem_shared>>
      %dma_start3A_119 = arith.constant 0 : i32
      %dma_start3A_120 = tpu.memref_slice %arg10[%add3A_36, %dma_start3A_119] : memref<100352x8xf32, #tpu.memory_space<vmem_shared>> -> memref<784x8xf32, #tpu.memory_space<vmem_shared>>
      tpu.enqueue_dma source(%arg9 : memref<784x8xf32, #tpu.memory_space<vmem>>) target(%dma_start3A_120 : memref<784x8xf32, #tpu.memory_space<vmem_shared>>) target_semaphore(%run_scoped3A_116 : memref<!tpu.dma_semaphore, #tpu.memory_space<semaphore_mem>>)
      %dma_wait3A_121 = arith.constant 0 : i32
      %dma_wait3A_122 = tpu.memref_slice %arg10[%add3A_36, %dma_wait3A_121] : memref<100352x8xf32, #tpu.memory_space<vmem_shared>> -> memref<784x8xf32, #tpu.memory_space<vmem_shared>>
      %dma_wait3A_123 = arith.constant 0 : i32
      %dma_wait3A_124 = tpu.memref_slice %arg10[%add3A_36, %dma_wait3A_123] : memref<100352x8xf32, #tpu.memory_space<vmem_shared>> -> memref<784x8xf32, #tpu.memory_space<vmem_shared>>
      tpu.wait_dma2 semaphore(%run_scoped3A_116 : memref<!tpu.dma_semaphore, #tpu.memory_space<semaphore_mem>>) src(%arg9 : memref<784x8xf32, #tpu.memory_space<vmem>>) dst(%dma_wait3A_124 : memref<784x8xf32, #tpu.memory_space<vmem_shared>>)
      tpu.yield
    }) : () -> ()
    %barrier3A = arith.constant 0 : index
    tpu.barrier barrier_id(%barrier3A)
    %mul3A_37 = arith.constant 204800 : i32
    %mul3A_38 = arith.muli %arg1, %mul3A_37 : i32
    %add3A_39 = arith.constant 0 : i32
    %add3A_40 = arith.addi %mul3A_38, %add3A_39 : i32
    %run_scoped3A = arith.constant 0 : i32
    "tpu.region"() ({
      %run_scoped3A_116 = tpu.sem_alloc : memref<!tpu.dma_semaphore, #tpu.memory_space<semaphore_mem>>
      %dma_start3A_117 = arith.constant 0 : i32
      %dma_start3A_118 = tpu.memref_slice %arg6[%run_scoped3A, %dma_start3A_117] : memref<2x3200xi32, #tpu.memory_space<vmem>> -> memref<1x3200xi32, #tpu.memory_space<vmem>>
      %dma_start3A_119 = tpu.memref_squeeze %dma_start3A_118 : memref<1x3200xi32, #tpu.memory_space<vmem>> -> memref<3200xi32, #tpu.memory_space<vmem>>
      %dma_start3A_120 = tpu.memref_slice %arg3[%add3A_40] : memref<3276800xi32, #tpu.memory_space<hbm>> -> memref<3200xi32, #tpu.memory_space<hbm>>
      %dma_start3A_121 = arith.constant 0 : i32
      %dma_start3A_122 = tpu.memref_slice %arg6[%run_scoped3A, %dma_start3A_121] : memref<2x3200xi32, #tpu.memory_space<vmem>> -> memref<1x3200xi32, #tpu.memory_space<vmem>>
      %dma_start3A_123 = tpu.memref_squeeze %dma_start3A_122 : memref<1x3200xi32, #tpu.memory_space<vmem>> -> memref<3200xi32, #tpu.memory_space<vmem>>
      %dma_start3A_124 = tpu.memref_slice %arg3[%add3A_40] : memref<3276800xi32, #tpu.memory_space<hbm>> -> memref<3200xi32, #tpu.memory_space<hbm>>
      tpu.enqueue_dma source(%dma_start3A_124 : memref<3200xi32, #tpu.memory_space<hbm>>) target(%dma_start3A_123 : memref<3200xi32, #tpu.memory_space<vmem>>) target_semaphore(%run_scoped3A_116 : memref<!tpu.dma_semaphore, #tpu.memory_space<semaphore_mem>>)
      %dma_wait3A_125 = arith.constant 0 : i32
      %dma_wait3A_126 = tpu.memref_slice %arg6[%run_scoped3A, %dma_wait3A_125] : memref<2x3200xi32, #tpu.memory_space<vmem>> -> memref<1x3200xi32, #tpu.memory_space<vmem>>
      %dma_wait3A_127 = tpu.memref_squeeze %dma_wait3A_126 : memref<1x3200xi32, #tpu.memory_space<vmem>> -> memref<3200xi32, #tpu.memory_space<vmem>>
      %dma_wait3A_128 = tpu.memref_slice %arg3[%add3A_40] : memref<3276800xi32, #tpu.memory_space<hbm>> -> memref<3200xi32, #tpu.memory_space<hbm>>
      %dma_wait3A_129 = arith.constant 0 : i32
      %dma_wait3A_130 = tpu.memref_slice %arg6[%run_scoped3A, %dma_wait3A_129] : memref<2x3200xi32, #tpu.memory_space<vmem>> -> memref<1x3200xi32, #tpu.memory_space<vmem>>
      %dma_wait3A_131 = tpu.memref_squeeze %dma_wait3A_130 : memref<1x3200xi32, #tpu.memory_space<vmem>> -> memref<3200xi32, #tpu.memory_space<vmem>>
      %dma_wait3A_132 = tpu.memref_slice %arg3[%add3A_40] : memref<3276800xi32, #tpu.memory_space<hbm>> -> memref<3200xi32, #tpu.memory_space<hbm>>
      tpu.wait_dma2 semaphore(%run_scoped3A_116 : memref<!tpu.dma_semaphore, #tpu.memory_space<semaphore_mem>>) src(%dma_wait3A_132 : memref<3200xi32, #tpu.memory_space<hbm>>) dst(%dma_wait3A_131 : memref<3200xi32, #tpu.memory_space<vmem>>)
      tpu.yield
    }) : () -> ()
    %add3A_41 = arith.constant 0 : i32
    %add3A_42 = arith.addi %mul3A_38, %add3A_41 : i32
    %run_scoped3A_43 = arith.constant 0 : i32
    "tpu.region"() ({
      %run_scoped3A_116 = tpu.sem_alloc : memref<!tpu.dma_semaphore, #tpu.memory_space<semaphore_mem>>
      %dma_start3A_117 = arith.constant 0 : i32
      %dma_start3A_118 = tpu.memref_slice %arg7[%run_scoped3A_43, %dma_start3A_117] : memref<2x3200xi32, #tpu.memory_space<vmem>> -> memref<1x3200xi32, #tpu.memory_space<vmem>>
      %dma_start3A_119 = tpu.memref_squeeze %dma_start3A_118 : memref<1x3200xi32, #tpu.memory_space<vmem>> -> memref<3200xi32, #tpu.memory_space<vmem>>
      %dma_start3A_120 = tpu.memref_slice %arg4[%add3A_42] : memref<3276800xi32, #tpu.memory_space<hbm>> -> memref<3200xi32, #tpu.memory_space<hbm>>
      %dma_start3A_121 = arith.constant 0 : i32
      %dma_start3A_122 = tpu.memref_slice %arg7[%run_scoped3A_43, %dma_start3A_121] : memref<2x3200xi32, #tpu.memory_space<vmem>> -> memref<1x3200xi32, #tpu.memory_space<vmem>>
      %dma_start3A_123 = tpu.memref_squeeze %dma_start3A_122 : memref<1x3200xi32, #tpu.memory_space<vmem>> -> memref<3200xi32, #tpu.memory_space<vmem>>
      %dma_start3A_124 = tpu.memref_slice %arg4[%add3A_42] : memref<3276800xi32, #tpu.memory_space<hbm>> -> memref<3200xi32, #tpu.memory_space<hbm>>
      tpu.enqueue_dma source(%dma_start3A_124 : memref<3200xi32, #tpu.memory_space<hbm>>) target(%dma_start3A_123 : memref<3200xi32, #tpu.memory_space<vmem>>) target_semaphore(%run_scoped3A_116 : memref<!tpu.dma_semaphore, #tpu.memory_space<semaphore_mem>>)
      %dma_wait3A_125 = arith.constant 0 : i32
      %dma_wait3A_126 = tpu.memref_slice %arg7[%run_scoped3A_43, %dma_wait3A_125] : memref<2x3200xi32, #tpu.memory_space<vmem>> -> memref<1x3200xi32, #tpu.memory_space<vmem>>
      %dma_wait3A_127 = tpu.memref_squeeze %dma_wait3A_126 : memref<1x3200xi32, #tpu.memory_space<vmem>> -> memref<3200xi32, #tpu.memory_space<vmem>>
      %dma_wait3A_128 = tpu.memref_slice %arg4[%add3A_42] : memref<3276800xi32, #tpu.memory_space<hbm>> -> memref<3200xi32, #tpu.memory_space<hbm>>
      %dma_wait3A_129 = arith.constant 0 : i32
      %dma_wait3A_130 = tpu.memref_slice %arg7[%run_scoped3A_43, %dma_wait3A_129] : memref<2x3200xi32, #tpu.memory_space<vmem>> -> memref<1x3200xi32, #tpu.memory_space<vmem>>
      %dma_wait3A_131 = tpu.memref_squeeze %dma_wait3A_130 : memref<1x3200xi32, #tpu.memory_space<vmem>> -> memref<3200xi32, #tpu.memory_space<vmem>>
      %dma_wait3A_132 = tpu.memref_slice %arg4[%add3A_42] : memref<3276800xi32, #tpu.memory_space<hbm>> -> memref<3200xi32, #tpu.memory_space<hbm>>
      tpu.wait_dma2 semaphore(%run_scoped3A_116 : memref<!tpu.dma_semaphore, #tpu.memory_space<semaphore_mem>>) src(%dma_wait3A_132 : memref<3200xi32, #tpu.memory_space<hbm>>) dst(%dma_wait3A_131 : memref<3200xi32, #tpu.memory_space<vmem>>)
      tpu.yield
    }) : () -> ()
    %dma_start3A = arith.constant 0 : i32
    %dma_start3A_44 = arith.constant 0 : i32
    %dma_start3A_45 = arith.constant 0 : i32
    %dma_start3A_46 = arith.constant 0 : i32
    %dma_start3A_47 = tpu.memref_slice %arg8[%dma_start3A_44, %dma_start3A_45, %dma_start3A_46] : memref<2x3200x8xf32, #tpu.memory_space<vmem>> -> memref<1x3200x8xf32, #tpu.memory_space<vmem>>
    %dma_start3A_48 = tpu.memref_squeeze %dma_start3A_47 : memref<1x3200x8xf32, #tpu.memory_space<vmem>> -> memref<3200x8xf32, #tpu.memory_space<vmem>>
    %dma_start3A_49 = arith.constant 0 : i32
    %dma_start3A_50 = tpu.memref_slice %arg6[%dma_start3A, %dma_start3A_49] : memref<2x3200xi32, #tpu.memory_space<vmem>> -> memref<1x3200xi32, #tpu.memory_space<vmem>>
    %dma_start3A_51 = tpu.memref_squeeze %dma_start3A_50 : memref<1x3200xi32, #tpu.memory_space<vmem>> -> memref<3200xi32, #tpu.memory_space<vmem>>
    %dma_start3A_52 = arith.constant 0 : i32
    %dma_start3A_53 = arith.constant 0 : i32
    %dma_start3A_54 = tpu.memref_slice %arg2[%arg0, %dma_start3A_52, %dma_start3A_53] : memref<2x100352x8xf32, #tpu.memory_space<hbm>> -> memref<1x100352x8xf32, #tpu.memory_space<hbm>>
    %dma_start3A_55 = tpu.memref_squeeze %dma_start3A_54 : memref<1x100352x8xf32, #tpu.memory_space<hbm>> -> memref<100352x8xf32, #tpu.memory_space<hbm>>
    %dma_start3A_56 = arith.constant 0 : i32
    %dma_start3A_57 = arith.constant 0 : i32
    %dma_start3A_58 = tpu.memref_slice %dma_start3A_55[%dma_start3A_56, %dma_start3A_57] : memref<100352x8xf32, #tpu.memory_space<hbm>> -> memref<100352x8xf32, #tpu.memory_space<hbm>>
    tpu.enqueue_indirect_dma source(%dma_start3A_58 : memref<100352x8xf32, #tpu.memory_space<hbm>>) target(%dma_start3A_48 : memref<3200x8xf32, #tpu.memory_space<vmem>>) offsets(%dma_start3A_51 : memref<3200xi32, #tpu.memory_space<vmem>>) semaphore(%arg11 : memref<!tpu.dma_semaphore, #tpu.memory_space<semaphore_mem>>)
    %add3A_59 = arith.constant 3200 : i32
    %add3A_60 = arith.addi %mul3A_38, %add3A_59 : i32
    %run_scoped3A_61 = arith.constant 1 : i32
    "tpu.region"() ({
      %run_scoped3A_116 = tpu.sem_alloc : memref<!tpu.dma_semaphore, #tpu.memory_space<semaphore_mem>>
      %dma_start3A_117 = arith.constant 0 : i32
      %dma_start3A_118 = tpu.memref_slice %arg6[%run_scoped3A_61, %dma_start3A_117] : memref<2x3200xi32, #tpu.memory_space<vmem>> -> memref<1x3200xi32, #tpu.memory_space<vmem>>
      %dma_start3A_119 = tpu.memref_squeeze %dma_start3A_118 : memref<1x3200xi32, #tpu.memory_space<vmem>> -> memref<3200xi32, #tpu.memory_space<vmem>>
      %dma_start3A_120 = tpu.memref_slice %arg3[%add3A_60] : memref<3276800xi32, #tpu.memory_space<hbm>> -> memref<3200xi32, #tpu.memory_space<hbm>>
      %dma_start3A_121 = arith.constant 0 : i32
      %dma_start3A_122 = tpu.memref_slice %arg6[%run_scoped3A_61, %dma_start3A_121] : memref<2x3200xi32, #tpu.memory_space<vmem>> -> memref<1x3200xi32, #tpu.memory_space<vmem>>
      %dma_start3A_123 = tpu.memref_squeeze %dma_start3A_122 : memref<1x3200xi32, #tpu.memory_space<vmem>> -> memref<3200xi32, #tpu.memory_space<vmem>>
      %dma_start3A_124 = tpu.memref_slice %arg3[%add3A_60] : memref<3276800xi32, #tpu.memory_space<hbm>> -> memref<3200xi32, #tpu.memory_space<hbm>>
      tpu.enqueue_dma source(%dma_start3A_124 : memref<3200xi32, #tpu.memory_space<hbm>>) target(%dma_start3A_123 : memref<3200xi32, #tpu.memory_space<vmem>>) target_semaphore(%run_scoped3A_116 : memref<!tpu.dma_semaphore, #tpu.memory_space<semaphore_mem>>)
      %dma_wait3A_125 = arith.constant 0 : i32
      %dma_wait3A_126 = tpu.memref_slice %arg6[%run_scoped3A_61, %dma_wait3A_125] : memref<2x3200xi32, #tpu.memory_space<vmem>> -> memref<1x3200xi32, #tpu.memory_space<vmem>>
      %dma_wait3A_127 = tpu.memref_squeeze %dma_wait3A_126 : memref<1x3200xi32, #tpu.memory_space<vmem>> -> memref<3200xi32, #tpu.memory_space<vmem>>
      %dma_wait3A_128 = tpu.memref_slice %arg3[%add3A_60] : memref<3276800xi32, #tpu.memory_space<hbm>> -> memref<3200xi32, #tpu.memory_space<hbm>>
      %dma_wait3A_129 = arith.constant 0 : i32
      %dma_wait3A_130 = tpu.memref_slice %arg6[%run_scoped3A_61, %dma_wait3A_129] : memref<2x3200xi32, #tpu.memory_space<vmem>> -> memref<1x3200xi32, #tpu.memory_space<vmem>>
      %dma_wait3A_131 = tpu.memref_squeeze %dma_wait3A_130 : memref<1x3200xi32, #tpu.memory_space<vmem>> -> memref<3200xi32, #tpu.memory_space<vmem>>
      %dma_wait3A_132 = tpu.memref_slice %arg3[%add3A_60] : memref<3276800xi32, #tpu.memory_space<hbm>> -> memref<3200xi32, #tpu.memory_space<hbm>>
      tpu.wait_dma2 semaphore(%run_scoped3A_116 : memref<!tpu.dma_semaphore, #tpu.memory_space<semaphore_mem>>) src(%dma_wait3A_132 : memref<3200xi32, #tpu.memory_space<hbm>>) dst(%dma_wait3A_131 : memref<3200xi32, #tpu.memory_space<vmem>>)
      tpu.yield
    }) : () -> ()
    %add3A_62 = arith.constant 3200 : i32
    %add3A_63 = arith.addi %mul3A_38, %add3A_62 : i32
    %run_scoped3A_64 = arith.constant 1 : i32
    "tpu.region"() ({
      %run_scoped3A_116 = tpu.sem_alloc : memref<!tpu.dma_semaphore, #tpu.memory_space<semaphore_mem>>
      %dma_start3A_117 = arith.constant 0 : i32
      %dma_start3A_118 = tpu.memref_slice %arg7[%run_scoped3A_64, %dma_start3A_117] : memref<2x3200xi32, #tpu.memory_space<vmem>> -> memref<1x3200xi32, #tpu.memory_space<vmem>>
      %dma_start3A_119 = tpu.memref_squeeze %dma_start3A_118 : memref<1x3200xi32, #tpu.memory_space<vmem>> -> memref<3200xi32, #tpu.memory_space<vmem>>
      %dma_start3A_120 = tpu.memref_slice %arg4[%add3A_63] : memref<3276800xi32, #tpu.memory_space<hbm>> -> memref<3200xi32, #tpu.memory_space<hbm>>
      %dma_start3A_121 = arith.constant 0 : i32
      %dma_start3A_122 = tpu.memref_slice %arg7[%run_scoped3A_64, %dma_start3A_121] : memref<2x3200xi32, #tpu.memory_space<vmem>> -> memref<1x3200xi32, #tpu.memory_space<vmem>>
      %dma_start3A_123 = tpu.memref_squeeze %dma_start3A_122 : memref<1x3200xi32, #tpu.memory_space<vmem>> -> memref<3200xi32, #tpu.memory_space<vmem>>
      %dma_start3A_124 = tpu.memref_slice %arg4[%add3A_63] : memref<3276800xi32, #tpu.memory_space<hbm>> -> memref<3200xi32, #tpu.memory_space<hbm>>
      tpu.enqueue_dma source(%dma_start3A_124 : memref<3200xi32, #tpu.memory_space<hbm>>) target(%dma_start3A_123 : memref<3200xi32, #tpu.memory_space<vmem>>) target_semaphore(%run_scoped3A_116 : memref<!tpu.dma_semaphore, #tpu.memory_space<semaphore_mem>>)
      %dma_wait3A_125 = arith.constant 0 : i32
      %dma_wait3A_126 = tpu.memref_slice %arg7[%run_scoped3A_64, %dma_wait3A_125] : memref<2x3200xi32, #tpu.memory_space<vmem>> -> memref<1x3200xi32, #tpu.memory_space<vmem>>
      %dma_wait3A_127 = tpu.memref_squeeze %dma_wait3A_126 : memref<1x3200xi32, #tpu.memory_space<vmem>> -> memref<3200xi32, #tpu.memory_space<vmem>>
      %dma_wait3A_128 = tpu.memref_slice %arg4[%add3A_63] : memref<3276800xi32, #tpu.memory_space<hbm>> -> memref<3200xi32, #tpu.memory_space<hbm>>
      %dma_wait3A_129 = arith.constant 0 : i32
      %dma_wait3A_130 = tpu.memref_slice %arg7[%run_scoped3A_64, %dma_wait3A_129] : memref<2x3200xi32, #tpu.memory_space<vmem>> -> memref<1x3200xi32, #tpu.memory_space<vmem>>
      %dma_wait3A_131 = tpu.memref_squeeze %dma_wait3A_130 : memref<1x3200xi32, #tpu.memory_space<vmem>> -> memref<3200xi32, #tpu.memory_space<vmem>>
      %dma_wait3A_132 = tpu.memref_slice %arg4[%add3A_63] : memref<3276800xi32, #tpu.memory_space<hbm>> -> memref<3200xi32, #tpu.memory_space<hbm>>
      tpu.wait_dma2 semaphore(%run_scoped3A_116 : memref<!tpu.dma_semaphore, #tpu.memory_space<semaphore_mem>>) src(%dma_wait3A_132 : memref<3200xi32, #tpu.memory_space<hbm>>) dst(%dma_wait3A_131 : memref<3200xi32, #tpu.memory_space<vmem>>)
      tpu.yield
    }) : () -> ()
    %dma_start3A_65 = arith.constant 1 : i32
    %dma_start3A_66 = arith.constant 1 : i32
    %dma_start3A_67 = arith.constant 0 : i32
    %dma_start3A_68 = arith.constant 0 : i32
    %dma_start3A_69 = tpu.memref_slice %arg8[%dma_start3A_66, %dma_start3A_67, %dma_start3A_68] : memref<2x3200x8xf32, #tpu.memory_space<vmem>> -> memref<1x3200x8xf32, #tpu.memory_space<vmem>>
    %dma_start3A_70 = tpu.memref_squeeze %dma_start3A_69 : memref<1x3200x8xf32, #tpu.memory_space<vmem>> -> memref<3200x8xf32, #tpu.memory_space<vmem>>
    %dma_start3A_71 = arith.constant 0 : i32
    %dma_start3A_72 = tpu.memref_slice %arg6[%dma_start3A_65, %dma_start3A_71] : memref<2x3200xi32, #tpu.memory_space<vmem>> -> memref<1x3200xi32, #tpu.memory_space<vmem>>
    %dma_start3A_73 = tpu.memref_squeeze %dma_start3A_72 : memref<1x3200xi32, #tpu.memory_space<vmem>> -> memref<3200xi32, #tpu.memory_space<vmem>>
    %dma_start3A_74 = arith.constant 0 : i32
    %dma_start3A_75 = arith.constant 0 : i32
    %dma_start3A_76 = tpu.memref_slice %arg2[%arg0, %dma_start3A_74, %dma_start3A_75] : memref<2x100352x8xf32, #tpu.memory_space<hbm>> -> memref<1x100352x8xf32, #tpu.memory_space<hbm>>
    %dma_start3A_77 = tpu.memref_squeeze %dma_start3A_76 : memref<1x100352x8xf32, #tpu.memory_space<hbm>> -> memref<100352x8xf32, #tpu.memory_space<hbm>>
    %dma_start3A_78 = arith.constant 0 : i32
    %dma_start3A_79 = arith.constant 0 : i32
    %dma_start3A_80 = tpu.memref_slice %dma_start3A_77[%dma_start3A_78, %dma_start3A_79] : memref<100352x8xf32, #tpu.memory_space<hbm>> -> memref<100352x8xf32, #tpu.memory_space<hbm>>
    tpu.enqueue_indirect_dma source(%dma_start3A_80 : memref<100352x8xf32, #tpu.memory_space<hbm>>) target(%dma_start3A_70 : memref<3200x8xf32, #tpu.memory_space<vmem>>) offsets(%dma_start3A_73 : memref<3200xi32, #tpu.memory_space<vmem>>) semaphore(%arg12 : memref<!tpu.dma_semaphore, #tpu.memory_space<semaphore_mem>>)
    %scan3A_81 = arith.constant 0 : i32
    %scan3A_82 = arith.constant 0 : i32
    %scan3A_83 = arith.constant 32 : i32
    %scan3A_84 = arith.addi %scan3A_82, %scan3A_83 : i32
    %scan3A_85 = arith.constant 1 : i32
    %scan3A_86 = scf.for %scan3A_116 = %scan3A_82 to %scan3A_84 step %scan3A_85 iter_args(%scan3A_117 = %scan3A_81) -> (i32)  : i32 {
      %mul3A_118 = arith.constant 2 : i32
      %mul3A_119 = arith.muli %mul3A_118, %scan3A_116 : i32
      %dma_wait3A_120 = arith.constant 0 : i32
      %dma_wait3A_121 = arith.constant 0 : i32
      %dma_wait3A_122 = arith.constant 0 : i32
      %dma_wait3A_123 = arith.constant 0 : i32
      %dma_wait3A_124 = tpu.memref_slice %arg8[%dma_wait3A_121, %dma_wait3A_122, %dma_wait3A_123] : memref<2x3200x8xf32, #tpu.memory_space<vmem>> -> memref<1x3200x8xf32, #tpu.memory_space<vmem>>
      %dma_wait3A_125 = tpu.memref_squeeze %dma_wait3A_124 : memref<1x3200x8xf32, #tpu.memory_space<vmem>> -> memref<3200x8xf32, #tpu.memory_space<vmem>>
      %dma_wait3A_126 = arith.constant 0 : i32
      %dma_wait3A_127 = tpu.memref_slice %arg6[%dma_wait3A_120, %dma_wait3A_126] : memref<2x3200xi32, #tpu.memory_space<vmem>> -> memref<1x3200xi32, #tpu.memory_space<vmem>>
      %dma_wait3A_128 = tpu.memref_squeeze %dma_wait3A_127 : memref<1x3200xi32, #tpu.memory_space<vmem>> -> memref<3200xi32, #tpu.memory_space<vmem>>
      %dma_wait3A_129 = arith.constant 0 : i32
      %dma_wait3A_130 = arith.constant 0 : i32
      %dma_wait3A_131 = tpu.memref_slice %arg2[%arg0, %dma_wait3A_129, %dma_wait3A_130] : memref<2x100352x8xf32, #tpu.memory_space<hbm>> -> memref<1x100352x8xf32, #tpu.memory_space<hbm>>
      %dma_wait3A_132 = tpu.memref_squeeze %dma_wait3A_131 : memref<1x100352x8xf32, #tpu.memory_space<hbm>> -> memref<100352x8xf32, #tpu.memory_space<hbm>>
      %dma_wait3A_133 = arith.constant 0 : i32
      %dma_wait3A_134 = arith.constant 0 : i32
      %dma_wait3A_135 = tpu.memref_slice %dma_wait3A_132[%dma_wait3A_133, %dma_wait3A_134] : memref<100352x8xf32, #tpu.memory_space<hbm>> -> memref<100352x8xf32, #tpu.memory_space<hbm>>
      tpu.wait_indirect_dma semaphore(%arg11 : memref<!tpu.dma_semaphore, #tpu.memory_space<semaphore_mem>>) src(%dma_wait3A_135 : memref<100352x8xf32, #tpu.memory_space<hbm>>) dst(%dma_wait3A_125 : memref<3200x8xf32, #tpu.memory_space<vmem>>)
      %dma_start3A_136 = arith.constant 0 : i32
      %dma_start3A_137 = arith.constant 0 : i32
      %dma_start3A_138 = arith.constant 0 : i32
      %dma_start3A_139 = arith.constant 0 : i32
      %dma_start3A_140 = tpu.memref_slice %arg8[%dma_start3A_136, %dma_start3A_138, %dma_start3A_139] : memref<2x3200x8xf32, #tpu.memory_space<vmem>> -> memref<1x3200x8xf32, #tpu.memory_space<vmem>>
      %dma_start3A_141 = tpu.memref_squeeze %dma_start3A_140 : memref<1x3200x8xf32, #tpu.memory_space<vmem>> -> memref<3200x8xf32, #tpu.memory_space<vmem>>
      %dma_start3A_142 = arith.constant 0 : i32
      %dma_start3A_143 = tpu.memref_slice %arg7[%dma_start3A_137, %dma_start3A_142] : memref<2x3200xi32, #tpu.memory_space<vmem>> -> memref<1x3200xi32, #tpu.memory_space<vmem>>
      %dma_start3A_144 = tpu.memref_squeeze %dma_start3A_143 : memref<1x3200xi32, #tpu.memory_space<vmem>> -> memref<3200xi32, #tpu.memory_space<vmem>>
      %dma_start3A_145 = arith.constant 0 : i32
      %dma_start3A_146 = arith.constant 0 : i32
      %dma_start3A_147 = tpu.memref_slice %arg10[%dma_start3A_145, %dma_start3A_146] : memref<100352x8xf32, #tpu.memory_space<vmem_shared>> -> memref<100352x8xf32, #tpu.memory_space<vmem_shared>>
      tpu.enqueue_indirect_dma source(%dma_start3A_141 : memref<3200x8xf32, #tpu.memory_space<vmem>>) target(%dma_start3A_147 : memref<100352x8xf32, #tpu.memory_space<vmem_shared>>) offsets(%dma_start3A_144 : memref<3200xi32, #tpu.memory_space<vmem>>) semaphore(%arg13 : memref<!tpu.dma_semaphore, #tpu.memory_space<semaphore_mem>>) {add = true}
      %dma_wait3A_148 = arith.constant 1 : i32
      %dma_wait3A_149 = arith.constant 1 : i32
      %dma_wait3A_150 = arith.constant 0 : i32
      %dma_wait3A_151 = arith.constant 0 : i32
      %dma_wait3A_152 = tpu.memref_slice %arg8[%dma_wait3A_149, %dma_wait3A_150, %dma_wait3A_151] : memref<2x3200x8xf32, #tpu.memory_space<vmem>> -> memref<1x3200x8xf32, #tpu.memory_space<vmem>>
      %dma_wait3A_153 = tpu.memref_squeeze %dma_wait3A_152 : memref<1x3200x8xf32, #tpu.memory_space<vmem>> -> memref<3200x8xf32, #tpu.memory_space<vmem>>
      %dma_wait3A_154 = arith.constant 0 : i32
      %dma_wait3A_155 = tpu.memref_slice %arg6[%dma_wait3A_148, %dma_wait3A_154] : memref<2x3200xi32, #tpu.memory_space<vmem>> -> memref<1x3200xi32, #tpu.memory_space<vmem>>
      %dma_wait3A_156 = tpu.memref_squeeze %dma_wait3A_155 : memref<1x3200xi32, #tpu.memory_space<vmem>> -> memref<3200xi32, #tpu.memory_space<vmem>>
      %dma_wait3A_157 = arith.constant 0 : i32
      %dma_wait3A_158 = arith.constant 0 : i32
      %dma_wait3A_159 = tpu.memref_slice %arg2[%arg0, %dma_wait3A_157, %dma_wait3A_158] : memref<2x100352x8xf32, #tpu.memory_space<hbm>> -> memref<1x100352x8xf32, #tpu.memory_space<hbm>>
      %dma_wait3A_160 = tpu.memref_squeeze %dma_wait3A_159 : memref<1x100352x8xf32, #tpu.memory_space<hbm>> -> memref<100352x8xf32, #tpu.memory_space<hbm>>
      %dma_wait3A_161 = arith.constant 0 : i32
      %dma_wait3A_162 = arith.constant 0 : i32
      %dma_wait3A_163 = tpu.memref_slice %dma_wait3A_160[%dma_wait3A_161, %dma_wait3A_162] : memref<100352x8xf32, #tpu.memory_space<hbm>> -> memref<100352x8xf32, #tpu.memory_space<hbm>>
      tpu.wait_indirect_dma semaphore(%arg12 : memref<!tpu.dma_semaphore, #tpu.memory_space<semaphore_mem>>) src(%dma_wait3A_163 : memref<100352x8xf32, #tpu.memory_space<hbm>>) dst(%dma_wait3A_153 : memref<3200x8xf32, #tpu.memory_space<vmem>>)
      %dma_start3A_164 = arith.constant 1 : i32
      %dma_start3A_165 = arith.constant 1 : i32
      %dma_start3A_166 = arith.constant 0 : i32
      %dma_start3A_167 = arith.constant 0 : i32
      %dma_start3A_168 = tpu.memref_slice %arg8[%dma_start3A_164, %dma_start3A_166, %dma_start3A_167] : memref<2x3200x8xf32, #tpu.memory_space<vmem>> -> memref<1x3200x8xf32, #tpu.memory_space<vmem>>
      %dma_start3A_169 = tpu.memref_squeeze %dma_start3A_168 : memref<1x3200x8xf32, #tpu.memory_space<vmem>> -> memref<3200x8xf32, #tpu.memory_space<vmem>>
      %dma_start3A_170 = arith.constant 0 : i32
      %dma_start3A_171 = tpu.memref_slice %arg7[%dma_start3A_165, %dma_start3A_170] : memref<2x3200xi32, #tpu.memory_space<vmem>> -> memref<1x3200xi32, #tpu.memory_space<vmem>>
      %dma_start3A_172 = tpu.memref_squeeze %dma_start3A_171 : memref<1x3200xi32, #tpu.memory_space<vmem>> -> memref<3200xi32, #tpu.memory_space<vmem>>
      %dma_start3A_173 = arith.constant 0 : i32
      %dma_start3A_174 = arith.constant 0 : i32
      %dma_start3A_175 = tpu.memref_slice %arg10[%dma_start3A_173, %dma_start3A_174] : memref<100352x8xf32, #tpu.memory_space<vmem_shared>> -> memref<100352x8xf32, #tpu.memory_space<vmem_shared>>
      tpu.enqueue_indirect_dma source(%dma_start3A_169 : memref<3200x8xf32, #tpu.memory_space<vmem>>) target(%dma_start3A_175 : memref<100352x8xf32, #tpu.memory_space<vmem_shared>>) offsets(%dma_start3A_172 : memref<3200xi32, #tpu.memory_space<vmem>>) semaphore(%arg14 : memref<!tpu.dma_semaphore, #tpu.memory_space<semaphore_mem>>) {add = true}
      %lt3A = arith.constant 31 : i32
      %lt3A_176 = arith.cmpi slt, %scan3A_116, %lt3A : i32
      %convert_element_type3A = arith.extui %lt3A_176 : i1 to i32
      %cond3A = arith.constant 0 : i32
      %cond3A_177 = arith.cmpi ne, %convert_element_type3A, %cond3A : i32
      scf.if %cond3A_177 {
        %dma_wait3A_179 = arith.constant 0 : i32
        %dma_wait3A_180 = arith.constant 0 : i32
        %dma_wait3A_181 = arith.constant 0 : i32
        %dma_wait3A_182 = arith.constant 0 : i32
        %dma_wait3A_183 = tpu.memref_slice %arg8[%dma_wait3A_179, %dma_wait3A_181, %dma_wait3A_182] : memref<2x3200x8xf32, #tpu.memory_space<vmem>> -> memref<1x3200x8xf32, #tpu.memory_space<vmem>>
        %dma_wait3A_184 = tpu.memref_squeeze %dma_wait3A_183 : memref<1x3200x8xf32, #tpu.memory_space<vmem>> -> memref<3200x8xf32, #tpu.memory_space<vmem>>
        %dma_wait3A_185 = arith.constant 0 : i32
        %dma_wait3A_186 = tpu.memref_slice %arg7[%dma_wait3A_180, %dma_wait3A_185] : memref<2x3200xi32, #tpu.memory_space<vmem>> -> memref<1x3200xi32, #tpu.memory_space<vmem>>
        %dma_wait3A_187 = tpu.memref_squeeze %dma_wait3A_186 : memref<1x3200xi32, #tpu.memory_space<vmem>> -> memref<3200xi32, #tpu.memory_space<vmem>>
        %dma_wait3A_188 = arith.constant 0 : i32
        %dma_wait3A_189 = arith.constant 0 : i32
        %dma_wait3A_190 = tpu.memref_slice %arg10[%dma_wait3A_188, %dma_wait3A_189] : memref<100352x8xf32, #tpu.memory_space<vmem_shared>> -> memref<100352x8xf32, #tpu.memory_space<vmem_shared>>
        tpu.wait_indirect_dma semaphore(%arg13 : memref<!tpu.dma_semaphore, #tpu.memory_space<semaphore_mem>>) src(%dma_wait3A_184 : memref<3200x8xf32, #tpu.memory_space<vmem>>) dst(%dma_wait3A_190 : memref<100352x8xf32, #tpu.memory_space<vmem_shared>>)
        %add3A_191 = arith.constant 2 : i32
        %add3A_192 = arith.addi %mul3A_119, %add3A_191 : i32
        %mul3A_193 = arith.constant 3200 : i32
        %mul3A_194 = arith.muli %add3A_192, %mul3A_193 : i32
        %add3A_195 = arith.addi %mul3A_38, %mul3A_194 : i32
        %run_scoped3A_196 = arith.constant 0 : i32
        "tpu.region"() ({
          %run_scoped3A_255 = tpu.sem_alloc : memref<!tpu.dma_semaphore, #tpu.memory_space<semaphore_mem>>
          %dma_start3A_256 = arith.constant 0 : i32
          %dma_start3A_257 = tpu.memref_slice %arg6[%run_scoped3A_196, %dma_start3A_256] : memref<2x3200xi32, #tpu.memory_space<vmem>> -> memref<1x3200xi32, #tpu.memory_space<vmem>>
          %dma_start3A_258 = tpu.memref_squeeze %dma_start3A_257 : memref<1x3200xi32, #tpu.memory_space<vmem>> -> memref<3200xi32, #tpu.memory_space<vmem>>
          %dma_start3A_259 = tpu.memref_slice %arg3[%add3A_195] : memref<3276800xi32, #tpu.memory_space<hbm>> -> memref<3200xi32, #tpu.memory_space<hbm>>
          %dma_start3A_260 = arith.constant 0 : i32
          %dma_start3A_261 = tpu.memref_slice %arg6[%run_scoped3A_196, %dma_start3A_260] : memref<2x3200xi32, #tpu.memory_space<vmem>> -> memref<1x3200xi32, #tpu.memory_space<vmem>>
          %dma_start3A_262 = tpu.memref_squeeze %dma_start3A_261 : memref<1x3200xi32, #tpu.memory_space<vmem>> -> memref<3200xi32, #tpu.memory_space<vmem>>
          %dma_start3A_263 = tpu.memref_slice %arg3[%add3A_195] : memref<3276800xi32, #tpu.memory_space<hbm>> -> memref<3200xi32, #tpu.memory_space<hbm>>
          tpu.enqueue_dma source(%dma_start3A_263 : memref<3200xi32, #tpu.memory_space<hbm>>) target(%dma_start3A_262 : memref<3200xi32, #tpu.memory_space<vmem>>) target_semaphore(%run_scoped3A_255 : memref<!tpu.dma_semaphore, #tpu.memory_space<semaphore_mem>>)
          %dma_wait3A_264 = arith.constant 0 : i32
          %dma_wait3A_265 = tpu.memref_slice %arg6[%run_scoped3A_196, %dma_wait3A_264] : memref<2x3200xi32, #tpu.memory_space<vmem>> -> memref<1x3200xi32, #tpu.memory_space<vmem>>
          %dma_wait3A_266 = tpu.memref_squeeze %dma_wait3A_265 : memref<1x3200xi32, #tpu.memory_space<vmem>> -> memref<3200xi32, #tpu.memory_space<vmem>>
          %dma_wait3A_267 = tpu.memref_slice %arg3[%add3A_195] : memref<3276800xi32, #tpu.memory_space<hbm>> -> memref<3200xi32, #tpu.memory_space<hbm>>
          %dma_wait3A_268 = arith.constant 0 : i32
          %dma_wait3A_269 = tpu.memref_slice %arg6[%run_scoped3A_196, %dma_wait3A_268] : memref<2x3200xi32, #tpu.memory_space<vmem>> -> memref<1x3200xi32, #tpu.memory_space<vmem>>
          %dma_wait3A_270 = tpu.memref_squeeze %dma_wait3A_269 : memref<1x3200xi32, #tpu.memory_space<vmem>> -> memref<3200xi32, #tpu.memory_space<vmem>>
          %dma_wait3A_271 = tpu.memref_slice %arg3[%add3A_195] : memref<3276800xi32, #tpu.memory_space<hbm>> -> memref<3200xi32, #tpu.memory_space<hbm>>
          tpu.wait_dma2 semaphore(%run_scoped3A_255 : memref<!tpu.dma_semaphore, #tpu.memory_space<semaphore_mem>>) src(%dma_wait3A_271 : memref<3200xi32, #tpu.memory_space<hbm>>) dst(%dma_wait3A_270 : memref<3200xi32, #tpu.memory_space<vmem>>)
          tpu.yield
        }) : () -> ()
        %mul3A_197 = arith.constant 3200 : i32
        %mul3A_198 = arith.muli %add3A_192, %mul3A_197 : i32
        %add3A_199 = arith.addi %mul3A_38, %mul3A_198 : i32
        %run_scoped3A_200 = arith.constant 0 : i32
        "tpu.region"() ({
          %run_scoped3A_255 = tpu.sem_alloc : memref<!tpu.dma_semaphore, #tpu.memory_space<semaphore_mem>>
          %dma_start3A_256 = arith.constant 0 : i32
          %dma_start3A_257 = tpu.memref_slice %arg7[%run_scoped3A_200, %dma_start3A_256] : memref<2x3200xi32, #tpu.memory_space<vmem>> -> memref<1x3200xi32, #tpu.memory_space<vmem>>
          %dma_start3A_258 = tpu.memref_squeeze %dma_start3A_257 : memref<1x3200xi32, #tpu.memory_space<vmem>> -> memref<3200xi32, #tpu.memory_space<vmem>>
          %dma_start3A_259 = tpu.memref_slice %arg4[%add3A_199] : memref<3276800xi32, #tpu.memory_space<hbm>> -> memref<3200xi32, #tpu.memory_space<hbm>>
          %dma_start3A_260 = arith.constant 0 : i32
          %dma_start3A_261 = tpu.memref_slice %arg7[%run_scoped3A_200, %dma_start3A_260] : memref<2x3200xi32, #tpu.memory_space<vmem>> -> memref<1x3200xi32, #tpu.memory_space<vmem>>
          %dma_start3A_262 = tpu.memref_squeeze %dma_start3A_261 : memref<1x3200xi32, #tpu.memory_space<vmem>> -> memref<3200xi32, #tpu.memory_space<vmem>>
          %dma_start3A_263 = tpu.memref_slice %arg4[%add3A_199] : memref<3276800xi32, #tpu.memory_space<hbm>> -> memref<3200xi32, #tpu.memory_space<hbm>>
          tpu.enqueue_dma source(%dma_start3A_263 : memref<3200xi32, #tpu.memory_space<hbm>>) target(%dma_start3A_262 : memref<3200xi32, #tpu.memory_space<vmem>>) target_semaphore(%run_scoped3A_255 : memref<!tpu.dma_semaphore, #tpu.memory_space<semaphore_mem>>)
          %dma_wait3A_264 = arith.constant 0 : i32
          %dma_wait3A_265 = tpu.memref_slice %arg7[%run_scoped3A_200, %dma_wait3A_264] : memref<2x3200xi32, #tpu.memory_space<vmem>> -> memref<1x3200xi32, #tpu.memory_space<vmem>>
          %dma_wait3A_266 = tpu.memref_squeeze %dma_wait3A_265 : memref<1x3200xi32, #tpu.memory_space<vmem>> -> memref<3200xi32, #tpu.memory_space<vmem>>
          %dma_wait3A_267 = tpu.memref_slice %arg4[%add3A_199] : memref<3276800xi32, #tpu.memory_space<hbm>> -> memref<3200xi32, #tpu.memory_space<hbm>>
          %dma_wait3A_268 = arith.constant 0 : i32
          %dma_wait3A_269 = tpu.memref_slice %arg7[%run_scoped3A_200, %dma_wait3A_268] : memref<2x3200xi32, #tpu.memory_space<vmem>> -> memref<1x3200xi32, #tpu.memory_space<vmem>>
          %dma_wait3A_270 = tpu.memref_squeeze %dma_wait3A_269 : memref<1x3200xi32, #tpu.memory_space<vmem>> -> memref<3200xi32, #tpu.memory_space<vmem>>
          %dma_wait3A_271 = tpu.memref_slice %arg4[%add3A_199] : memref<3276800xi32, #tpu.memory_space<hbm>> -> memref<3200xi32, #tpu.memory_space<hbm>>
          tpu.wait_dma2 semaphore(%run_scoped3A_255 : memref<!tpu.dma_semaphore, #tpu.memory_space<semaphore_mem>>) src(%dma_wait3A_271 : memref<3200xi32, #tpu.memory_space<hbm>>) dst(%dma_wait3A_270 : memref<3200xi32, #tpu.memory_space<vmem>>)
          tpu.yield
        }) : () -> ()
        %dma_start3A_201 = arith.constant 0 : i32
        %dma_start3A_202 = arith.constant 0 : i32
        %dma_start3A_203 = arith.constant 0 : i32
        %dma_start3A_204 = arith.constant 0 : i32
        %dma_start3A_205 = tpu.memref_slice %arg8[%dma_start3A_202, %dma_start3A_203, %dma_start3A_204] : memref<2x3200x8xf32, #tpu.memory_space<vmem>> -> memref<1x3200x8xf32, #tpu.memory_space<vmem>>
        %dma_start3A_206 = tpu.memref_squeeze %dma_start3A_205 : memref<1x3200x8xf32, #tpu.memory_space<vmem>> -> memref<3200x8xf32, #tpu.memory_space<vmem>>
        %dma_start3A_207 = arith.constant 0 : i32
        %dma_start3A_208 = tpu.memref_slice %arg6[%dma_start3A_201, %dma_start3A_207] : memref<2x3200xi32, #tpu.memory_space<vmem>> -> memref<1x3200xi32, #tpu.memory_space<vmem>>
        %dma_start3A_209 = tpu.memref_squeeze %dma_start3A_208 : memref<1x3200xi32, #tpu.memory_space<vmem>> -> memref<3200xi32, #tpu.memory_space<vmem>>
        %dma_start3A_210 = arith.constant 0 : i32
        %dma_start3A_211 = arith.constant 0 : i32
        %dma_start3A_212 = tpu.memref_slice %arg2[%arg0, %dma_start3A_210, %dma_start3A_211] : memref<2x100352x8xf32, #tpu.memory_space<hbm>> -> memref<1x100352x8xf32, #tpu.memory_space<hbm>>
        %dma_start3A_213 = tpu.memref_squeeze %dma_start3A_212 : memref<1x100352x8xf32, #tpu.memory_space<hbm>> -> memref<100352x8xf32, #tpu.memory_space<hbm>>
        %dma_start3A_214 = arith.constant 0 : i32
        %dma_start3A_215 = arith.constant 0 : i32
        %dma_start3A_216 = tpu.memref_slice %dma_start3A_213[%dma_start3A_214, %dma_start3A_215] : memref<100352x8xf32, #tpu.memory_space<hbm>> -> memref<100352x8xf32, #tpu.memory_space<hbm>>
        tpu.enqueue_indirect_dma source(%dma_start3A_216 : memref<100352x8xf32, #tpu.memory_space<hbm>>) target(%dma_start3A_206 : memref<3200x8xf32, #tpu.memory_space<vmem>>) offsets(%dma_start3A_209 : memref<3200xi32, #tpu.memory_space<vmem>>) semaphore(%arg11 : memref<!tpu.dma_semaphore, #tpu.memory_space<semaphore_mem>>)
        %dma_wait3A_217 = arith.constant 1 : i32
        %dma_wait3A_218 = arith.constant 1 : i32
        %dma_wait3A_219 = arith.constant 0 : i32
        %dma_wait3A_220 = arith.constant 0 : i32
        %dma_wait3A_221 = tpu.memref_slice %arg8[%dma_wait3A_217, %dma_wait3A_219, %dma_wait3A_220] : memref<2x3200x8xf32, #tpu.memory_space<vmem>> -> memref<1x3200x8xf32, #tpu.memory_space<vmem>>
        %dma_wait3A_222 = tpu.memref_squeeze %dma_wait3A_221 : memref<1x3200x8xf32, #tpu.memory_space<vmem>> -> memref<3200x8xf32, #tpu.memory_space<vmem>>
        %dma_wait3A_223 = arith.constant 0 : i32
        %dma_wait3A_224 = tpu.memref_slice %arg7[%dma_wait3A_218, %dma_wait3A_223] : memref<2x3200xi32, #tpu.memory_space<vmem>> -> memref<1x3200xi32, #tpu.memory_space<vmem>>
        %dma_wait3A_225 = tpu.memref_squeeze %dma_wait3A_224 : memref<1x3200xi32, #tpu.memory_space<vmem>> -> memref<3200xi32, #tpu.memory_space<vmem>>
        %dma_wait3A_226 = arith.constant 0 : i32
        %dma_wait3A_227 = arith.constant 0 : i32
        %dma_wait3A_228 = tpu.memref_slice %arg10[%dma_wait3A_226, %dma_wait3A_227] : memref<100352x8xf32, #tpu.memory_space<vmem_shared>> -> memref<100352x8xf32, #tpu.memory_space<vmem_shared>>
        tpu.wait_indirect_dma semaphore(%arg14 : memref<!tpu.dma_semaphore, #tpu.memory_space<semaphore_mem>>) src(%dma_wait3A_222 : memref<3200x8xf32, #tpu.memory_space<vmem>>) dst(%dma_wait3A_228 : memref<100352x8xf32, #tpu.memory_space<vmem_shared>>)
        %add3A_229 = arith.constant 3 : i32
        %add3A_230 = arith.addi %mul3A_119, %add3A_229 : i32
        %mul3A_231 = arith.constant 3200 : i32
        %mul3A_232 = arith.muli %add3A_230, %mul3A_231 : i32
        %add3A_233 = arith.addi %mul3A_38, %mul3A_232 : i32
        %run_scoped3A_234 = arith.constant 1 : i32
        "tpu.region"() ({
          %run_scoped3A_255 = tpu.sem_alloc : memref<!tpu.dma_semaphore, #tpu.memory_space<semaphore_mem>>
          %dma_start3A_256 = arith.constant 0 : i32
          %dma_start3A_257 = tpu.memref_slice %arg6[%run_scoped3A_234, %dma_start3A_256] : memref<2x3200xi32, #tpu.memory_space<vmem>> -> memref<1x3200xi32, #tpu.memory_space<vmem>>
          %dma_start3A_258 = tpu.memref_squeeze %dma_start3A_257 : memref<1x3200xi32, #tpu.memory_space<vmem>> -> memref<3200xi32, #tpu.memory_space<vmem>>
          %dma_start3A_259 = tpu.memref_slice %arg3[%add3A_233] : memref<3276800xi32, #tpu.memory_space<hbm>> -> memref<3200xi32, #tpu.memory_space<hbm>>
          %dma_start3A_260 = arith.constant 0 : i32
          %dma_start3A_261 = tpu.memref_slice %arg6[%run_scoped3A_234, %dma_start3A_260] : memref<2x3200xi32, #tpu.memory_space<vmem>> -> memref<1x3200xi32, #tpu.memory_space<vmem>>
          %dma_start3A_262 = tpu.memref_squeeze %dma_start3A_261 : memref<1x3200xi32, #tpu.memory_space<vmem>> -> memref<3200xi32, #tpu.memory_space<vmem>>
          %dma_start3A_263 = tpu.memref_slice %arg3[%add3A_233] : memref<3276800xi32, #tpu.memory_space<hbm>> -> memref<3200xi32, #tpu.memory_space<hbm>>
          tpu.enqueue_dma source(%dma_start3A_263 : memref<3200xi32, #tpu.memory_space<hbm>>) target(%dma_start3A_262 : memref<3200xi32, #tpu.memory_space<vmem>>) target_semaphore(%run_scoped3A_255 : memref<!tpu.dma_semaphore, #tpu.memory_space<semaphore_mem>>)
          %dma_wait3A_264 = arith.constant 0 : i32
          %dma_wait3A_265 = tpu.memref_slice %arg6[%run_scoped3A_234, %dma_wait3A_264] : memref<2x3200xi32, #tpu.memory_space<vmem>> -> memref<1x3200xi32, #tpu.memory_space<vmem>>
          %dma_wait3A_266 = tpu.memref_squeeze %dma_wait3A_265 : memref<1x3200xi32, #tpu.memory_space<vmem>> -> memref<3200xi32, #tpu.memory_space<vmem>>
          %dma_wait3A_267 = tpu.memref_slice %arg3[%add3A_233] : memref<3276800xi32, #tpu.memory_space<hbm>> -> memref<3200xi32, #tpu.memory_space<hbm>>
          %dma_wait3A_268 = arith.constant 0 : i32
          %dma_wait3A_269 = tpu.memref_slice %arg6[%run_scoped3A_234, %dma_wait3A_268] : memref<2x3200xi32, #tpu.memory_space<vmem>> -> memref<1x3200xi32, #tpu.memory_space<vmem>>
          %dma_wait3A_270 = tpu.memref_squeeze %dma_wait3A_269 : memref<1x3200xi32, #tpu.memory_space<vmem>> -> memref<3200xi32, #tpu.memory_space<vmem>>
          %dma_wait3A_271 = tpu.memref_slice %arg3[%add3A_233] : memref<3276800xi32, #tpu.memory_space<hbm>> -> memref<3200xi32, #tpu.memory_space<hbm>>
          tpu.wait_dma2 semaphore(%run_scoped3A_255 : memref<!tpu.dma_semaphore, #tpu.memory_space<semaphore_mem>>) src(%dma_wait3A_271 : memref<3200xi32, #tpu.memory_space<hbm>>) dst(%dma_wait3A_270 : memref<3200xi32, #tpu.memory_space<vmem>>)
          tpu.yield
        }) : () -> ()
        %mul3A_235 = arith.constant 3200 : i32
        %mul3A_236 = arith.muli %add3A_230, %mul3A_235 : i32
        %add3A_237 = arith.addi %mul3A_38, %mul3A_236 : i32
        %run_scoped3A_238 = arith.constant 1 : i32
        "tpu.region"() ({
          %run_scoped3A_255 = tpu.sem_alloc : memref<!tpu.dma_semaphore, #tpu.memory_space<semaphore_mem>>
          %dma_start3A_256 = arith.constant 0 : i32
          %dma_start3A_257 = tpu.memref_slice %arg7[%run_scoped3A_238, %dma_start3A_256] : memref<2x3200xi32, #tpu.memory_space<vmem>> -> memref<1x3200xi32, #tpu.memory_space<vmem>>
          %dma_start3A_258 = tpu.memref_squeeze %dma_start3A_257 : memref<1x3200xi32, #tpu.memory_space<vmem>> -> memref<3200xi32, #tpu.memory_space<vmem>>
          %dma_start3A_259 = tpu.memref_slice %arg4[%add3A_237] : memref<3276800xi32, #tpu.memory_space<hbm>> -> memref<3200xi32, #tpu.memory_space<hbm>>
          %dma_start3A_260 = arith.constant 0 : i32
          %dma_start3A_261 = tpu.memref_slice %arg7[%run_scoped3A_238, %dma_start3A_260] : memref<2x3200xi32, #tpu.memory_space<vmem>> -> memref<1x3200xi32, #tpu.memory_space<vmem>>
          %dma_start3A_262 = tpu.memref_squeeze %dma_start3A_261 : memref<1x3200xi32, #tpu.memory_space<vmem>> -> memref<3200xi32, #tpu.memory_space<vmem>>
          %dma_start3A_263 = tpu.memref_slice %arg4[%add3A_237] : memref<3276800xi32, #tpu.memory_space<hbm>> -> memref<3200xi32, #tpu.memory_space<hbm>>
          tpu.enqueue_dma source(%dma_start3A_263 : memref<3200xi32, #tpu.memory_space<hbm>>) target(%dma_start3A_262 : memref<3200xi32, #tpu.memory_space<vmem>>) target_semaphore(%run_scoped3A_255 : memref<!tpu.dma_semaphore, #tpu.memory_space<semaphore_mem>>)
          %dma_wait3A_264 = arith.constant 0 : i32
          %dma_wait3A_265 = tpu.memref_slice %arg7[%run_scoped3A_238, %dma_wait3A_264] : memref<2x3200xi32, #tpu.memory_space<vmem>> -> memref<1x3200xi32, #tpu.memory_space<vmem>>
          %dma_wait3A_266 = tpu.memref_squeeze %dma_wait3A_265 : memref<1x3200xi32, #tpu.memory_space<vmem>> -> memref<3200xi32, #tpu.memory_space<vmem>>
          %dma_wait3A_267 = tpu.memref_slice %arg4[%add3A_237] : memref<3276800xi32, #tpu.memory_space<hbm>> -> memref<3200xi32, #tpu.memory_space<hbm>>
          %dma_wait3A_268 = arith.constant 0 : i32
          %dma_wait3A_269 = tpu.memref_slice %arg7[%run_scoped3A_238, %dma_wait3A_268] : memref<2x3200xi32, #tpu.memory_space<vmem>> -> memref<1x3200xi32, #tpu.memory_space<vmem>>
          %dma_wait3A_270 = tpu.memref_squeeze %dma_wait3A_269 : memref<1x3200xi32, #tpu.memory_space<vmem>> -> memref<3200xi32, #tpu.memory_space<vmem>>
          %dma_wait3A_271 = tpu.memref_slice %arg4[%add3A_237] : memref<3276800xi32, #tpu.memory_space<hbm>> -> memref<3200xi32, #tpu.memory_space<hbm>>
          tpu.wait_dma2 semaphore(%run_scoped3A_255 : memref<!tpu.dma_semaphore, #tpu.memory_space<semaphore_mem>>) src(%dma_wait3A_271 : memref<3200xi32, #tpu.memory_space<hbm>>) dst(%dma_wait3A_270 : memref<3200xi32, #tpu.memory_space<vmem>>)
          tpu.yield
        }) : () -> ()
        %dma_start3A_239 = arith.constant 1 : i32
        %dma_start3A_240 = arith.constant 1 : i32
        %dma_start3A_241 = arith.constant 0 : i32
        %dma_start3A_242 = arith.constant 0 : i32
        %dma_start3A_243 = tpu.memref_slice %arg8[%dma_start3A_240, %dma_start3A_241, %dma_start3A_242] : memref<2x3200x8xf32, #tpu.memory_space<vmem>> -> memref<1x3200x8xf32, #tpu.memory_space<vmem>>
        %dma_start3A_244 = tpu.memref_squeeze %dma_start3A_243 : memref<1x3200x8xf32, #tpu.memory_space<vmem>> -> memref<3200x8xf32, #tpu.memory_space<vmem>>
        %dma_start3A_245 = arith.constant 0 : i32
        %dma_start3A_246 = tpu.memref_slice %arg6[%dma_start3A_239, %dma_start3A_245] : memref<2x3200xi32, #tpu.memory_space<vmem>> -> memref<1x3200xi32, #tpu.memory_space<vmem>>
        %dma_start3A_247 = tpu.memref_squeeze %dma_start3A_246 : memref<1x3200xi32, #tpu.memory_space<vmem>> -> memref<3200xi32, #tpu.memory_space<vmem>>
        %dma_start3A_248 = arith.constant 0 : i32
        %dma_start3A_249 = arith.constant 0 : i32
        %dma_start3A_250 = tpu.memref_slice %arg2[%arg0, %dma_start3A_248, %dma_start3A_249] : memref<2x100352x8xf32, #tpu.memory_space<hbm>> -> memref<1x100352x8xf32, #tpu.memory_space<hbm>>
        %dma_start3A_251 = tpu.memref_squeeze %dma_start3A_250 : memref<1x100352x8xf32, #tpu.memory_space<hbm>> -> memref<100352x8xf32, #tpu.memory_space<hbm>>
        %dma_start3A_252 = arith.constant 0 : i32
        %dma_start3A_253 = arith.constant 0 : i32
        %dma_start3A_254 = tpu.memref_slice %dma_start3A_251[%dma_start3A_252, %dma_start3A_253] : memref<100352x8xf32, #tpu.memory_space<hbm>> -> memref<100352x8xf32, #tpu.memory_space<hbm>>
        tpu.enqueue_indirect_dma source(%dma_start3A_254 : memref<100352x8xf32, #tpu.memory_space<hbm>>) target(%dma_start3A_244 : memref<3200x8xf32, #tpu.memory_space<vmem>>) offsets(%dma_start3A_247 : memref<3200xi32, #tpu.memory_space<vmem>>) semaphore(%arg12 : memref<!tpu.dma_semaphore, #tpu.memory_space<semaphore_mem>>)
      } else {
      }
      %scan3A_178 = arith.constant 0 : i32
      scf.yield %scan3A_178 : i32
    }
    %scan3A_87 = arith.constant 32 : i32
    %dma_wait3A = arith.constant 0 : i32
    %dma_wait3A_88 = arith.constant 0 : i32
    %dma_wait3A_89 = arith.constant 0 : i32
    %dma_wait3A_90 = arith.constant 0 : i32
    %dma_wait3A_91 = tpu.memref_slice %arg8[%dma_wait3A, %dma_wait3A_89, %dma_wait3A_90] : memref<2x3200x8xf32, #tpu.memory_space<vmem>> -> memref<1x3200x8xf32, #tpu.memory_space<vmem>>
    %dma_wait3A_92 = tpu.memref_squeeze %dma_wait3A_91 : memref<1x3200x8xf32, #tpu.memory_space<vmem>> -> memref<3200x8xf32, #tpu.memory_space<vmem>>
    %dma_wait3A_93 = arith.constant 0 : i32
    %dma_wait3A_94 = tpu.memref_slice %arg7[%dma_wait3A_88, %dma_wait3A_93] : memref<2x3200xi32, #tpu.memory_space<vmem>> -> memref<1x3200xi32, #tpu.memory_space<vmem>>
    %dma_wait3A_95 = tpu.memref_squeeze %dma_wait3A_94 : memref<1x3200xi32, #tpu.memory_space<vmem>> -> memref<3200xi32, #tpu.memory_space<vmem>>
    %dma_wait3A_96 = arith.constant 0 : i32
    %dma_wait3A_97 = arith.constant 0 : i32
    %dma_wait3A_98 = tpu.memref_slice %arg10[%dma_wait3A_96, %dma_wait3A_97] : memref<100352x8xf32, #tpu.memory_space<vmem_shared>> -> memref<100352x8xf32, #tpu.memory_space<vmem_shared>>
    tpu.wait_indirect_dma semaphore(%arg13 : memref<!tpu.dma_semaphore, #tpu.memory_space<semaphore_mem>>) src(%dma_wait3A_92 : memref<3200x8xf32, #tpu.memory_space<vmem>>) dst(%dma_wait3A_98 : memref<100352x8xf32, #tpu.memory_space<vmem_shared>>)
    %dma_wait3A_99 = arith.constant 1 : i32
    %dma_wait3A_100 = arith.constant 1 : i32
    %dma_wait3A_101 = arith.constant 0 : i32
    %dma_wait3A_102 = arith.constant 0 : i32
    %dma_wait3A_103 = tpu.memref_slice %arg8[%dma_wait3A_99, %dma_wait3A_101, %dma_wait3A_102] : memref<2x3200x8xf32, #tpu.memory_space<vmem>> -> memref<1x3200x8xf32, #tpu.memory_space<vmem>>
    %dma_wait3A_104 = tpu.memref_squeeze %dma_wait3A_103 : memref<1x3200x8xf32, #tpu.memory_space<vmem>> -> memref<3200x8xf32, #tpu.memory_space<vmem>>
    %dma_wait3A_105 = arith.constant 0 : i32
    %dma_wait3A_106 = tpu.memref_slice %arg7[%dma_wait3A_100, %dma_wait3A_105] : memref<2x3200xi32, #tpu.memory_space<vmem>> -> memref<1x3200xi32, #tpu.memory_space<vmem>>
    %dma_wait3A_107 = tpu.memref_squeeze %dma_wait3A_106 : memref<1x3200xi32, #tpu.memory_space<vmem>> -> memref<3200xi32, #tpu.memory_space<vmem>>
    %dma_wait3A_108 = arith.constant 0 : i32
    %dma_wait3A_109 = arith.constant 0 : i32
    %dma_wait3A_110 = tpu.memref_slice %arg10[%dma_wait3A_108, %dma_wait3A_109] : memref<100352x8xf32, #tpu.memory_space<vmem_shared>> -> memref<100352x8xf32, #tpu.memory_space<vmem_shared>>
    tpu.wait_indirect_dma semaphore(%arg14 : memref<!tpu.dma_semaphore, #tpu.memory_space<semaphore_mem>>) src(%dma_wait3A_104 : memref<3200x8xf32, #tpu.memory_space<vmem>>) dst(%dma_wait3A_110 : memref<100352x8xf32, #tpu.memory_space<vmem_shared>>)
    %barrier3A_111 = arith.constant 0 : index
    tpu.barrier barrier_id(%barrier3A_111)
    %mul3A_112 = arith.constant 6272 : i32
    %mul3A_113 = arith.muli %arg1, %mul3A_112 : i32
    %mul3A_114 = arith.constant 6272 : i32
    %mul3A_115 = arith.muli %arg1, %mul3A_114 : i32
    "tpu.region"() ({
      %run_scoped3A_116 = tpu.sem_alloc : memref<!tpu.dma_semaphore, #tpu.memory_space<semaphore_mem>>
      %dma_start3A_117 = arith.constant 0 : i32
      %dma_start3A_118 = tpu.memref_slice %arg5[%arg0, %mul3A_115, %dma_start3A_117] : memref<2x100352x8xf32, #tpu.memory_space<hbm>> -> memref<1x6272x8xf32, #tpu.memory_space<hbm>>
      %dma_start3A_119 = tpu.memref_squeeze %dma_start3A_118 : memref<1x6272x8xf32, #tpu.memory_space<hbm>> -> memref<6272x8xf32, #tpu.memory_space<hbm>>
      %dma_start3A_120 = arith.constant 0 : i32
      %dma_start3A_121 = tpu.memref_slice %arg10[%mul3A_113, %dma_start3A_120] : memref<100352x8xf32, #tpu.memory_space<vmem_shared>> -> memref<6272x8xf32, #tpu.memory_space<vmem_shared>>
      tpu.enqueue_dma source(%dma_start3A_121 : memref<6272x8xf32, #tpu.memory_space<vmem_shared>>) target(%dma_start3A_119 : memref<6272x8xf32, #tpu.memory_space<hbm>>) target_semaphore(%run_scoped3A_116 : memref<!tpu.dma_semaphore, #tpu.memory_space<semaphore_mem>>)
      %dma_wait3A_122 = arith.constant 0 : i32
      %dma_wait3A_123 = tpu.memref_slice %arg5[%arg0, %mul3A_115, %dma_wait3A_122] : memref<2x100352x8xf32, #tpu.memory_space<hbm>> -> memref<1x6272x8xf32, #tpu.memory_space<hbm>>
      %dma_wait3A_124 = tpu.memref_squeeze %dma_wait3A_123 : memref<1x6272x8xf32, #tpu.memory_space<hbm>> -> memref<6272x8xf32, #tpu.memory_space<hbm>>
      %dma_wait3A_125 = arith.constant 0 : i32
      %dma_wait3A_126 = tpu.memref_slice %arg10[%mul3A_113, %dma_wait3A_125] : memref<100352x8xf32, #tpu.memory_space<vmem_shared>> -> memref<6272x8xf32, #tpu.memory_space<vmem_shared>>
      tpu.wait_dma2 semaphore(%run_scoped3A_116 : memref<!tpu.dma_semaphore, #tpu.memory_space<semaphore_mem>>) src(%dma_wait3A_126 : memref<6272x8xf32, #tpu.memory_space<vmem_shared>>) dst(%dma_wait3A_124 : memref<6272x8xf32, #tpu.memory_space<hbm>>)
      tpu.yield
    }) : () -> ()
    return
  }
}

#map = affine_map<(d0, d1) -> (0)>
#map1 = affine_map<(d0, d1) -> (0, 0)>
module attributes {stable_mosaic.version = 14 : i64} {
  func.func @_sc_degree(%arg0: i32, %arg1: i32, %arg2: memref<3276800xi32, #tpu.memory_space<hbm>>, %arg3: memref<2x100352xf32, #tpu.memory_space<hbm>>, %arg4: memref<4096xi32, #tpu.memory_space<vmem>>, %arg5: memref<4096xf32, #tpu.memory_space<vmem>>, %arg6: memref<6272xf32, #tpu.memory_space<vmem>>, %arg7: memref<100352xf32, #tpu.memory_space<vmem_shared>>) attributes {dimension_semantics = [#tpu.dimension_semantics<core_parallel>, #tpu.dimension_semantics<subcore_parallel>], iteration_bounds = array<i64: 2, 16>, scalar_prefetch = 0 : i64, scratch_operands = 4 : i64, tpu.core_type = #tpu.core_type<sc_vector_subcore>, window_params = [{transform_indices = #map}, {transform_indices = #map1}]} {
    %mul3A = arith.constant 16 : i32
    %mul3A_0 = arith.muli %arg0, %mul3A : i32
    %add3A = arith.addi %mul3A_0, %arg1 : i32
    %broadcast_in_dim3A = arith.constant 1.000000e+00 : f32
    %broadcast_in_dim3A_1 = vector.broadcast %broadcast_in_dim3A : f32 to vector<16xf32>
    %scan3A = arith.constant 0 : i32
    %scan3A_2 = arith.constant 0 : i32
    %scan3A_3 = arith.constant 256 : i32
    %scan3A_4 = arith.addi %scan3A_2, %scan3A_3 : i32
    %scan3A_5 = arith.constant 1 : i32
    %scan3A_6 = scf.for %scan3A_33 = %scan3A_2 to %scan3A_4 step %scan3A_5 iter_args(%scan3A_34 = %scan3A) -> (i32)  : i32 {
      %mul3A_35 = arith.constant 16 : i32
      %mul3A_36 = arith.muli %scan3A_33, %mul3A_35 : i32
      %swap3A = arith.index_cast %mul3A_36 : i32 to index
      %swap3A_37 = tpu.vector_load %arg5[%swap3A] {strides = array<i32>} : memref<4096xf32, #tpu.memory_space<vmem>>, vector<16xf32>,
      %swap3A_38 = vector.shape_cast %swap3A_37 : vector<16xf32> to vector<16xf32>
      %swap3A_39 = vector.shape_cast %broadcast_in_dim3A_1 : vector<16xf32> to vector<16xf32>
      tpu.vector_store %arg5[%swap3A], %swap3A_39 {strides = array<i32>} : memref<4096xf32, #tpu.memory_space<vmem>>, vector<16xf32>,
      %scan3A_40 = arith.constant 0 : i32
      scf.yield %scan3A_40 : i32
    }
    %scan3A_7 = arith.constant 256 : i32
    %broadcast_in_dim3A_8 = arith.constant 0.000000e+00 : f32
    %broadcast_in_dim3A_9 = vector.broadcast %broadcast_in_dim3A_8 : f32 to vector<16xf32>
    %scan3A_10 = arith.constant 0 : i32
    %scan3A_11 = arith.constant 0 : i32
    %scan3A_12 = arith.constant 392 : i32
    %scan3A_13 = arith.addi %scan3A_11, %scan3A_12 : i32
    %scan3A_14 = arith.constant 1 : i32
    %scan3A_15 = scf.for %scan3A_33 = %scan3A_11 to %scan3A_13 step %scan3A_14 iter_args(%scan3A_34 = %scan3A_10) -> (i32)  : i32 {
      %mul3A_35 = arith.constant 16 : i32
      %mul3A_36 = arith.muli %scan3A_33, %mul3A_35 : i32
      %swap3A = arith.index_cast %mul3A_36 : i32 to index
      %swap3A_37 = tpu.vector_load %arg6[%swap3A] {strides = array<i32>} : memref<6272xf32, #tpu.memory_space<vmem>>, vector<16xf32>,
      %swap3A_38 = vector.shape_cast %swap3A_37 : vector<16xf32> to vector<16xf32>
      %swap3A_39 = vector.shape_cast %broadcast_in_dim3A_9 : vector<16xf32> to vector<16xf32>
      tpu.vector_store %arg6[%swap3A], %swap3A_39 {strides = array<i32>} : memref<6272xf32, #tpu.memory_space<vmem>>, vector<16xf32>,
      %scan3A_40 = arith.constant 0 : i32
      scf.yield %scan3A_40 : i32
    }
    %scan3A_16 = arith.constant 392 : i32
    %mul3A_17 = arith.constant 6272 : i32
    %mul3A_18 = arith.muli %arg1, %mul3A_17 : i32
    "tpu.region"() ({
      %run_scoped3A = tpu.sem_alloc : memref<!tpu.dma_semaphore, #tpu.memory_space<semaphore_mem>>
      %dma_start3A = tpu.memref_slice %arg7[%mul3A_18] : memref<100352xf32, #tpu.memory_space<vmem_shared>> -> memref<6272xf32, #tpu.memory_space<vmem_shared>>
      %dma_start3A_33 = tpu.memref_slice %arg7[%mul3A_18] : memref<100352xf32, #tpu.memory_space<vmem_shared>> -> memref<6272xf32, #tpu.memory_space<vmem_shared>>
      tpu.enqueue_dma source(%arg6 : memref<6272xf32, #tpu.memory_space<vmem>>) target(%dma_start3A_33 : memref<6272xf32, #tpu.memory_space<vmem_shared>>) target_semaphore(%run_scoped3A : memref<!tpu.dma_semaphore, #tpu.memory_space<semaphore_mem>>)
      %dma_wait3A = tpu.memref_slice %arg7[%mul3A_18] : memref<100352xf32, #tpu.memory_space<vmem_shared>> -> memref<6272xf32, #tpu.memory_space<vmem_shared>>
      %dma_wait3A_34 = tpu.memref_slice %arg7[%mul3A_18] : memref<100352xf32, #tpu.memory_space<vmem_shared>> -> memref<6272xf32, #tpu.memory_space<vmem_shared>>
      tpu.wait_dma2 semaphore(%run_scoped3A : memref<!tpu.dma_semaphore, #tpu.memory_space<semaphore_mem>>) src(%arg6 : memref<6272xf32, #tpu.memory_space<vmem>>) dst(%dma_wait3A_34 : memref<6272xf32, #tpu.memory_space<vmem_shared>>)
      tpu.yield
    }) : () -> ()
    %barrier3A = arith.constant 0 : index
    tpu.barrier barrier_id(%barrier3A)
    %mul3A_19 = arith.constant 102400 : i32
    %mul3A_20 = arith.muli %add3A, %mul3A_19 : i32
    %scan3A_21 = arith.constant 0 : i32
    %scan3A_22 = arith.constant 0 : i32
    %scan3A_23 = arith.constant 25 : i32
    %scan3A_24 = arith.addi %scan3A_22, %scan3A_23 : i32
    %scan3A_25 = arith.constant 1 : i32
    %scan3A_26 = scf.for %scan3A_33 = %scan3A_22 to %scan3A_24 step %scan3A_25 iter_args(%scan3A_34 = %scan3A_21) -> (i32)  : i32 {
      %mul3A_35 = arith.constant 4096 : i32
      %mul3A_36 = arith.muli %scan3A_33, %mul3A_35 : i32
      %add3A_37 = arith.addi %mul3A_20, %mul3A_36 : i32
      "tpu.region"() ({
        %run_scoped3A = tpu.sem_alloc : memref<!tpu.dma_semaphore, #tpu.memory_space<semaphore_mem>>
        %dma_start3A = tpu.memref_slice %arg2[%add3A_37] : memref<3276800xi32, #tpu.memory_space<hbm>> -> memref<4096xi32, #tpu.memory_space<hbm>>
        %dma_start3A_39 = tpu.memref_slice %arg2[%add3A_37] : memref<3276800xi32, #tpu.memory_space<hbm>> -> memref<4096xi32, #tpu.memory_space<hbm>>
        tpu.enqueue_dma source(%dma_start3A_39 : memref<4096xi32, #tpu.memory_space<hbm>>) target(%arg4 : memref<4096xi32, #tpu.memory_space<vmem>>) target_semaphore(%run_scoped3A : memref<!tpu.dma_semaphore, #tpu.memory_space<semaphore_mem>>)
        %dma_wait3A = tpu.memref_slice %arg2[%add3A_37] : memref<3276800xi32, #tpu.memory_space<hbm>> -> memref<4096xi32, #tpu.memory_space<hbm>>
        %dma_wait3A_40 = tpu.memref_slice %arg2[%add3A_37] : memref<3276800xi32, #tpu.memory_space<hbm>> -> memref<4096xi32, #tpu.memory_space<hbm>>
        tpu.wait_dma2 semaphore(%run_scoped3A : memref<!tpu.dma_semaphore, #tpu.memory_space<semaphore_mem>>) src(%dma_wait3A_40 : memref<4096xi32, #tpu.memory_space<hbm>>) dst(%arg4 : memref<4096xi32, #tpu.memory_space<vmem>>)
        tpu.yield
      }) : () -> ()
      "tpu.region"() ({
        %run_scoped3A = tpu.sem_alloc : memref<!tpu.dma_semaphore, #tpu.memory_space<semaphore_mem>>
        %dma_start3A = arith.constant 0 : i32
        %dma_start3A_39 = tpu.memref_slice %arg7[%dma_start3A] : memref<100352xf32, #tpu.memory_space<vmem_shared>> -> memref<100352xf32, #tpu.memory_space<vmem_shared>>
        tpu.enqueue_indirect_dma source(%arg5 : memref<4096xf32, #tpu.memory_space<vmem>>) target(%dma_start3A_39 : memref<100352xf32, #tpu.memory_space<vmem_shared>>) offsets(%arg4 : memref<4096xi32, #tpu.memory_space<vmem>>) semaphore(%run_scoped3A : memref<!tpu.dma_semaphore, #tpu.memory_space<semaphore_mem>>) {add = true}
        %dma_wait3A = arith.constant 0 : i32
        %dma_wait3A_40 = tpu.memref_slice %arg7[%dma_wait3A] : memref<100352xf32, #tpu.memory_space<vmem_shared>> -> memref<100352xf32, #tpu.memory_space<vmem_shared>>
        tpu.wait_indirect_dma semaphore(%run_scoped3A : memref<!tpu.dma_semaphore, #tpu.memory_space<semaphore_mem>>) src(%arg5 : memref<4096xf32, #tpu.memory_space<vmem>>) dst(%dma_wait3A_40 : memref<100352xf32, #tpu.memory_space<vmem_shared>>)
        tpu.yield
      }) : () -> ()
      %scan3A_38 = arith.constant 0 : i32
      scf.yield %scan3A_38 : i32
    }
    %scan3A_27 = arith.constant 25 : i32
    %barrier3A_28 = arith.constant 0 : index
    tpu.barrier barrier_id(%barrier3A_28)
    %mul3A_29 = arith.constant 6272 : i32
    %mul3A_30 = arith.muli %arg1, %mul3A_29 : i32
    %mul3A_31 = arith.constant 6272 : i32
    %mul3A_32 = arith.muli %arg1, %mul3A_31 : i32
    "tpu.region"() ({
      %run_scoped3A = tpu.sem_alloc : memref<!tpu.dma_semaphore, #tpu.memory_space<semaphore_mem>>
      %dma_start3A = tpu.memref_slice %arg3[%arg0, %mul3A_32] : memref<2x100352xf32, #tpu.memory_space<hbm>> -> memref<1x6272xf32, #tpu.memory_space<hbm>>
      %dma_start3A_33 = tpu.memref_squeeze %dma_start3A : memref<1x6272xf32, #tpu.memory_space<hbm>> -> memref<6272xf32, #tpu.memory_space<hbm>>
      %dma_start3A_34 = tpu.memref_slice %arg7[%mul3A_30] : memref<100352xf32, #tpu.memory_space<vmem_shared>> -> memref<6272xf32, #tpu.memory_space<vmem_shared>>
      tpu.enqueue_dma source(%dma_start3A_34 : memref<6272xf32, #tpu.memory_space<vmem_shared>>) target(%dma_start3A_33 : memref<6272xf32, #tpu.memory_space<hbm>>) target_semaphore(%run_scoped3A : memref<!tpu.dma_semaphore, #tpu.memory_space<semaphore_mem>>)
      %dma_wait3A = tpu.memref_slice %arg3[%arg0, %mul3A_32] : memref<2x100352xf32, #tpu.memory_space<hbm>> -> memref<1x6272xf32, #tpu.memory_space<hbm>>
      %dma_wait3A_35 = tpu.memref_squeeze %dma_wait3A : memref<1x6272xf32, #tpu.memory_space<hbm>> -> memref<6272xf32, #tpu.memory_space<hbm>>
      %dma_wait3A_36 = tpu.memref_slice %arg7[%mul3A_30] : memref<100352xf32, #tpu.memory_space<vmem_shared>> -> memref<6272xf32, #tpu.memory_space<vmem_shared>>
      tpu.wait_dma2 semaphore(%run_scoped3A : memref<!tpu.dma_semaphore, #tpu.memory_space<semaphore_mem>>) src(%dma_wait3A_36 : memref<6272xf32, #tpu.memory_space<vmem_shared>>) dst(%dma_wait3A_35 : memref<6272xf32, #tpu.memory_space<hbm>>)
      tpu.yield
    }) : () -> ()
    return
  }
}

module attributes {stable_mosaic.version = 14 : i64} {
  func.func @_tc_z_body(%arg0: i32, %arg1: memref<2048x128xf32, #tpu.memory_space<vmem>>, %arg2: memref<128x16xf32, #tpu.memory_space<vmem>>, %arg3: memref<2048x16xf32, #tpu.memory_space<vmem>>) attributes {dimension_semantics = [#tpu.dimension_semantics<arbitrary>], iteration_bounds = array<i64: 49>, scalar_prefetch = 0 : i64, scratch_operands = 0 : i64, tpu.core_type = #tpu.core_type<tc>, window_params = [{transform_indices = @transform_0, window_bounds = array<i64: 2048, 128>}, {pipeline_mode = #tpu.pipeline_mode<synchronous>, transform_indices = @transform_1, window_bounds = array<i64: 128, 16>}, {transform_indices = @transform_2, window_bounds = array<i64: 2048, 16>}]} {
    %get3A = arith.constant 0 : index
    %get3A_0 = arith.constant 0 : index
    %get3A_1 = vector.load %arg1[%get3A, %get3A_0] : memref<2048x128xf32, #tpu.memory_space<vmem>>, vector<2048x128xf32>
    %get3A_2 = arith.constant 0 : index
    %get3A_3 = arith.constant 0 : index
    %get3A_4 = vector.load %arg2[%get3A_2, %get3A_3] : memref<128x16xf32, #tpu.memory_space<vmem>>, vector<128x16xf32>
    %dot_general3A = arith.constant dense<0.000000e+00> : vector<2048x16xf32>
    %dot_general3A_5 = tpu.matmul %get3A_1, %get3A_4, %dot_general3A {dimension_numbers = #tpu.dot_dimension_numbers<[1], [0], [0], [1], [0, 0, 1, 1], [], []>, transpose_lhs_hint = false} : vector<2048x128xf32>, vector<128x16xf32>, vector<2048x16xf32> -> vector<2048x16xf32>
    %swap3A = arith.constant 0 : index
    %swap3A_6 = arith.constant 0 : index
    %swap3A_7 = vector.load %arg3[%swap3A, %swap3A_6] : memref<2048x16xf32, #tpu.memory_space<vmem>>, vector<2048x16xf32>
    tpu.vector_store %arg3[%swap3A, %swap3A_6], %dot_general3A_5 {strides = array<i32>} : memref<2048x16xf32, #tpu.memory_space<vmem>>, vector<2048x16xf32>,
    return
  }
  func.func @transform_0(%arg0: i32) -> (i32, i32) {
    %c0_i32 = arith.constant 0 : i32
    %c0_i32_0 = arith.constant 0 : i32
    return %arg0, %c0_i32 : i32, i32
  }
  func.func @transform_1(%arg0: i32) -> (i32, i32) {
    %c0_i32 = arith.constant 0 : i32
    %c0_i32_0 = arith.constant 0 : i32
    %c0_i32_1 = arith.constant 0 : i32
    return %c0_i32, %c0_i32_0 : i32, i32
  }
  func.func @transform_2(%arg0: i32) -> (i32, i32) {
    %c0_i32 = arith.constant 0 : i32
    %c0_i32_0 = arith.constant 0 : i32
    return %arg0, %c0_i32 : i32, i32
  }
}

module attributes {stable_mosaic.version = 14 : i64} {
  func.func @_tc_scale_body(%arg0: i32, %arg1: memref<2048x16xf32, #tpu.memory_space<vmem>>, %arg2: memref<2048x1xf32, #tpu.memory_space<vmem>>, %arg3: memref<2048x1xf32, #tpu.memory_space<vmem>>, %arg4: memref<2x2048x8xf32, #tpu.memory_space<vmem>>, %arg5: memref<2048x1xf32, #tpu.memory_space<vmem>>) attributes {dimension_semantics = [#tpu.dimension_semantics<arbitrary>], iteration_bounds = array<i64: 49>, scalar_prefetch = 0 : i64, scratch_operands = 0 : i64, tpu.core_type = #tpu.core_type<tc>, window_params = [{transform_indices = @transform_0, window_bounds = array<i64: 2048, 16>}, {transform_indices = @transform_1, window_bounds = array<i64: 2048, 1>}, {transform_indices = @transform_2, window_bounds = array<i64: 2048, 1>}, {transform_indices = @transform_3, window_bounds = array<i64: 2, 2048, 8>}, {transform_indices = @transform_4, window_bounds = array<i64: 2048, 1>}]} {
    %get3A = arith.constant 0 : index
    %get3A_0 = arith.constant 0 : index
    %get3A_1 = vector.load %arg2[%get3A, %get3A_0] : memref<2048x1xf32, #tpu.memory_space<vmem>>, vector<2048x1xf32>
    %get3A_2 = arith.constant 0 : index
    %get3A_3 = arith.constant 0 : index
    %get3A_4 = vector.load %arg3[%get3A_2, %get3A_3] : memref<2048x1xf32, #tpu.memory_space<vmem>>, vector<2048x1xf32>
    %add3A = arith.addf %get3A_1, %get3A_4 : vector<2048x1xf32>
    %add3A_5 = arith.constant 1.000000e+00 : f32
    %add3A_6 = vector.broadcast %add3A_5 : f32 to vector<2048x1xf32>
    %add3A_7 = arith.addf %add3A, %add3A_6 : vector<2048x1xf32>
    %gt3A = arith.constant 0.000000e+00 : f32
    %gt3A_8 = vector.broadcast %gt3A : f32 to vector<2048x1xf32>
    %gt3A_9 = arith.cmpf ogt, %add3A_7, %gt3A_8 : vector<2048x1xf32>
    %max3A = arith.constant 9.99999996E-13 : f32
    %max3A_10 = vector.broadcast %max3A : f32 to vector<2048x1xf32>
    %max3A_11 = arith.maximumf %add3A_7, %max3A_10 : vector<2048x1xf32>
    %rsqrt3A = math.rsqrt %max3A_11 : vector<2048x1xf32>
    %jit3A = arith.constant 0.000000e+00 : f32
    %broadcast_in_dim3A = vector.broadcast %jit3A : f32 to vector<2048x1xf32>
    %select_n3A = arith.select %gt3A_9, %rsqrt3A, %broadcast_in_dim3A : vector<2048x1xi1>, vector<2048x1xf32>
    %get3A_12 = arith.constant 0 : index
    %get3A_13 = arith.constant 0 : index
    %get3A_14 = vector.load %arg1[%get3A_12, %get3A_13] : memref<2048x16xf32, #tpu.memory_space<vmem>>, vector<2048x16xf32>
    %mul3A = vector.broadcast %select_n3A : vector<2048x1xf32> to vector<2048x16xf32>
    %mul3A_15 = arith.mulf %get3A_14, %mul3A : vector<2048x16xf32>
    %slice3A = vector.extract_strided_slice %mul3A_15 {offsets = [0, 0], sizes = [2048, 8], strides = [1, 1]} : vector<2048x16xf32> to vector<2048x8xf32>
    %swap3A = arith.constant 0 : index
    %swap3A_16 = arith.constant 0 : index
    %swap3A_17 = arith.constant 0 : index
    %swap3A_18 = vector.load %arg4[%swap3A, %swap3A_16, %swap3A_17] : memref<2x2048x8xf32, #tpu.memory_space<vmem>>, vector<1x2048x8xf32>
    %swap3A_19 = vector.shape_cast %swap3A_18 : vector<1x2048x8xf32> to vector<2048x8xf32>
    %swap3A_20 = vector.shape_cast %slice3A : vector<2048x8xf32> to vector<1x2048x8xf32>
    tpu.vector_store %arg4[%swap3A, %swap3A_16, %swap3A_17], %swap3A_20 {strides = array<i32>} : memref<2x2048x8xf32, #tpu.memory_space<vmem>>, vector<1x2048x8xf32>,
    %slice3A_21 = vector.extract_strided_slice %mul3A_15 {offsets = [0, 8], sizes = [2048, 8], strides = [1, 1]} : vector<2048x16xf32> to vector<2048x8xf32>
    %swap3A_22 = arith.constant 1 : index
    %swap3A_23 = arith.constant 0 : index
    %swap3A_24 = arith.constant 0 : index
    %swap3A_25 = vector.load %arg4[%swap3A_22, %swap3A_23, %swap3A_24] : memref<2x2048x8xf32, #tpu.memory_space<vmem>>, vector<1x2048x8xf32>
    %swap3A_26 = vector.shape_cast %swap3A_25 : vector<1x2048x8xf32> to vector<2048x8xf32>
    %swap3A_27 = vector.shape_cast %slice3A_21 : vector<2048x8xf32> to vector<1x2048x8xf32>
    tpu.vector_store %arg4[%swap3A_22, %swap3A_23, %swap3A_24], %swap3A_27 {strides = array<i32>} : memref<2x2048x8xf32, #tpu.memory_space<vmem>>, vector<1x2048x8xf32>,
    %swap3A_28 = arith.constant 0 : index
    %swap3A_29 = arith.constant 0 : index
    %swap3A_30 = vector.load %arg5[%swap3A_28, %swap3A_29] : memref<2048x1xf32, #tpu.memory_space<vmem>>, vector<2048x1xf32>
    tpu.vector_store %arg5[%swap3A_28, %swap3A_29], %select_n3A {strides = array<i32>} : memref<2048x1xf32, #tpu.memory_space<vmem>>, vector<2048x1xf32>,
    return
  }
  func.func @transform_0(%arg0: i32) -> (i32, i32) {
    %c0_i32 = arith.constant 0 : i32
    %c0_i32_0 = arith.constant 0 : i32
    return %arg0, %c0_i32 : i32, i32
  }
  func.func @transform_1(%arg0: i32) -> (i32, i32) {
    %c0_i32 = arith.constant 0 : i32
    %c0_i32_0 = arith.constant 0 : i32
    return %arg0, %c0_i32 : i32, i32
  }
  func.func @transform_2(%arg0: i32) -> (i32, i32) {
    %c0_i32 = arith.constant 0 : i32
    %c0_i32_0 = arith.constant 0 : i32
    return %arg0, %c0_i32 : i32, i32
  }
  func.func @transform_3(%arg0: i32) -> (i32, i32, i32) {
    %c0_i32 = arith.constant 0 : i32
    %c0_i32_0 = arith.constant 0 : i32
    %c0_i32_1 = arith.constant 0 : i32
    return %c0_i32, %arg0, %c0_i32_0 : i32, i32, i32
  }
  func.func @transform_4(%arg0: i32) -> (i32, i32) {
    %c0_i32 = arith.constant 0 : i32
    %c0_i32_0 = arith.constant 0 : i32
    return %arg0, %c0_i32 : i32, i32
  }
}

module attributes {stable_mosaic.version = 14 : i64} {
  func.func @_tc_mid_body(%arg0: i32, %arg1: memref<2x2048x8xf32, #tpu.memory_space<vmem>>, %arg2: memref<2x2048x8xf32, #tpu.memory_space<vmem>>, %arg3: memref<2048x1xf32, #tpu.memory_space<vmem>>, %arg4: memref<16x16xf32, #tpu.memory_space<vmem>>, %arg5: memref<1x16xf32, #tpu.memory_space<vmem>>, %arg6: memref<2x2048x8xf32, #tpu.memory_space<vmem>>) attributes {dimension_semantics = [#tpu.dimension_semantics<arbitrary>], iteration_bounds = array<i64: 49>, scalar_prefetch = 0 : i64, scratch_operands = 0 : i64, tpu.core_type = #tpu.core_type<tc>, window_params = [{transform_indices = @transform_0, window_bounds = array<i64: 2, 2048, 8>}, {transform_indices = @transform_1, window_bounds = array<i64: 2, 2048, 8>}, {transform_indices = @transform_2, window_bounds = array<i64: 2048, 1>}, {pipeline_mode = #tpu.pipeline_mode<synchronous>, transform_indices = @transform_3, window_bounds = array<i64: 16, 16>}, {pipeline_mode = #tpu.pipeline_mode<synchronous>, transform_indices = @transform_4, window_bounds = array<i64: 1, 16>}, {transform_indices = @transform_5, window_bounds = array<i64: 2, 2048, 8>}]} {
    %get3A = arith.constant 0 : index
    %get3A_0 = arith.constant 0 : index
    %get3A_1 = vector.load %arg3[%get3A, %get3A_0] : memref<2048x1xf32, #tpu.memory_space<vmem>>, vector<2048x1xf32>
    %get3A_2 = arith.constant 0 : index
    %get3A_3 = arith.constant 0 : index
    %get3A_4 = arith.constant 0 : index
    %get3A_5 = vector.load %arg1[%get3A_2, %get3A_3, %get3A_4] : memref<2x2048x8xf32, #tpu.memory_space<vmem>>, vector<1x2048x8xf32>
    %get3A_6 = vector.shape_cast %get3A_5 : vector<1x2048x8xf32> to vector<2048x8xf32>
    %get3A_7 = arith.constant 1 : index
    %get3A_8 = arith.constant 0 : index
    %get3A_9 = arith.constant 0 : index
    %get3A_10 = vector.load %arg1[%get3A_7, %get3A_8, %get3A_9] : memref<2x2048x8xf32, #tpu.memory_space<vmem>>, vector<1x2048x8xf32>
    %get3A_11 = vector.shape_cast %get3A_10 : vector<1x2048x8xf32> to vector<2048x8xf32>
    %concatenate3A = tpu.concatenate %get3A_6, %get3A_11 in 1 : vector<2048x8xf32>, vector<2048x8xf32> -> vector<2048x16xf32>
    %get3A_12 = arith.constant 0 : index
    %get3A_13 = arith.constant 0 : index
    %get3A_14 = arith.constant 0 : index
    %get3A_15 = vector.load %arg2[%get3A_12, %get3A_13, %get3A_14] : memref<2x2048x8xf32, #tpu.memory_space<vmem>>, vector<1x2048x8xf32>
    %get3A_16 = vector.shape_cast %get3A_15 : vector<1x2048x8xf32> to vector<2048x8xf32>
    %get3A_17 = arith.constant 1 : index
    %get3A_18 = arith.constant 0 : index
    %get3A_19 = arith.constant 0 : index
    %get3A_20 = vector.load %arg2[%get3A_17, %get3A_18, %get3A_19] : memref<2x2048x8xf32, #tpu.memory_space<vmem>>, vector<1x2048x8xf32>
    %get3A_21 = vector.shape_cast %get3A_20 : vector<1x2048x8xf32> to vector<2048x8xf32>
    %concatenate3A_22 = tpu.concatenate %get3A_16, %get3A_21 in 1 : vector<2048x8xf32>, vector<2048x8xf32> -> vector<2048x16xf32>
    %add3A = arith.addf %concatenate3A, %concatenate3A_22 : vector<2048x16xf32>
    %mul3A = vector.broadcast %get3A_1 : vector<2048x1xf32> to vector<2048x16xf32>
    %mul3A_23 = arith.mulf %mul3A, %add3A : vector<2048x16xf32>
    %get3A_24 = arith.constant 0 : index
    %get3A_25 = arith.constant 0 : index
    %get3A_26 = vector.load %arg5[%get3A_24, %get3A_25] : memref<1x16xf32, #tpu.memory_space<vmem>>, vector<1x16xf32>
    %add3A_27 = vector.broadcast %get3A_26 : vector<1x16xf32> to vector<2048x16xf32>
    %add3A_28 = arith.addf %mul3A_23, %add3A_27 : vector<2048x16xf32>
    %max3A = arith.constant 0.000000e+00 : f32
    %max3A_29 = vector.broadcast %max3A : f32 to vector<2048x16xf32>
    %max3A_30 = arith.maximumf %add3A_28, %max3A_29 : vector<2048x16xf32>
    %get3A_31 = arith.constant 0 : index
    %get3A_32 = arith.constant 0 : index
    %get3A_33 = vector.load %arg4[%get3A_31, %get3A_32] : memref<16x16xf32, #tpu.memory_space<vmem>>, vector<16x16xf32>
    %dot_general3A = arith.constant dense<0.000000e+00> : vector<2048x16xf32>
    %dot_general3A_34 = tpu.matmul %max3A_30, %get3A_33, %dot_general3A {dimension_numbers = #tpu.dot_dimension_numbers<[1], [0], [0], [1], [0, 0, 1, 1], [], []>, transpose_lhs_hint = false} : vector<2048x16xf32>, vector<16x16xf32>, vector<2048x16xf32> -> vector<2048x16xf32>
    %mul3A_35 = vector.broadcast %get3A_1 : vector<2048x1xf32> to vector<2048x16xf32>
    %mul3A_36 = arith.mulf %dot_general3A_34, %mul3A_35 : vector<2048x16xf32>
    %slice3A = vector.extract_strided_slice %mul3A_36 {offsets = [0, 0], sizes = [2048, 8], strides = [1, 1]} : vector<2048x16xf32> to vector<2048x8xf32>
    %swap3A = arith.constant 0 : index
    %swap3A_37 = arith.constant 0 : index
    %swap3A_38 = arith.constant 0 : index
    %swap3A_39 = vector.load %arg6[%swap3A, %swap3A_37, %swap3A_38] : memref<2x2048x8xf32, #tpu.memory_space<vmem>>, vector<1x2048x8xf32>
    %swap3A_40 = vector.shape_cast %swap3A_39 : vector<1x2048x8xf32> to vector<2048x8xf32>
    %swap3A_41 = vector.shape_cast %slice3A : vector<2048x8xf32> to vector<1x2048x8xf32>
    tpu.vector_store %arg6[%swap3A, %swap3A_37, %swap3A_38], %swap3A_41 {strides = array<i32>} : memref<2x2048x8xf32, #tpu.memory_space<vmem>>, vector<1x2048x8xf32>,
    %slice3A_42 = vector.extract_strided_slice %mul3A_36 {offsets = [0, 8], sizes = [2048, 8], strides = [1, 1]} : vector<2048x16xf32> to vector<2048x8xf32>
    %swap3A_43 = arith.constant 1 : index
    %swap3A_44 = arith.constant 0 : index
    %swap3A_45 = arith.constant 0 : index
    %swap3A_46 = vector.load %arg6[%swap3A_43, %swap3A_44, %swap3A_45] : memref<2x2048x8xf32, #tpu.memory_space<vmem>>, vector<1x2048x8xf32>
    %swap3A_47 = vector.shape_cast %swap3A_46 : vector<1x2048x8xf32> to vector<2048x8xf32>
    %swap3A_48 = vector.shape_cast %slice3A_42 : vector<2048x8xf32> to vector<1x2048x8xf32>
    tpu.vector_store %arg6[%swap3A_43, %swap3A_44, %swap3A_45], %swap3A_48 {strides = array<i32>} : memref<2x2048x8xf32, #tpu.memory_space<vmem>>, vector<1x2048x8xf32>,
    return
  }
  func.func @transform_0(%arg0: i32) -> (i32, i32, i32) {
    %c0_i32 = arith.constant 0 : i32
    %c0_i32_0 = arith.constant 0 : i32
    %c0_i32_1 = arith.constant 0 : i32
    return %c0_i32, %arg0, %c0_i32_0 : i32, i32, i32
  }
  func.func @transform_1(%arg0: i32) -> (i32, i32, i32) {
    %c0_i32 = arith.constant 0 : i32
    %c0_i32_0 = arith.constant 0 : i32
    %c0_i32_1 = arith.constant 0 : i32
    return %c0_i32, %arg0, %c0_i32_0 : i32, i32, i32
  }
  func.func @transform_2(%arg0: i32) -> (i32, i32) {
    %c0_i32 = arith.constant 0 : i32
    %c0_i32_0 = arith.constant 0 : i32
    return %arg0, %c0_i32 : i32, i32
  }
  func.func @transform_3(%arg0: i32) -> (i32, i32) {
    %c0_i32 = arith.constant 0 : i32
    %c0_i32_0 = arith.constant 0 : i32
    %c0_i32_1 = arith.constant 0 : i32
    return %c0_i32, %c0_i32_0 : i32, i32
  }
  func.func @transform_4(%arg0: i32) -> (i32, i32) {
    %c0_i32 = arith.constant 0 : i32
    %c0_i32_0 = arith.constant 0 : i32
    %c0_i32_1 = arith.constant 0 : i32
    return %c0_i32, %c0_i32_0 : i32, i32
  }
  func.func @transform_5(%arg0: i32) -> (i32, i32, i32) {
    %c0_i32 = arith.constant 0 : i32
    %c0_i32_0 = arith.constant 0 : i32
    %c0_i32_1 = arith.constant 0 : i32
    return %c0_i32, %arg0, %c0_i32_0 : i32, i32, i32
  }
}

module attributes {stable_mosaic.version = 14 : i64} {
  func.func @_tc_last_body(%arg0: i32, %arg1: memref<2x2048x8xf32, #tpu.memory_space<vmem>>, %arg2: memref<2x2048x8xf32, #tpu.memory_space<vmem>>, %arg3: memref<2048x1xf32, #tpu.memory_space<vmem>>, %arg4: memref<1x16xf32, #tpu.memory_space<vmem>>, %arg5: memref<2048x16xf32, #tpu.memory_space<vmem>>) attributes {dimension_semantics = [#tpu.dimension_semantics<arbitrary>], iteration_bounds = array<i64: 49>, scalar_prefetch = 0 : i64, scratch_operands = 0 : i64, tpu.core_type = #tpu.core_type<tc>, window_params = [{transform_indices = @transform_0, window_bounds = array<i64: 2, 2048, 8>}, {transform_indices = @transform_1, window_bounds = array<i64: 2, 2048, 8>}, {transform_indices = @transform_2, window_bounds = array<i64: 2048, 1>}, {pipeline_mode = #tpu.pipeline_mode<synchronous>, transform_indices = @transform_3, window_bounds = array<i64: 1, 16>}, {transform_indices = @transform_4, window_bounds = array<i64: 2048, 16>}]} {
    %get3A = arith.constant 0 : index
    %get3A_0 = arith.constant 0 : index
    %get3A_1 = arith.constant 0 : index
    %get3A_2 = vector.load %arg1[%get3A, %get3A_0, %get3A_1] : memref<2x2048x8xf32, #tpu.memory_space<vmem>>, vector<1x2048x8xf32>
    %get3A_3 = vector.shape_cast %get3A_2 : vector<1x2048x8xf32> to vector<2048x8xf32>
    %get3A_4 = arith.constant 1 : index
    %get3A_5 = arith.constant 0 : index
    %get3A_6 = arith.constant 0 : index
    %get3A_7 = vector.load %arg1[%get3A_4, %get3A_5, %get3A_6] : memref<2x2048x8xf32, #tpu.memory_space<vmem>>, vector<1x2048x8xf32>
    %get3A_8 = vector.shape_cast %get3A_7 : vector<1x2048x8xf32> to vector<2048x8xf32>
    %concatenate3A = tpu.concatenate %get3A_3, %get3A_8 in 1 : vector<2048x8xf32>, vector<2048x8xf32> -> vector<2048x16xf32>
    %get3A_9 = arith.constant 0 : index
    %get3A_10 = arith.constant 0 : index
    %get3A_11 = arith.constant 0 : index
    %get3A_12 = vector.load %arg2[%get3A_9, %get3A_10, %get3A_11] : memref<2x2048x8xf32, #tpu.memory_space<vmem>>, vector<1x2048x8xf32>
    %get3A_13 = vector.shape_cast %get3A_12 : vector<1x2048x8xf32> to vector<2048x8xf32>
    %get3A_14 = arith.constant 1 : index
    %get3A_15 = arith.constant 0 : index
    %get3A_16 = arith.constant 0 : index
    %get3A_17 = vector.load %arg2[%get3A_14, %get3A_15, %get3A_16] : memref<2x2048x8xf32, #tpu.memory_space<vmem>>, vector<1x2048x8xf32>
    %get3A_18 = vector.shape_cast %get3A_17 : vector<1x2048x8xf32> to vector<2048x8xf32>
    %concatenate3A_19 = tpu.concatenate %get3A_13, %get3A_18 in 1 : vector<2048x8xf32>, vector<2048x8xf32> -> vector<2048x16xf32>
    %get3A_20 = arith.constant 0 : index
    %get3A_21 = arith.constant 0 : index
    %get3A_22 = vector.load %arg3[%get3A_20, %get3A_21] : memref<2048x1xf32, #tpu.memory_space<vmem>>, vector<2048x1xf32>
    %add3A = arith.addf %concatenate3A, %concatenate3A_19 : vector<2048x16xf32>
    %mul3A = vector.broadcast %get3A_22 : vector<2048x1xf32> to vector<2048x16xf32>
    %mul3A_23 = arith.mulf %mul3A, %add3A : vector<2048x16xf32>
    %get3A_24 = arith.constant 0 : index
    %get3A_25 = arith.constant 0 : index
    %get3A_26 = vector.load %arg4[%get3A_24, %get3A_25] : memref<1x16xf32, #tpu.memory_space<vmem>>, vector<1x16xf32>
    %add3A_27 = vector.broadcast %get3A_26 : vector<1x16xf32> to vector<2048x16xf32>
    %add3A_28 = arith.addf %mul3A_23, %add3A_27 : vector<2048x16xf32>
    %swap3A = arith.constant 0 : index
    %swap3A_29 = arith.constant 0 : index
    %swap3A_30 = vector.load %arg5[%swap3A, %swap3A_29] : memref<2048x16xf32, #tpu.memory_space<vmem>>, vector<2048x16xf32>
    tpu.vector_store %arg5[%swap3A, %swap3A_29], %add3A_28 {strides = array<i32>} : memref<2048x16xf32, #tpu.memory_space<vmem>>, vector<2048x16xf32>,
    return
  }
  func.func @transform_0(%arg0: i32) -> (i32, i32, i32) {
    %c0_i32 = arith.constant 0 : i32
    %c0_i32_0 = arith.constant 0 : i32
    %c0_i32_1 = arith.constant 0 : i32
    return %c0_i32, %arg0, %c0_i32_0 : i32, i32, i32
  }
  func.func @transform_1(%arg0: i32) -> (i32, i32, i32) {
    %c0_i32 = arith.constant 0 : i32
    %c0_i32_0 = arith.constant 0 : i32
    %c0_i32_1 = arith.constant 0 : i32
    return %c0_i32, %arg0, %c0_i32_0 : i32, i32, i32
  }
  func.func @transform_2(%arg0: i32) -> (i32, i32) {
    %c0_i32 = arith.constant 0 : i32
    %c0_i32_0 = arith.constant 0 : i32
    return %arg0, %c0_i32 : i32, i32
  }
  func.func @transform_3(%arg0: i32) -> (i32, i32) {
    %c0_i32 = arith.constant 0 : i32
    %c0_i32_0 = arith.constant 0 : i32
    %c0_i32_1 = arith.constant 0 : i32
    return %c0_i32, %c0_i32_0 : i32, i32
  }
  func.func @transform_4(%arg0: i32) -> (i32, i32) {
    %c0_i32 = arith.constant 0 : i32
    %c0_i32_0 = arith.constant 0 : i32
    return %arg0, %c0_i32 : i32, i32
  }
}

</mosaic_0001>

<sc_bundles>
// kernel: kernel.12.cloned.1.call-start
scs
__scs_entry_jumppad:
0x0: {  	(pc) =	sbr.rel $0x88, $3  }
0x1: {  	(tag) =	ssettag $0x0;
	lr =	simm.s32 $0x1  }
0x2: {  	[smem:$0x3F9B] =	sst lr;
	_ =	strace $0xD0000000  }
0x3: {  	_ = 	snop  }
0x4: {  	_ = 	snop  }
0x5: {  	_ = 	snop  }
0x6: {  	_ = 	snop  }
0x7: {  	_ = 	snop  }
__scs_overlays_trampoline_lowered:
0x8: {  	[smem:$0x3FAA] =	sst s0  }
0x9: {  	[smem:$0x3FAB] =	sst s1  }
0xa: {  	[smem:$0x3FAC] =	sst s2  }
0xb: {  	[smem:$0x3FAD] =	sst s3  }
0xc: {  	[smem:$0x3FAE] =	sst s4  }
0xd: {  	[smem:$0x3FAF] =	sst s5  }
0xe: {  	[smem:$0x3FB0] =	sst s6  }
0xf: {  	[smem:$0x3FB1] =	sst s7  }
0x10: {  	[smem:$0x3FB2] =	sst s8  }
0x11: {  	[smem:$0x3FB3] =	sst s9;
	s0 =	simm.s32 @!p0 $0x0  }
0x12: {  	s1 =	sld [smem:$0x3F99];
	s0 =	simm.s32 @p0 $0x1  }
0x13: {  	[smem:$0x3FB4] =	sst s0;
	s0 =	simm.s32 @!p1 $0x0  }
0x14: {  	s2 =	sld [smem:$0x3F98];
	s0 =	simm.s32 @p1 $0x1  }
0x15: {  	[smem:$0x3FB5] =	sst s0;
	s0 =	simm.s32 @!p2 $0x0  }
0x16: {  	s3 =	sld [smem:$0x3FDB];
	s0 =	simm.s32 @p2 $0x1  }
0x17: {  	s4 =	simm.s32 $0x1BF5;
	[smem:$0x3FB7] =	sst s0  }
0x18: {  	s0 =	sld [smem:$0x3F9A];
	_ =	swait.ge [sflag:s4], $0x0  }
0x19: {  	s7 =	sld [smem:$0x3F9B]  }
0x1a: {  	s8 =	sadd.s32 $0xFFFFE003, lr  }
0x1b: {  	s9 =	sadd.s32 $0xFFFFFEF7, lr;
	s5 =	simm.s32 $0xFFFFFFFF;
	p2 =	slt.u32 s8, $0xFFFFF086  }
0x1c: {  	p1 =	slt.u32 s9, $0xF7A;
	s5 =	simm.s32 @!p2 $0x0  }
0x1d: {  	s5 =	simm.s32 @p1 $0x1;
	p0 =	seq.s32 s7, s2  }
0x1e: {  	s7 =	smul.u32 @!p0 $0xF7A, s2;
	p2 =	seq.s32 @!p0 s5, $0x0  }
0x1f: {  	s9 =	smul.u32 $0xF7A, s1;
	s8 =	simm.s32 @!p0 $0x1BF5;
	p2 =	por !p2, p0  }
0x20: {  	[sflag:s8] =	ssyncset.s32 @!p0 $0xFFFFF086;
	s6 =	sadd.s32 @!p0 s3, s7;
	s7 =	simm.s32 @!p0 $0x108  }
0x21: {  	s3 =	sadd.s32 s3, s9;
	s6 =	sadd.s32 @!p0 $0x88, s6;
	s7 =	simm.s32 @p2 $0x1082  }
0x22: {  	[simem:s7], [sflag:s8] =	dma.local @!p0 [hbm:s6], $0xF7A  }
0x23: {  	s9 =	sor.u32 $0xD0000000, s2;
	s6 =	simm.s32 $0x108;
	_ =	swait.ge @!p0 [sflag:s8], $0x0  }
0x24: {  	s3 =	sadd.s32 $0x88, s3;
	s6 =	simm.s32 @!p1 $0x1082;
	[sflag:s4] =	ssyncset.s32 $0xFFFFF086  }
0x25: {  	[simem:s6], [sflag:s4] =	dma.local [hbm:s3], $0xF7A  }
0x26: {  	[smem:$0x3F9B] =	sst s1;
	(tag) =	ssettag s2;
	_ =	strace s9  }
0x27: {  	s1 =	sld [smem:$0x3FAB]  }
0x28: {  	s2 =	sld [smem:$0x3FAC]  }
0x29: {  	s4 =	sld [smem:$0x3FAE]  }
0x2a: {  	p0 =	seq.s32 s5, $0x0;
	s5 =	sld [smem:$0x3FAF]  }
0x2b: {  	s6 =	sld [smem:$0x3FB0]  }
0x2c: {  	s7 =	sld [smem:$0x3FB1]  }
0x2d: {  	s3 =	simm.s32 $0x108;
	s8 =	sld [smem:$0x3FB2]  }
0x2e: {  	s3 =	simm.s32 @!p0 $0x1082;
	s9 =	sld [smem:$0x3FB3]  }
0x2f: {  	lr =	sadd.s32 s0, s3;
	s0 =	sld [smem:$0x3FAA]  }
0x30: {  	s3 =	sld [smem:$0x3FAD]  }
0x31: {  	[smem:$0x3FB6] =	sst s10  }
0x32: {  	s10 =	sld [smem:$0x3FB4];
	_ =	sdelay $0x3  }
0x33: {  	p0 =	seq.s32 s10, $0x1;
	s10 =	sld [smem:$0x3FB6];
	_ =	sdelay $0x3  }
0x34: {  	[smem:$0x3FB6] =	sst s10  }
0x35: {  	s10 =	sld [smem:$0x3FB5];
	_ =	sdelay $0x3  }
0x36: {  	p1 =	seq.s32 s10, $0x1;
	s10 =	sld [smem:$0x3FB6];
	_ =	sdelay $0x3  }
0x37: {  	[smem:$0x3FB6] =	sst s10  }
0x38: {  	s10 =	sld [smem:$0x3FB7]  }
0x39: {  	_ = 	snop;
	(pc) =	sbr.ind lr, $3  }
0x3a: {  	_ = 	snop  }
0x3b: {  	_ = 	snop  }
0x3c: {  	p2 =	seq.s32 s10, $0x1;
	s10 =	sld [smem:$0x3FB6]  }
0x3d: {  	_ =	shalt  }
0x3e: {  	_ =	shalt  }
0x3f: {  	_ =	shalt  }
0x40: {  	_ =	shalt  }
0x41: {  	_ =	shalt  }
0x42: {  	_ =	shalt  }
0x43: {  	_ =	shalt  }
0x44: {  	_ =	shalt  }
0x45: {  	_ =	shalt  }
0x46: {  	_ =	shalt  }
0x47: {  	_ =	shalt  }
0x48: {  	_ =	shalt  }
0x49: {  	_ =	shalt  }
0x4a: {  	_ =	shalt  }
0x4b: {  	_ =	shalt  }
0x4c: {  	_ =	shalt  }
0x4d: {  	_ =	shalt  }
0x4e: {  	_ =	shalt  }
0x4f: {  	_ =	shalt  }
0x50: {  	_ =	shalt  }
0x51: {  	_ =	shalt  }
0x52: {  	_ =	shalt  }
0x53: {  	_ =	shalt  }
0x54: {  	_ =	shalt  }
0x55: {  	_ =	shalt  }
0x56: {  	_ =	shalt  }
0x57: {  	_ =	shalt  }
0x58: {  	_ =	shalt  }
0x59: {  	_ =	shalt  }
0x5a: {  	_ =	shalt  }
0x5b: {  	_ =	shalt  }
0x5c: {  	_ =	shalt  }
0x5d: {  	_ =	shalt  }
0x5e: {  	_ =	shalt  }
0x5f: {  	_ =	shalt  }
0x60: {  	_ =	shalt  }
0x61: {  	_ =	shalt  }
0x62: {  	_ =	shalt  }
0x63: {  	_ =	shalt  }
0x64: {  	_ =	shalt  }
0x65: {  	_ =	shalt  }
0x66: {  	_ =	shalt  }
0x67: {  	_ =	shalt  }
0x68: {  	_ =	shalt  }
0x69: {  	_ =	shalt  }
0x6a: {  	_ =	shalt  }
0x6b: {  	_ =	shalt  }
0x6c: {  	_ =	shalt  }
0x6d: {  	_ =	shalt  }
0x6e: {  	_ =	shalt  }
0x6f: {  	_ =	shalt  }
0x70: {  	_ =	shalt  }
0x71: {  	_ =	shalt  }
0x72: {  	_ =	shalt  }
0x73: {  	_ =	shalt  }
0x74: {  	_ =	shalt  }
0x75: {  	_ =	shalt  }
0x76: {  	_ =	shalt  }
0x77: {  	_ =	shalt  }
0x78: {  	_ =	shalt  }
0x79: {  	_ =	shalt  }
0x7a: {  	_ =	shalt  }
0x7b: {  	_ =	shalt  }
0x7c: {  	_ =	shalt  }
0x7d: {  	_ =	shalt  }
0x7e: {  	_ =	shalt  }
0x7f: {  	_ =	shalt  }
0x80: {  	_ =	shalt  }
0x81: {  	_ =	shalt  }
0x82: {  	_ =	shalt  }
0x83: {  	_ =	shalt  }
0x84: {  	_ =	shalt  }
0x85: {  	_ =	shalt  }
0x86: {  	_ =	shalt  }
0x87: {  	_ =	shalt  }
.Lfunc_end0:
.L_simem_size_0:
called_computation.1_lowered:
.L_overlay_start_0:
0x88: {  	s2 =	sld [smem:$0x3FD9]  }
0x89: {  	s3 =	sld [smem:$0x3FFE];
	_ =	sdelay $0x1  }
0x8a: {  	s1 =	srdreg.scid  }
0x8b: {  	s0 =	sand.u32 $0x1, s1  }
0x8c: {  	s16 =	sshll.u32 s0, $0xA;
	s2 =	sadd.s32 s3, s2  }
0x8d: {  	s2 =	sadd.s32 s2, s16  }
0x8e: {  	[smem:$0x3FC2] =	sst s2  }
0x8f: {  	_ = 	snop  }
0x90: {  	(tm) =	ssettm $0x1  }
0x91: {  	s17 =	sld [smem:$0x3FFB];
	_ =	sdelay $0x3  }
0x92: {  	_ =	strace s17  }
0x93: {  	s2 =	sld [smem:$0x3FFC];
	_ =	sdelay $0x3  }
0x94: {  	_ =	strace s2  }
0x95: {  	s2 =	sld [smem:$0x3FFD];
	_ =	sdelay $0x3  }
0x96: {  	_ =	strace s2  }
0x97: {  	_ =	strace $0x8FFFFFFF  }
0x98: {  	s18 =	sld [smem:$0x3FDB];
	_ =	sdelay $0x1  }
0x99: {  	s19 =	simm.s32 $_scs_section_size  }
0x9a: {  	s4 =	simm.s32 $_size__tile_overlayer_lowered;
	s5 =	simm.s32 $_tile_overlayer_lowered  }
0x9b: {  	s22 =	simm.s32 $0x1BFF;
	s21 =	sshll.u32 s5, $0x1;
	s2 =	sadd.s32 s19, s18  }
0x9c: {  	s6 =	simm.s32 $0x0;
	s20 =	sshll.u32 s4, $0x1;
	s4 =	sadd.s32 s21, s2  }
0x9d: {  	[timem:s6], [sflag:s22] =	dma.local [hbm:s4], s20  }
0x9e: {  	_ =	swait.ge [sflag:s22], s20  }
0x9f: {  	s3 =	ssub.s32 $0x0, s20;
	[sflag:s22] =	ssyncset.done $0x0  }
0xa0: {  	[sflag:s22] =	ssyncadd.s32 s3;
	_ =	sdelay $0x1  }
0xa1: {  	s23 =	simm.s32 $0x1B8B  }
0xa2: {  	_ =	swait.ge [sflag:s23], $0x1  }
0xa3: {  	[sflag:s23] =	ssyncset.done $0x0  }
0xa4: {  	s25 =	simm.s32 $0x1B8E;
	s24 =	sld [smem:$0x3FFE];
	[sflag:s23] =	ssyncadd.s32 $0xFFFFFFFF  }
0xa5: {  	s26 =	simm.s32 $execute0_lowered;
	[smem:$0x3FD2] =	sst s25  }
0xa6: {  	s4 =	sshll.u32 s26, $0x1;
	_ =	strace $0x80000049;
	[dreg:$0x1] =	wrdreg $0xFFFFFFFF  }
0xa7: {  	s28 =	simm.s32 $_size_execute0_lowered;
	s2 =	sadd.s32 s2, s4;
	[dreg:$0x0] =	wrdreg $0x0  }
0xa8: {  	s4 =	sshll.u32 s28, $0x1;
	[dreg:$0x2] =	wrdreg s2  }
0xa9: {  	[dreg:$0x3] =	wrdreg s4  }
0xaa: {  	[dreg:$0x4] =	wrdreg $0xC0  }
0xab: {  	_ =	task [dreg:s6], $0x5FFFF  }
0xac: {  	[dreg:$0x1] =	wrdreg $0xFFFFFFFF  }
0xad: {  	[dreg:$0x0] =	wrdreg $0x60  }
0xae: {  	[dreg:$0x2] =	wrdreg s24  }
0xaf: {  	[dreg:$0x3] =	wrdreg $0x112800  }
0xb0: {  	[dreg:$0x4] =	wrdreg $0x9  }
0xb1: {  	_ =	task.clear_ibuf [dreg:s6], $0x5FFFF;
	_ =	strace $0x90000049  }
0xb2: {  	s29 =	simm.s32 $0x9;
	_ =	strace $0x8000004B  }
0xb3: {  	_ =	swait.ge [sflag:s29], $0x1  }
0xb4: {  	[sflag:s29] =	ssyncadd.s32 $0xFFFFFFFF  }
0xb5: {  	_ =	strace $0x9000004B  }
0xb6: {  	_ =	sfence  }
0xb7: {  	s30 =	sld [smem:$0x0];
	_ =	sdelay $0x2  }
0xb8: {  	s31 =	sshll.u32 s1, $0xD;
	s1 =	sshrl.u32 s1, $0x2  }
0xb9: {  	s3 =	sand.u32 $0x4000, s31;
	s1 =	sadd.s32 s1, s30  }
0xba: {  	s0 =	sor.u32 s3, s0;
	s1 =	sshll.u32 s1, $0x11  }
0xbb: {  	s0 =	sor.u32 s1, s0  }
0xbc: {  	s0 =	sadd.s32 $0x8F2B, s0  }
0xbd: {  	[sflag:s0] =	ssyncadd.remote.s32 $0x1  }
0xbe: {  	_ =	sfence.sel $0xFFFF  }
0xbf: {  	[dreg:$0x0] =	wrdreg $0xFFFFFFFF;
	(pc) =	sbr.abs _section_cstart, $3  }
0xc0: {  	[dreg:$0x1] =	wrdreg $0xFFFFFFFF  }
0xc1: {  	_ =	task.clear_ibuf [dreg:s6], $0x2FFFF;
	_ =	strace $0x9FFFFFFF  }
0xc2: {  	(tm) =	ssettm $0x7FFFFFFF  }
0xc3: {  	_ =	shalt  }
tec
execute0_lowered:
.L_overlay_start_1:
0x0: {  	(tag) =	ssettag $0x1  }
0x1: {  	s0 =	rddreg [dreg:$0x0]  }
0x2: {  	s2 =	srdreg.scid;
	s1 =	rddreg [dreg:$0x1]  }
0x3: {  	s3 =	simm.s32 $0x0;
	s15 =	stileid.u32;
	s28 =	simm.s32 $0x9600  }
0x4: {  	s29 =	simm.s32 $0x1;
	s30 =	simm.s32 $0x2;
	s6 =	smul.u32 $0xC400, s15  }
0x5: {  	s31 =	simm.s32 $0x3;
	s2 =	sand.u32 $0x1, s2;
	s7 =	smul.u32 $0x31000, s15  }
0x6: {  	[smem:$0x7FF] =	sst s3;
	s20 =	sadd.s32 $0x65A00, s0;
	s22 =	smul.u32 $0x32000, s15  }
0x7: {  	s19 =	sadd.s32 $0x1A00, s0;
	s4 =	smul.u32 $0xC4000, s2;
	s2 =	ssub.s32 $0x2, s2  }
0x8: {  	s26 =	smul.u32 $0x6400, s15;
	_ =	strace $0x8000004A;
	s8 =	sshrl.u32 s2, $0x1  }
0x9: {  	s7 =	sshrl.u32 s7, $0x2;
	s5 =	sshrl.u32 s4, $0x3;
	s4 =	sadd.s32 s6, s4  }
0xa: {  	s2 =	ssub.s32 s2, s8;
	s11 =	sadd.s32 s7, s1;
	s5 =	sadd.s32 s5, s0  }
0xb: {  	s4 =	sshrl.u32 s4, $0x3;
	s21 =	sadd.s32 $0x1880, s11;
	s7 =	sadd.s32 $0x3100, s11  }
0xc: {  	s23 =	sadd.s32 $0x4980, s11;
	s24 =	sadd.s32 $0x6200, s11;
	s9 =	sadd.s32 $0x7A80, s11  }
0xd: {  	s10 =	sadd.s32 $0x9300, s11;
	s11 =	sadd.s32 $0xAB80, s11;
	[dreg:$0x3] =	wrdreg s21  }
0xe: {  	s18 =	smax.u32 s2, $0x1;
	s2 =	simm.s32 $0x0;
	[dreg:$0x4] =	wrdreg s7  }
0xf: {  	s0 =	sadd.s32 s4, s0;
	s4 =	sadd.s32 s6, s1;
	[dreg:$0x5] =	wrdreg s23  }
0x10: {  	[dreg:$0x6] =	wrdreg s24;
	s6 =	sshrl.u32 s22, $0x3;
	s14 =	sadd.s32 $0xC9A00, s5  }
0x11: {  	s21 =	simm.s32 $0xFA00;
	s22 =	simm.s32 $0x5;
	s23 =	simm.s32 $0x1900  }
0x12: {  	s24 =	simm.s32 $0xC80;
	s12 =	sadd.s32 s20, s6;
	s13 =	sadd.s32 s19, s6  }
0x13: {  	s25 =	sor.u32 $0x190, s6;
	s17 =	sadd.s32 $0xFAA00, s0;
	s0 =	simm.s32 $0x4  }
0x14: {  	s15 =	sadd.s32 s20, s25;
	s16 =	sadd.s32 s19, s25;
	s19 =	sadd.s32 s26, s19  }
0x15: {  	v0 =	vimm.f32 $0.0e+00;
	s20 =	sadd.s32 s26, s20;
	s25 =	simm.s32 $0x3200;
	s26 =	simm.s32 $0x2580  }
.LBB2_1:
0x16: {  	s5 =	simm.s32 $0x40;
	s6 =	simm.s32 $0x0  }
.LBB2_2:
0x17: {  	p0 =	sne.s32 s5, $0x61C0;
	[tilespmem:s6+$0xFA00] =	vst.msk $0xff, v0;
	s7 =	smov.u32 s5;
	s5 =	sadd.s32 $0x40, s5  }
.Ltmp0:
0x18: {  	[tilespmem:s6+$0xFA08] =	vst.msk $0xff, v0;
	(pc) =	sbr.rel @p0 .LBB2_2-.Ltmp0, $2  }
0x19: {  	_ =	sdelay $0x2  }
0x1a: {  	s6 =	sshra.s32 s7, $0x2  }
0x1b: {  	[tilespmem:s6+$0xFA00] =	vst.msk $0xff, v0  }
0x1c: {  	[tilespmem:s6+$0xFA08] =	vst.msk $0xff, v0  }
0x1d: {  	[spmem:s4] =	stream.linear.scatter [tilespmem:s21], [sflag:$0x5], $0x1880, $0x38;
	[tilespmem:$0x1D680] =	vst v63  }
0x1e: {  	_ =	swait.ge [sflag:s22], $0x1880  }
0x1f: {  	[sflag:s22] =	ssyncset.done $0x0  }
0x20: {  	s5 =	rddreg [dreg:$0x3];
	[sflag:s22] =	ssyncadd.s32 $0xFFFFE780  }
0x21: {  	[spmem:s5] =	stream.linear.scatter [tilespmem:s21], [sflag:$0x5], $0x1880, $0x38;
	[tilespmem:$0x1D680] =	vst v63  }
0x22: {  	_ =	swait.ge [sflag:s22], $0x1880  }
0x23: {  	[sflag:s22] =	ssyncset.done $0x0  }
0x24: {  	s7 =	rddreg [dreg:$0x4];
	[sflag:s22] =	ssyncadd.s32 $0xFFFFE780  }
0x25: {  	[spmem:s7] =	stream.linear.scatter [tilespmem:s21], [sflag:$0x5], $0x1880, $0x38;
	[tilespmem:$0x1D680] =	vst v63  }
0x26: {  	_ =	swait.ge [sflag:s22], $0x1880  }
0x27: {  	[sflag:s22] =	ssyncset.done $0x0  }
0x28: {  	s8 =	rddreg [dreg:$0x5];
	[sflag:s22] =	ssyncadd.s32 $0xFFFFE780  }
0x29: {  	[spmem:s8] =	stream.linear.scatter [tilespmem:s21], [sflag:$0x5], $0x1880, $0x38;
	[tilespmem:$0x1D680] =	vst v63  }
0x2a: {  	_ =	swait.ge [sflag:s22], $0x1880  }
0x2b: {  	[sflag:s22] =	ssyncset.done $0x0  }
0x2c: {  	s6 =	rddreg [dreg:$0x6];
	[sflag:s22] =	ssyncadd.s32 $0xFFFFE780  }
0x2d: {  	[spmem:s6] =	stream.linear.scatter [tilespmem:s21], [sflag:$0x5], $0x1880, $0x38;
	[tilespmem:$0x1D680] =	vst v63  }
0x2e: {  	_ =	swait.ge [sflag:s22], $0x1880  }
0x2f: {  	[sflag:s22] =	ssyncset.done $0x0  }
0x30: {  	[sflag:s22] =	ssyncadd.s32 $0xFFFFE780  }
0x31: {  	[spmem:s9] =	stream.linear.scatter [tilespmem:s21], [sflag:$0x5], $0x1880, $0x38;
	[tilespmem:$0x1D680] =	vst v63  }
0x32: {  	_ =	swait.ge [sflag:s22], $0x1880  }
0x33: {  	[sflag:s22] =	ssyncset.done $0x0  }
0x34: {  	[sflag:s22] =	ssyncadd.s32 $0xFFFFE780  }
0x35: {  	[spmem:s10] =	stream.linear.scatter [tilespmem:s21], [sflag:$0x5], $0x1880, $0x38;
	[tilespmem:$0x1D680] =	vst v63  }
0x36: {  	_ =	swait.ge [sflag:s22], $0x1880  }
0x37: {  	[sflag:s22] =	ssyncset.done $0x0  }
0x38: {  	[sflag:s22] =	ssyncadd.s32 $0xFFFFE780  }
0x39: {  	[spmem:s11] =	stream.linear.scatter [tilespmem:s21], [sflag:$0x5], $0x1880, $0x38;
	[tilespmem:$0x1D680] =	vst v63  }
0x3a: {  	_ =	swait.ge [sflag:s22], $0x1880  }
0x3b: {  	[sflag:s22] =	ssyncset.done $0x0  }
0x3c: {  	[sflag:s22] =	ssyncadd.s32 $0xFFFFE780  }
0x3d: {  	[bflag:$0x0] =	sbarrier.arrive $0xFFFF  }
0x3e: {  	[tilespmem:s3], [sflag:$0x5] =	stream.linear.gather [hbm4b:s12+s3], $0xC80, $0x38;
	[tilespmem:$0x1D680] =	vst v63  }
0x3f: {  	_ =	swait.ge [sflag:s22], $0xC80  }
0x40: {  	[sflag:s22] =	ssyncset.done $0x0  }
0x41: {  	[sflag:s22] =	ssyncadd.s32 $0xFFFFF380  }
0x42: {  	[tilespmem:s23], [sflag:$0x5] =	stream.linear.gather [hbm4b:s13+s3], $0xC80, $0x38;
	[tilespmem:$0x1D680] =	vst v63  }
0x43: {  	_ =	swait.ge [sflag:s22], $0xC80  }
0x44: {  	[sflag:s22] =	ssyncset.done $0x0  }
0x45: {  	[sflag:s22] =	ssyncadd.s32 $0xFFFFF380  }
0x46: {  	[tilespmem:s25], [sflag:$0x1] =	stream.indirect.gather [hbm4b:s14+s24], $0x8, s3, s24, $0xb8;
	[tilespmem:$0x1D680] =	vst v63  }
0x47: {  	_ = 	snop  }
0x48: {  	[tilespmem:s24], [sflag:$0x5] =	stream.linear.gather [hbm4b:s15+s3], $0xC80, $0x38;
	[tilespmem:$0x1D680] =	vst v63  }
0x49: {  	_ =	swait.ge [sflag:s22], $0xC80  }
0x4a: {  	[sflag:s22] =	ssyncset.done $0x0  }
0x4b: {  	[sflag:s22] =	ssyncadd.s32 $0xFFFFF380  }
0x4c: {  	[tilespmem:s26], [sflag:$0x5] =	stream.linear.gather [hbm4b:s16+s3], $0xC80, $0x38;
	[tilespmem:$0x1D680] =	vst v63  }
0x4d: {  	_ =	swait.ge [sflag:s22], $0xC80  }
0x4e: {  	[sflag:s22] =	ssyncset.done $0x0  }
0x4f: {  	[sflag:s22] =	ssyncadd.s32 $0xFFFFF380  }
0x50: {  	[tilespmem:s28], [sflag:$0x2] =	stream.indirect.gather [hbm4b:s14+s24], $0x8, s24, s24, $0xb8;
	[tilespmem:$0x1D680] =	vst v63  }
0x51: {  	_ =	swait.ge [sflag:s29], $0x6400  }
0x52: {  	[sflag:s29] =	ssyncset.done $0x0  }
0x53: {  	[sflag:s29] =	ssyncadd.s32 $0xFFFF9C00  }
0x54: {  	[spmem:s1] =	stream.indirect.scatter.add.f32 [tilespmem:s25], [sflag:$0x3], $0x8, s23, s24, $0xb8;
	[tilespmem:$0x1D680] =	vst v63  }
0x55: {  	_ =	swait.ge [sflag:s30], $0x6400  }
0x56: {  	[sflag:s30] =	ssyncset.done $0x0  }
0x57: {  	[sflag:s30] =	ssyncadd.s32 $0xFFFF9C00  }
0x58: {  	[spmem:s1] =	stream.indirect.scatter.add.f32 [tilespmem:s28], [sflag:$0x4], $0x8, s26, s24, $0xb8;
	[tilespmem:$0x1D680] =	vst v63  }
0x59: {  	_ =	swait.ge [sflag:s31], $0x6400  }
0x5a: {  	s5 =	sadd.s32 $0xFFFF9F20, s20;
	[sflag:s31] =	ssyncset.done $0x0  }
0x5b: {  	s7 =	sadd.s32 $0x6400, s5;
	[sflag:s31] =	ssyncadd.s32 $0xFFFF9C00  }
0x5c: {  	[tilespmem:s3], [sflag:$0x5] =	stream.linear.gather [hbm4b:s7+s3], $0xC80, $0x38;
	[tilespmem:$0x1D680] =	vst v63  }
0x5d: {  	_ =	swait.ge [sflag:s22], $0xC80  }
0x5e: {  	s8 =	sadd.s32 $0xFFFF9F20, s19;
	[sflag:s22] =	ssyncset.done $0x0  }
0x5f: {  	s7 =	sadd.s32 $0x6400, s8;
	[sflag:s22] =	ssyncadd.s32 $0xFFFFF380  }
0x60: {  	[tilespmem:s23], [sflag:$0x5] =	stream.linear.gather [hbm4b:s7+s3], $0xC80, $0x38;
	[tilespmem:$0x1D680] =	vst v63  }
0x61: {  	_ =	swait.ge [sflag:s22], $0xC80  }
0x62: {  	[sflag:s22] =	ssyncset.done $0x0  }
0x63: {  	[sflag:s22] =	ssyncadd.s32 $0xFFFFF380  }
0x64: {  	[tilespmem:s25], [sflag:$0x1] =	stream.indirect.gather [hbm4b:s14+s24], $0x8, s3, s24, $0xb8;
	[tilespmem:$0x1D680] =	vst v63  }
0x65: {  	_ =	swait.ge [sflag:s0], $0x6400  }
0x66: {  	[sflag:s0] =	ssyncset.done $0x0  }
0x67: {  	s5 =	sadd.s32 $0x6590, s5;
	[sflag:s0] =	ssyncadd.s32 $0xFFFF9C00  }
0x68: {  	[tilespmem:s24], [sflag:$0x5] =	stream.linear.gather [hbm4b:s5+s3], $0xC80, $0x38;
	[tilespmem:$0x1D680] =	vst v63  }
0x69: {  	_ =	swait.ge [sflag:s22], $0xC80  }
0x6a: {  	[sflag:s22] =	ssyncset.done $0x0  }
0x6b: {  	s8 =	sadd.s32 $0x6590, s8;
	[sflag:s22] =	ssyncadd.s32 $0xFFFFF380  }
0x6c: {  	[tilespmem:s26], [sflag:$0x5] =	stream.linear.gather [hbm4b:s8+s3], $0xC80, $0x38;
	[tilespmem:$0x1D680] =	vst v63  }
0x6d: {  	_ =	swait.ge [sflag:s22], $0xC80  }
0x6e: {  	[sflag:s22] =	ssyncset.done $0x0  }
0x6f: {  	s5 =	simm.s32 $0xFFFFA240;
	[sflag:s22] =	ssyncadd.s32 $0xFFFFF380  }
.LBB2_4:
0x70: {  	[tilespmem:s28], [sflag:$0x2] =	stream.indirect.gather [hbm4b:s14+s24], $0x8, s24, s24, $0xb8;
	[tilespmem:$0x1D680] =	vst v63  }
0x71: {  	s6 =	smov.u32 s5  }
0x72: {  	p0 =	sne.s32 s5, $0xFFFFFCE0;
	s5 =	sadd.s32 $0x320, s5;
	_ =	swait.ge [sflag:s29], $0x6400  }
0x73: {  	[sflag:s29] =	ssyncset.done $0x0  }
0x74: {  	[sflag:s29] =	ssyncadd.s32 $0xFFFF9C00  }
0x75: {  	[spmem:s1] =	stream.indirect.scatter.add.f32 [tilespmem:s25], [sflag:$0x3], $0x8, s23, s24, $0xb8;
	[tilespmem:$0x1D680] =	vst v63  }
0x76: {  	_ =	swait.ge [sflag:s30], $0x6400  }
0x77: {  	[sflag:s30] =	ssyncset.done $0x0  }
0x78: {  	[sflag:s30] =	ssyncadd.s32 $0xFFFF9C00  }
0x79: {  	[spmem:s1] =	stream.indirect.scatter.add.f32 [tilespmem:s28], [sflag:$0x4], $0x8, s26, s24, $0xb8;
	[tilespmem:$0x1D680] =	vst v63  }
0x7a: {  	_ =	swait.ge [sflag:s31], $0x6400  }
0x7b: {  	s7 =	sadd.s32 s6, s20;
	[sflag:s31] =	ssyncset.done $0x0  }
0x7c: {  	s8 =	sadd.s32 $0x6400, s7;
	[sflag:s31] =	ssyncadd.s32 $0xFFFF9C00  }
0x7d: {  	[tilespmem:s3], [sflag:$0x5] =	stream.linear.gather [hbm4b:s8+s3], $0xC80, $0x38;
	[tilespmem:$0x1D680] =	vst v63  }
0x7e: {  	_ =	swait.ge [sflag:s22], $0xC80  }
0x7f: {  	s6 =	sadd.s32 s6, s19;
	[sflag:s22] =	ssyncset.done $0x0  }
0x80: {  	s8 =	sadd.s32 $0x6400, s6;
	[sflag:s22] =	ssyncadd.s32 $0xFFFFF380  }
0x81: {  	[tilespmem:s23], [sflag:$0x5] =	stream.linear.gather [hbm4b:s8+s3], $0xC80, $0x38;
	[tilespmem:$0x1D680] =	vst v63  }
0x82: {  	_ =	swait.ge [sflag:s22], $0xC80  }
0x83: {  	[sflag:s22] =	ssyncset.done $0x0  }
0x84: {  	[sflag:s22] =	ssyncadd.s32 $0xFFFFF380  }
0x85: {  	[tilespmem:s25], [sflag:$0x1] =	stream.indirect.gather [hbm4b:s14+s24], $0x8, s3, s24, $0xb8;
	[tilespmem:$0x1D680] =	vst v63  }
0x86: {  	_ =	swait.ge [sflag:s0], $0x6400  }
0x87: {  	[sflag:s0] =	ssyncset.done $0x0  }
0x88: {  	s7 =	sadd.s32 $0x6590, s7;
	[sflag:s0] =	ssyncadd.s32 $0xFFFF9C00  }
0x89: {  	[tilespmem:s24], [sflag:$0x5] =	stream.linear.gather [hbm4b:s7+s3], $0xC80, $0x38;
	[tilespmem:$0x1D680] =	vst v63  }
0x8a: {  	_ =	swait.ge [sflag:s22], $0xC80  }
0x8b: {  	[sflag:s22] =	ssyncset.done $0x0  }
.Ltmp1:
0x8c: {  	s6 =	sadd.s32 $0x6590, s6;
	[sflag:s22] =	ssyncadd.s32 $0xFFFFF380;
	(pc) =	sbr.rel @p0 .LBB2_4-.Ltmp1, $4  }
0x8d: {  	[tilespmem:s26], [sflag:$0x5] =	stream.linear.gather [hbm4b:s6+s3], $0xC80, $0x38;
	[tilespmem:$0x1D680] =	vst v63  }
0x8e: {  	_ =	swait.ge [sflag:s22], $0xC80  }
0x8f: {  	[sflag:s22] =	ssyncset.done $0x0  }
0x90: {  	[sflag:s22] =	ssyncadd.s32 $0xFFFFF380  }
0x91: {  	[tilespmem:s28], [sflag:$0x2] =	stream.indirect.gather [hbm4b:s14+s24], $0x8, s24, s24, $0xb8;
	[tilespmem:$0x1D680] =	vst v63  }
0x92: {  	_ =	swait.ge [sflag:s29], $0x6400  }
0x93: {  	[sflag:s29] =	ssyncset.done $0x0  }
0x94: {  	[sflag:s29] =	ssyncadd.s32 $0xFFFF9C00  }
0x95: {  	[spmem:s1] =	stream.indirect.scatter.add.f32 [tilespmem:s25], [sflag:$0x3], $0x8, s23, s24, $0xb8;
	[tilespmem:$0x1D680] =	vst v63  }
0x96: {  	_ =	swait.ge [sflag:s30], $0x6400  }
0x97: {  	[sflag:s30] =	ssyncset.done $0x0  }
0x98: {  	[sflag:s30] =	ssyncadd.s32 $0xFFFF9C00  }
0x99: {  	[spmem:s1] =	stream.indirect.scatter.add.f32 [tilespmem:s28], [sflag:$0x4], $0x8, s26, s24, $0xb8;
	[tilespmem:$0x1D680] =	vst v63  }
0x9a: {  	_ =	swait.ge [sflag:s31], $0x6400  }
0x9b: {  	[sflag:s31] =	ssyncset.done $0x0  }
0x9c: {  	[sflag:s31] =	ssyncadd.s32 $0xFFFF9C00  }
0x9d: {  	s5 =	stileid.u32;
	_ =	swait.ge [sflag:s0], $0x6400  }
0x9e: {  	s6 =	sshrl.u32 s4, $0x3;
	s2 =	sadd.s32 $0x1, s2;
	[sflag:s0] =	ssyncset.done $0x0  }
0x9f: {  	s5 =	sshll.u32 s5, $0x6;
	p0 =	sne.s32 s2, s18;
	[sflag:s0] =	ssyncadd.s32 $0xFFFF9C00  }
.Ltmp2:
0xa0: {  	s5 =	sor.u32 $0x1C05, s5;
	[bflag:$0x0] =	sbarrier.arrive $0xFFFF;
	(pc) =	sbr.rel @p0 .LBB2_1-.Ltmp2, $4  }
0xa1: {  	[hbm:s17], [sflag:s5] =	dma.local [spmem:s6], $0x1880  }
0xa2: {  	_ =	swait.ge [sflag:s22], $0x1880  }
0xa3: {  	[sflag:s22] =	ssyncset.done $0x0  }
0xa4: {  	[sflag:s22] =	ssyncadd.s32 $0xFFFFE780  }
0xa5: {  	_ =	sfence.sel $0x180000  }
0xa6: {  	[bflag:$0x0] =	sbarrier.arrive $0xFFFF  }
0xa7: {  	_ =	strace $0x9000004A  }
0xa8: {  	s0 =	stileid.u32;
	[bflag:$0x2] =	sbarrier.arrive $0xFFFF  }
0xa9: {  	p0 =	sne.s32 s0, $0x0;
	s0 =	rddreg [dreg:$0x2]  }
0xaa: {  	s0 =	sadd.s32 @!p0 $0x100000, s0  }
0xab: {  	[sflag:s0] =	ssyncadd.tile.s32 @!p0 $0x1;
	_ =	shalt  }
.Lfunc_end2:
_tile_overlayer_lowered:
.L_overlay_start_2:
0xac: {  	(tag) =	ssettag $0x2  }
0xad: {  	s0 =	rddreg [dreg:$0x0];
	s2 =	stileid.u32  }
0xae: {  	s1 =	rddreg [dreg:$0x1];
	p0 =	sne.s32 s2, $0x0  }
0xaf: {  	s3 =	rddreg [dreg:$0x2];
	[bflag:$0x3] =	sbarrier.arrive $0xFFFF;
	s2 =	simm.s32 @!p0 $0x1C05  }
0xb0: {  	[timem:s3], [sflag:s2] =	dma.local @!p0 [hbm:s0], s1  }
0xb1: {  	s0 =	simm.s32 @!p0 $0x5  }
0xb2: {  	_ =	swait.ge @!p0 [sflag:s0], s1  }
0xb3: {  	s1 =	ssub.s32 @!p0 $0x0, s1;
	[sflag:s0] =	ssyncset.done @!p0 $0x0  }
0xb4: {  	[sflag:s0] =	ssyncadd.s32 @!p0 s1  }
0xb5: {  	[bflag:$0x3] =	sbarrier.arrive $0xFFFF  }
0xb6: {  	_ =	shalt  }

// kernel: kernel.15.cloned.1.call-start
scs
__scs_entry_jumppad:
0x0: {  	(pc) =	sbr.rel $0x88, $3  }
0x1: {  	(tag) =	ssettag $0x0;
	lr =	simm.s32 $0x1  }
0x2: {  	[smem:$0x3F9B] =	sst lr;
	_ =	strace $0xD0000000  }
0x3: {  	_ = 	snop  }
0x4: {  	_ = 	snop  }
0x5: {  	_ = 	snop  }
0x6: {  	_ = 	snop  }
0x7: {  	_ = 	snop  }
__scs_overlays_trampoline_lowered:
0x8: {  	[smem:$0x3FAA] =	sst s0  }
0x9: {  	[smem:$0x3FAB] =	sst s1  }
0xa: {  	[smem:$0x3FAC] =	sst s2  }
0xb: {  	[smem:$0x3FAD] =	sst s3  }
0xc: {  	[smem:$0x3FAE] =	sst s4  }
0xd: {  	[smem:$0x3FAF] =	sst s5  }
0xe: {  	[smem:$0x3FB0] =	sst s6  }
0xf: {  	[smem:$0x3FB1] =	sst s7  }
0x10: {  	[smem:$0x3FB2] =	sst s8  }
0x11: {  	[smem:$0x3FB3] =	sst s9;
	s0 =	simm.s32 @!p0 $0x0  }
0x12: {  	s1 =	sld [smem:$0x3F99];
	s0 =	simm.s32 @p0 $0x1  }
0x13: {  	[smem:$0x3FB4] =	sst s0;
	s0 =	simm.s32 @!p1 $0x0  }
0x14: {  	s2 =	sld [smem:$0x3F98];
	s0 =	simm.s32 @p1 $0x1  }
0x15: {  	[smem:$0x3FB5] =	sst s0;
	s0 =	simm.s32 @!p2 $0x0  }
0x16: {  	s3 =	sld [smem:$0x3FDB];
	s0 =	simm.s32 @p2 $0x1  }
0x17: {  	s4 =	simm.s32 $0x1BF5;
	[smem:$0x3FB7] =	sst s0  }
0x18: {  	s0 =	sld [smem:$0x3F9A];
	_ =	swait.ge [sflag:s4], $0x0  }
0x19: {  	s7 =	sld [smem:$0x3F9B]  }
0x1a: {  	s8 =	sadd.s32 $0xFFFFE003, lr  }
0x1b: {  	s9 =	sadd.s32 $0xFFFFFEF7, lr;
	s5 =	simm.s32 $0xFFFFFFFF;
	p2 =	slt.u32 s8, $0xFFFFF086  }
0x1c: {  	p1 =	slt.u32 s9, $0xF7A;
	s5 =	simm.s32 @!p2 $0x0  }
0x1d: {  	s5 =	simm.s32 @p1 $0x1;
	p0 =	seq.s32 s7, s2  }
0x1e: {  	s7 =	smul.u32 @!p0 $0xF7A, s2;
	p2 =	seq.s32 @!p0 s5, $0x0  }
0x1f: {  	s9 =	smul.u32 $0xF7A, s1;
	s8 =	simm.s32 @!p0 $0x1BF5;
	p2 =	por !p2, p0  }
0x20: {  	[sflag:s8] =	ssyncset.s32 @!p0 $0xFFFFF086;
	s6 =	sadd.s32 @!p0 s3, s7;
	s7 =	simm.s32 @!p0 $0x108  }
0x21: {  	s3 =	sadd.s32 s3, s9;
	s6 =	sadd.s32 @!p0 $0x88, s6;
	s7 =	simm.s32 @p2 $0x1082  }
0x22: {  	[simem:s7], [sflag:s8] =	dma.local @!p0 [hbm:s6], $0xF7A  }
0x23: {  	s9 =	sor.u32 $0xD0000000, s2;
	s6 =	simm.s32 $0x108;
	_ =	swait.ge @!p0 [sflag:s8], $0x0  }
0x24: {  	s3 =	sadd.s32 $0x88, s3;
	s6 =	simm.s32 @!p1 $0x1082;
	[sflag:s4] =	ssyncset.s32 $0xFFFFF086  }
0x25: {  	[simem:s6], [sflag:s4] =	dma.local [hbm:s3], $0xF7A  }
0x26: {  	[smem:$0x3F9B] =	sst s1;
	(tag) =	ssettag s2;
	_ =	strace s9  }
0x27: {  	s1 =	sld [smem:$0x3FAB]  }
0x28: {  	s2 =	sld [smem:$0x3FAC]  }
0x29: {  	s4 =	sld [smem:$0x3FAE]  }
0x2a: {  	p0 =	seq.s32 s5, $0x0;
	s5 =	sld [smem:$0x3FAF]  }
0x2b: {  	s6 =	sld [smem:$0x3FB0]  }
0x2c: {  	s7 =	sld [smem:$0x3FB1]  }
0x2d: {  	s3 =	simm.s32 $0x108;
	s8 =	sld [smem:$0x3FB2]  }
0x2e: {  	s3 =	simm.s32 @!p0 $0x1082;
	s9 =	sld [smem:$0x3FB3]  }
0x2f: {  	lr =	sadd.s32 s0, s3;
	s0 =	sld [smem:$0x3FAA]  }
0x30: {  	s3 =	sld [smem:$0x3FAD]  }
0x31: {  	[smem:$0x3FB6] =	sst s10  }
0x32: {  	s10 =	sld [smem:$0x3FB4];
	_ =	sdelay $0x3  }
0x33: {  	p0 =	seq.s32 s10, $0x1;
	s10 =	sld [smem:$0x3FB6];
	_ =	sdelay $0x3  }
0x34: {  	[smem:$0x3FB6] =	sst s10  }
0x35: {  	s10 =	sld [smem:$0x3FB5];
	_ =	sdelay $0x3  }
0x36: {  	p1 =	seq.s32 s10, $0x1;
	s10 =	sld [smem:$0x3FB6];
	_ =	sdelay $0x3  }
0x37: {  	[smem:$0x3FB6] =	sst s10  }
0x38: {  	s10 =	sld [smem:$0x3FB7]  }
0x39: {  	_ = 	snop;
	(pc) =	sbr.ind lr, $3  }
0x3a: {  	_ = 	snop  }
0x3b: {  	_ = 	snop  }
0x3c: {  	p2 =	seq.s32 s10, $0x1;
	s10 =	sld [smem:$0x3FB6]  }
0x3d: {  	_ =	shalt  }
0x3e: {  	_ =	shalt  }
0x3f: {  	_ =	shalt  }
0x40: {  	_ =	shalt  }
0x41: {  	_ =	shalt  }
0x42: {  	_ =	shalt  }
0x43: {  	_ =	shalt  }
0x44: {  	_ =	shalt  }
0x45: {  	_ =	shalt  }
0x46: {  	_ =	shalt  }
0x47: {  	_ =	shalt  }
0x48: {  	_ =	shalt  }
0x49: {  	_ =	shalt  }
0x4a: {  	_ =	shalt  }
0x4b: {  	_ =	shalt  }
0x4c: {  	_ =	shalt  }
0x4d: {  	_ =	shalt  }
0x4e: {  	_ =	shalt  }
0x4f: {  	_ =	shalt  }
0x50: {  	_ =	shalt  }
0x51: {  	_ =	shalt  }
0x52: {  	_ =	shalt  }
0x53: {  	_ =	shalt  }
0x54: {  	_ =	shalt  }
0x55: {  	_ =	shalt  }
0x56: {  	_ =	shalt  }
0x57: {  	_ =	shalt  }
0x58: {  	_ =	shalt  }
0x59: {  	_ =	shalt  }
0x5a: {  	_ =	shalt  }
0x5b: {  	_ =	shalt  }
0x5c: {  	_ =	shalt  }
0x5d: {  	_ =	shalt  }
0x5e: {  	_ =	shalt  }
0x5f: {  	_ =	shalt  }
0x60: {  	_ =	shalt  }
0x61: {  	_ =	shalt  }
0x62: {  	_ =	shalt  }
0x63: {  	_ =	shalt  }
0x64: {  	_ =	shalt  }
0x65: {  	_ =	shalt  }
0x66: {  	_ =	shalt  }
0x67: {  	_ =	shalt  }
0x68: {  	_ =	shalt  }
0x69: {  	_ =	shalt  }
0x6a: {  	_ =	shalt  }
0x6b: {  	_ =	shalt  }
0x6c: {  	_ =	shalt  }
0x6d: {  	_ =	shalt  }
0x6e: {  	_ =	shalt  }
0x6f: {  	_ =	shalt  }
0x70: {  	_ =	shalt  }
0x71: {  	_ =	shalt  }
0x72: {  	_ =	shalt  }
0x73: {  	_ =	shalt  }
0x74: {  	_ =	shalt  }
0x75: {  	_ =	shalt  }
0x76: {  	_ =	shalt  }
0x77: {  	_ =	shalt  }
0x78: {  	_ =	shalt  }
0x79: {  	_ =	shalt  }
0x7a: {  	_ =	shalt  }
0x7b: {  	_ =	shalt  }
0x7c: {  	_ =	shalt  }
0x7d: {  	_ =	shalt  }
0x7e: {  	_ =	shalt  }
0x7f: {  	_ =	shalt  }
0x80: {  	_ =	shalt  }
0x81: {  	_ =	shalt  }
0x82: {  	_ =	shalt  }
0x83: {  	_ =	shalt  }
0x84: {  	_ =	shalt  }
0x85: {  	_ =	shalt  }
0x86: {  	_ =	shalt  }
0x87: {  	_ =	shalt  }
.Lfunc_end0:
.L_simem_size_0:
called_computation.2_lowered:
.L_overlay_start_0:
0x88: {  	s2 =	sld [smem:$0x3FD9]  }
0x89: {  	s3 =	sld [smem:$0x3FFE];
	_ =	sdelay $0x1  }
0x8a: {  	s1 =	srdreg.scid  }
0x8b: {  	s0 =	sand.u32 $0x1, s1  }
0x8c: {  	s16 =	sshll.u32 s0, $0xA;
	s2 =	sadd.s32 s3, s2  }
0x8d: {  	s2 =	sadd.s32 s2, s16  }
0x8e: {  	[smem:$0x3FC2] =	sst s2  }
0x8f: {  	_ = 	snop  }
0x90: {  	(tm) =	ssettm $0x1  }
0x91: {  	s17 =	sld [smem:$0x3FFB];
	_ =	sdelay $0x3  }
0x92: {  	_ =	strace s17  }
0x93: {  	s2 =	sld [smem:$0x3FFC];
	_ =	sdelay $0x3  }
0x94: {  	_ =	strace s2  }
0x95: {  	s2 =	sld [smem:$0x3FFD];
	_ =	sdelay $0x3  }
0x96: {  	_ =	strace s2  }
0x97: {  	_ =	strace $0x8FFFFFFF  }
0x98: {  	s18 =	sld [smem:$0x3FDB];
	_ =	sdelay $0x1  }
0x99: {  	s19 =	simm.s32 $_scs_section_size  }
0x9a: {  	s4 =	simm.s32 $_size__tile_overlayer_lowered;
	s5 =	simm.s32 $_tile_overlayer_lowered  }
0x9b: {  	s22 =	simm.s32 $0x1BFF;
	s21 =	sshll.u32 s5, $0x1;
	s2 =	sadd.s32 s19, s18  }
0x9c: {  	s6 =	simm.s32 $0x0;
	s20 =	sshll.u32 s4, $0x1;
	s4 =	sadd.s32 s21, s2  }
0x9d: {  	[timem:s6], [sflag:s22] =	dma.local [hbm:s4], s20  }
0x9e: {  	_ =	swait.ge [sflag:s22], s20  }
0x9f: {  	s3 =	ssub.s32 $0x0, s20;
	[sflag:s22] =	ssyncset.done $0x0  }
0xa0: {  	[sflag:s22] =	ssyncadd.s32 s3;
	_ =	sdelay $0x1  }
0xa1: {  	s23 =	simm.s32 $0x1B8B  }
0xa2: {  	_ =	swait.ge [sflag:s23], $0x1  }
0xa3: {  	[sflag:s23] =	ssyncset.done $0x0  }
0xa4: {  	s25 =	simm.s32 $0x1B8E;
	s24 =	sld [smem:$0x3FFE];
	[sflag:s23] =	ssyncadd.s32 $0xFFFFFFFF  }
0xa5: {  	s26 =	simm.s32 $execute0_lowered;
	[smem:$0x3FD2] =	sst s25  }
0xa6: {  	s4 =	sshll.u32 s26, $0x1;
	_ =	strace $0x8000004C;
	[dreg:$0x1] =	wrdreg $0xFFFFFFFF  }
0xa7: {  	s28 =	simm.s32 $_size_execute0_lowered;
	s2 =	sadd.s32 s2, s4;
	[dreg:$0x0] =	wrdreg $0x0  }
0xa8: {  	s4 =	sshll.u32 s28, $0x1;
	[dreg:$0x2] =	wrdreg s2  }
0xa9: {  	[dreg:$0x3] =	wrdreg s4  }
0xaa: {  	[dreg:$0x4] =	wrdreg $0xC0  }
0xab: {  	_ =	task [dreg:s6], $0x5FFFF  }
0xac: {  	[dreg:$0x1] =	wrdreg $0xFFFFFFFF  }
0xad: {  	[dreg:$0x0] =	wrdreg $0x60  }
0xae: {  	[dreg:$0x2] =	wrdreg s24  }
0xaf: {  	[dreg:$0x3] =	wrdreg $0x112800  }
0xb0: {  	[dreg:$0x4] =	wrdreg $0x9  }
0xb1: {  	_ =	task.clear_ibuf [dreg:s6], $0x5FFFF;
	_ =	strace $0x9000004C  }
0xb2: {  	s29 =	simm.s32 $0x9;
	_ =	strace $0x8000004E  }
0xb3: {  	_ =	swait.ge [sflag:s29], $0x1  }
0xb4: {  	[sflag:s29] =	ssyncadd.s32 $0xFFFFFFFF  }
0xb5: {  	_ =	strace $0x9000004E  }
0xb6: {  	_ =	sfence  }
0xb7: {  	s30 =	sld [smem:$0x0];
	_ =	sdelay $0x2  }
0xb8: {  	s31 =	sshll.u32 s1, $0xD;
	s1 =	sshrl.u32 s1, $0x2  }
0xb9: {  	s3 =	sand.u32 $0x4000, s31;
	s1 =	sadd.s32 s1, s30  }
0xba: {  	s0 =	sor.u32 s3, s0;
	s1 =	sshll.u32 s1, $0x11  }
0xbb: {  	s0 =	sor.u32 s1, s0  }
0xbc: {  	s0 =	sadd.s32 $0x8F2B, s0  }
0xbd: {  	[sflag:s0] =	ssyncadd.remote.s32 $0x1  }
0xbe: {  	_ =	sfence.sel $0xFFFF  }
0xbf: {  	[dreg:$0x0] =	wrdreg $0xFFFFFFFF;
	(pc) =	sbr.abs _section_cstart, $3  }
0xc0: {  	[dreg:$0x1] =	wrdreg $0xFFFFFFFF  }
0xc1: {  	_ =	task.clear_ibuf [dreg:s6], $0x2FFFF;
	_ =	strace $0x9FFFFFFF  }
0xc2: {  	(tm) =	ssettm $0x7FFFFFFF  }
0xc3: {  	_ =	shalt  }
tec
execute0_lowered:
.L_overlay_start_1:
0x0: {  	(tag) =	ssettag $0x1  }
0x1: {  	s0 =	rddreg [dreg:$0x0]  }
0x2: {  	s2 =	srdreg.scid;
	s1 =	rddreg [dreg:$0x1]  }
0x3: {  	s3 =	simm.s32 $0x0;
	s15 =	stileid.u32;
	s28 =	simm.s32 $0x9600  }
0x4: {  	s29 =	simm.s32 $0x1;
	s30 =	simm.s32 $0x2;
	s6 =	smul.u32 $0xC400, s15  }
0x5: {  	s31 =	simm.s32 $0x3;
	s2 =	sand.u32 $0x1, s2;
	s7 =	smul.u32 $0x31000, s15  }
0x6: {  	[smem:$0x7FF] =	sst s3;
	s20 =	sadd.s32 $0x65A00, s0;
	s22 =	smul.u32 $0x32000, s15  }
0x7: {  	s19 =	sadd.s32 $0x1A00, s0;
	s4 =	smul.u32 $0xC4000, s2;
	s2 =	ssub.s32 $0x2, s2  }
0x8: {  	s26 =	smul.u32 $0x6400, s15;
	_ =	strace $0x8000004D;
	s8 =	sshrl.u32 s2, $0x1  }
0x9: {  	s7 =	sshrl.u32 s7, $0x2;
	s5 =	sshrl.u32 s4, $0x3;
	s4 =	sadd.s32 s6, s4  }
0xa: {  	s2 =	ssub.s32 s2, s8;
	s11 =	sadd.s32 s7, s1;
	s5 =	sadd.s32 s5, s0  }
0xb: {  	s4 =	sshrl.u32 s4, $0x3;
	s21 =	sadd.s32 $0x1880, s11;
	s7 =	sadd.s32 $0x3100, s11  }
0xc: {  	s23 =	sadd.s32 $0x4980, s11;
	s24 =	sadd.s32 $0x6200, s11;
	s9 =	sadd.s32 $0x7A80, s11  }
0xd: {  	s10 =	sadd.s32 $0x9300, s11;
	s11 =	sadd.s32 $0xAB80, s11;
	[dreg:$0x3] =	wrdreg s21  }
0xe: {  	s18 =	smax.u32 s2, $0x1;
	s2 =	simm.s32 $0x0;
	[dreg:$0x4] =	wrdreg s7  }
0xf: {  	s0 =	sadd.s32 s4, s0;
	s4 =	sadd.s32 s6, s1;
	[dreg:$0x5] =	wrdreg s23  }
0x10: {  	[dreg:$0x6] =	wrdreg s24;
	s6 =	sshrl.u32 s22, $0x3;
	s14 =	sadd.s32 $0xC9A00, s5  }
0x11: {  	s21 =	simm.s32 $0xFA00;
	s22 =	simm.s32 $0x5;
	s23 =	simm.s32 $0x1900  }
0x12: {  	s24 =	simm.s32 $0xC80;
	s12 =	sadd.s32 s20, s6;
	s13 =	sadd.s32 s19, s6  }
0x13: {  	s25 =	sor.u32 $0x190, s6;
	s17 =	sadd.s32 $0xFAA00, s0;
	s0 =	simm.s32 $0x4  }
0x14: {  	s15 =	sadd.s32 s20, s25;
	s16 =	sadd.s32 s19, s25;
	s19 =	sadd.s32 s26, s19  }
0x15: {  	v0 =	vimm.f32 $0.0e+00;
	s20 =	sadd.s32 s26, s20;
	s25 =	simm.s32 $0x3200;
	s26 =	simm.s32 $0x2580  }
.LBB2_1:
0x16: {  	s5 =	simm.s32 $0x40;
	s6 =	simm.s32 $0x0  }
.LBB2_2:
0x17: {  	p0 =	sne.s32 s5, $0x61C0;
	[tilespmem:s6+$0xFA00] =	vst.msk $0xff, v0;
	s7 =	smov.u32 s5;
	s5 =	sadd.s32 $0x40, s5  }
.Ltmp0:
0x18: {  	[tilespmem:s6+$0xFA08] =	vst.msk $0xff, v0;
	(pc) =	sbr.rel @p0 .LBB2_2-.Ltmp0, $2  }
0x19: {  	_ =	sdelay $0x2  }
0x1a: {  	s6 =	sshra.s32 s7, $0x2  }
0x1b: {  	[tilespmem:s6+$0xFA00] =	vst.msk $0xff, v0  }
0x1c: {  	[tilespmem:s6+$0xFA08] =	vst.msk $0xff, v0  }
0x1d: {  	[spmem:s4] =	stream.linear.scatter [tilespmem:s21], [sflag:$0x5], $0x1880, $0x38;
	[tilespmem:$0x1D680] =	vst v63  }
0x1e: {  	_ =	swait.ge [sflag:s22], $0x1880  }
0x1f: {  	[sflag:s22] =	ssyncset.done $0x0  }
0x20: {  	s5 =	rddreg [dreg:$0x3];
	[sflag:s22] =	ssyncadd.s32 $0xFFFFE780  }
0x21: {  	[spmem:s5] =	stream.linear.scatter [tilespmem:s21], [sflag:$0x5], $0x1880, $0x38;
	[tilespmem:$0x1D680] =	vst v63  }
0x22: {  	_ =	swait.ge [sflag:s22], $0x1880  }
0x23: {  	[sflag:s22] =	ssyncset.done $0x0  }
0x24: {  	s7 =	rddreg [dreg:$0x4];
	[sflag:s22] =	ssyncadd.s32 $0xFFFFE780  }
0x25: {  	[spmem:s7] =	stream.linear.scatter [tilespmem:s21], [sflag:$0x5], $0x1880, $0x38;
	[tilespmem:$0x1D680] =	vst v63  }
0x26: {  	_ =	swait.ge [sflag:s22], $0x1880  }
0x27: {  	[sflag:s22] =	ssyncset.done $0x0  }
0x28: {  	s8 =	rddreg [dreg:$0x5];
	[sflag:s22] =	ssyncadd.s32 $0xFFFFE780  }
0x29: {  	[spmem:s8] =	stream.linear.scatter [tilespmem:s21], [sflag:$0x5], $0x1880, $0x38;
	[tilespmem:$0x1D680] =	vst v63  }
0x2a: {  	_ =	swait.ge [sflag:s22], $0x1880  }
0x2b: {  	[sflag:s22] =	ssyncset.done $0x0  }
0x2c: {  	s6 =	rddreg [dreg:$0x6];
	[sflag:s22] =	ssyncadd.s32 $0xFFFFE780  }
0x2d: {  	[spmem:s6] =	stream.linear.scatter [tilespmem:s21], [sflag:$0x5], $0x1880, $0x38;
	[tilespmem:$0x1D680] =	vst v63  }
0x2e: {  	_ =	swait.ge [sflag:s22], $0x1880  }
0x2f: {  	[sflag:s22] =	ssyncset.done $0x0  }
0x30: {  	[sflag:s22] =	ssyncadd.s32 $0xFFFFE780  }
0x31: {  	[spmem:s9] =	stream.linear.scatter [tilespmem:s21], [sflag:$0x5], $0x1880, $0x38;
	[tilespmem:$0x1D680] =	vst v63  }
0x32: {  	_ =	swait.ge [sflag:s22], $0x1880  }
0x33: {  	[sflag:s22] =	ssyncset.done $0x0  }
0x34: {  	[sflag:s22] =	ssyncadd.s32 $0xFFFFE780  }
0x35: {  	[spmem:s10] =	stream.linear.scatter [tilespmem:s21], [sflag:$0x5], $0x1880, $0x38;
	[tilespmem:$0x1D680] =	vst v63  }
0x36: {  	_ =	swait.ge [sflag:s22], $0x1880  }
0x37: {  	[sflag:s22] =	ssyncset.done $0x0  }
0x38: {  	[sflag:s22] =	ssyncadd.s32 $0xFFFFE780  }
0x39: {  	[spmem:s11] =	stream.linear.scatter [tilespmem:s21], [sflag:$0x5], $0x1880, $0x38;
	[tilespmem:$0x1D680] =	vst v63  }
0x3a: {  	_ =	swait.ge [sflag:s22], $0x1880  }
0x3b: {  	[sflag:s22] =	ssyncset.done $0x0  }
0x3c: {  	[sflag:s22] =	ssyncadd.s32 $0xFFFFE780  }
0x3d: {  	[bflag:$0x0] =	sbarrier.arrive $0xFFFF  }
0x3e: {  	[tilespmem:s3], [sflag:$0x5] =	stream.linear.gather [hbm4b:s12+s3], $0xC80, $0x38;
	[tilespmem:$0x1D680] =	vst v63  }
0x3f: {  	_ =	swait.ge [sflag:s22], $0xC80  }
0x40: {  	[sflag:s22] =	ssyncset.done $0x0  }
0x41: {  	[sflag:s22] =	ssyncadd.s32 $0xFFFFF380  }
0x42: {  	[tilespmem:s23], [sflag:$0x5] =	stream.linear.gather [hbm4b:s13+s3], $0xC80, $0x38;
	[tilespmem:$0x1D680] =	vst v63  }
0x43: {  	_ =	swait.ge [sflag:s22], $0xC80  }
0x44: {  	[sflag:s22] =	ssyncset.done $0x0  }
0x45: {  	[sflag:s22] =	ssyncadd.s32 $0xFFFFF380  }
0x46: {  	[tilespmem:s25], [sflag:$0x1] =	stream.indirect.gather [hbm4b:s14+s24], $0x8, s3, s24, $0xb8;
	[tilespmem:$0x1D680] =	vst v63  }
0x47: {  	_ = 	snop  }
0x48: {  	[tilespmem:s24], [sflag:$0x5] =	stream.linear.gather [hbm4b:s15+s3], $0xC80, $0x38;
	[tilespmem:$0x1D680] =	vst v63  }
0x49: {  	_ =	swait.ge [sflag:s22], $0xC80  }
0x4a: {  	[sflag:s22] =	ssyncset.done $0x0  }
0x4b: {  	[sflag:s22] =	ssyncadd.s32 $0xFFFFF380  }
0x4c: {  	[tilespmem:s26], [sflag:$0x5] =	stream.linear.gather [hbm4b:s16+s3], $0xC80, $0x38;
	[tilespmem:$0x1D680] =	vst v63  }
0x4d: {  	_ =	swait.ge [sflag:s22], $0xC80  }
0x4e: {  	[sflag:s22] =	ssyncset.done $0x0  }
0x4f: {  	[sflag:s22] =	ssyncadd.s32 $0xFFFFF380  }
0x50: {  	[tilespmem:s28], [sflag:$0x2] =	stream.indirect.gather [hbm4b:s14+s24], $0x8, s24, s24, $0xb8;
	[tilespmem:$0x1D680] =	vst v63  }
0x51: {  	_ =	swait.ge [sflag:s29], $0x6400  }
0x52: {  	[sflag:s29] =	ssyncset.done $0x0  }
0x53: {  	[sflag:s29] =	ssyncadd.s32 $0xFFFF9C00  }
0x54: {  	[spmem:s1] =	stream.indirect.scatter.add.f32 [tilespmem:s25], [sflag:$0x3], $0x8, s23, s24, $0xb8;
	[tilespmem:$0x1D680] =	vst v63  }
0x55: {  	_ =	swait.ge [sflag:s30], $0x6400  }
0x56: {  	[sflag:s30] =	ssyncset.done $0x0  }
0x57: {  	[sflag:s30] =	ssyncadd.s32 $0xFFFF9C00  }
0x58: {  	[spmem:s1] =	stream.indirect.scatter.add.f32 [tilespmem:s28], [sflag:$0x4], $0x8, s26, s24, $0xb8;
	[tilespmem:$0x1D680] =	vst v63  }
0x59: {  	_ =	swait.ge [sflag:s31], $0x6400  }
0x5a: {  	s5 =	sadd.s32 $0xFFFF9F20, s20;
	[sflag:s31] =	ssyncset.done $0x0  }
0x5b: {  	s7 =	sadd.s32 $0x6400, s5;
	[sflag:s31] =	ssyncadd.s32 $0xFFFF9C00  }
0x5c: {  	[tilespmem:s3], [sflag:$0x5] =	stream.linear.gather [hbm4b:s7+s3], $0xC80, $0x38;
	[tilespmem:$0x1D680] =	vst v63  }
0x5d: {  	_ =	swait.ge [sflag:s22], $0xC80  }
0x5e: {  	s8 =	sadd.s32 $0xFFFF9F20, s19;
	[sflag:s22] =	ssyncset.done $0x0  }
0x5f: {  	s7 =	sadd.s32 $0x6400, s8;
	[sflag:s22] =	ssyncadd.s32 $0xFFFFF380  }
0x60: {  	[tilespmem:s23], [sflag:$0x5] =	stream.linear.gather [hbm4b:s7+s3], $0xC80, $0x38;
	[tilespmem:$0x1D680] =	vst v63  }
0x61: {  	_ =	swait.ge [sflag:s22], $0xC80  }
0x62: {  	[sflag:s22] =	ssyncset.done $0x0  }
0x63: {  	[sflag:s22] =	ssyncadd.s32 $0xFFFFF380  }
0x64: {  	[tilespmem:s25], [sflag:$0x1] =	stream.indirect.gather [hbm4b:s14+s24], $0x8, s3, s24, $0xb8;
	[tilespmem:$0x1D680] =	vst v63  }
0x65: {  	_ =	swait.ge [sflag:s0], $0x6400  }
0x66: {  	[sflag:s0] =	ssyncset.done $0x0  }
0x67: {  	s5 =	sadd.s32 $0x6590, s5;
	[sflag:s0] =	ssyncadd.s32 $0xFFFF9C00  }
0x68: {  	[tilespmem:s24], [sflag:$0x5] =	stream.linear.gather [hbm4b:s5+s3], $0xC80, $0x38;
	[tilespmem:$0x1D680] =	vst v63  }
0x69: {  	_ =	swait.ge [sflag:s22], $0xC80  }
0x6a: {  	[sflag:s22] =	ssyncset.done $0x0  }
0x6b: {  	s8 =	sadd.s32 $0x6590, s8;
	[sflag:s22] =	ssyncadd.s32 $0xFFFFF380  }
0x6c: {  	[tilespmem:s26], [sflag:$0x5] =	stream.linear.gather [hbm4b:s8+s3], $0xC80, $0x38;
	[tilespmem:$0x1D680] =	vst v63  }
0x6d: {  	_ =	swait.ge [sflag:s22], $0xC80  }
0x6e: {  	[sflag:s22] =	ssyncset.done $0x0  }
0x6f: {  	s5 =	simm.s32 $0xFFFFA240;
	[sflag:s22] =	ssyncadd.s32 $0xFFFFF380  }
.LBB2_4:
0x70: {  	[tilespmem:s28], [sflag:$0x2] =	stream.indirect.gather [hbm4b:s14+s24], $0x8, s24, s24, $0xb8;
	[tilespmem:$0x1D680] =	vst v63  }
0x71: {  	s6 =	smov.u32 s5  }
0x72: {  	p0 =	sne.s32 s5, $0xFFFFFCE0;
	s5 =	sadd.s32 $0x320, s5;
	_ =	swait.ge [sflag:s29], $0x6400  }
0x73: {  	[sflag:s29] =	ssyncset.done $0x0  }
0x74: {  	[sflag:s29] =	ssyncadd.s32 $0xFFFF9C00  }
0x75: {  	[spmem:s1] =	stream.indirect.scatter.add.f32 [tilespmem:s25], [sflag:$0x3], $0x8, s23, s24, $0xb8;
	[tilespmem:$0x1D680] =	vst v63  }
0x76: {  	_ =	swait.ge [sflag:s30], $0x6400  }
0x77: {  	[sflag:s30] =	ssyncset.done $0x0  }
0x78: {  	[sflag:s30] =	ssyncadd.s32 $0xFFFF9C00  }
0x79: {  	[spmem:s1] =	stream.indirect.scatter.add.f32 [tilespmem:s28], [sflag:$0x4], $0x8, s26, s24, $0xb8;
	[tilespmem:$0x1D680] =	vst v63  }
0x7a: {  	_ =	swait.ge [sflag:s31], $0x6400  }
0x7b: {  	s7 =	sadd.s32 s6, s20;
	[sflag:s31] =	ssyncset.done $0x0  }
0x7c: {  	s8 =	sadd.s32 $0x6400, s7;
	[sflag:s31] =	ssyncadd.s32 $0xFFFF9C00  }
0x7d: {  	[tilespmem:s3], [sflag:$0x5] =	stream.linear.gather [hbm4b:s8+s3], $0xC80, $0x38;
	[tilespmem:$0x1D680] =	vst v63  }
0x7e: {  	_ =	swait.ge [sflag:s22], $0xC80  }
0x7f: {  	s6 =	sadd.s32 s6, s19;
	[sflag:s22] =	ssyncset.done $0x0  }
0x80: {  	s8 =	sadd.s32 $0x6400, s6;
	[sflag:s22] =	ssyncadd.s32 $0xFFFFF380  }
0x81: {  	[tilespmem:s23], [sflag:$0x5] =	stream.linear.gather [hbm4b:s8+s3], $0xC80, $0x38;
	[tilespmem:$0x1D680] =	vst v63  }
0x82: {  	_ =	swait.ge [sflag:s22], $0xC80  }
0x83: {  	[sflag:s22] =	ssyncset.done $0x0  }
0x84: {  	[sflag:s22] =	ssyncadd.s32 $0xFFFFF380  }
0x85: {  	[tilespmem:s25], [sflag:$0x1] =	stream.indirect.gather [hbm4b:s14+s24], $0x8, s3, s24, $0xb8;
	[tilespmem:$0x1D680] =	vst v63  }
0x86: {  	_ =	swait.ge [sflag:s0], $0x6400  }
0x87: {  	[sflag:s0] =	ssyncset.done $0x0  }
0x88: {  	s7 =	sadd.s32 $0x6590, s7;
	[sflag:s0] =	ssyncadd.s32 $0xFFFF9C00  }
0x89: {  	[tilespmem:s24], [sflag:$0x5] =	stream.linear.gather [hbm4b:s7+s3], $0xC80, $0x38;
	[tilespmem:$0x1D680] =	vst v63  }
0x8a: {  	_ =	swait.ge [sflag:s22], $0xC80  }
0x8b: {  	[sflag:s22] =	ssyncset.done $0x0  }
.Ltmp1:
0x8c: {  	s6 =	sadd.s32 $0x6590, s6;
	[sflag:s22] =	ssyncadd.s32 $0xFFFFF380;
	(pc) =	sbr.rel @p0 .LBB2_4-.Ltmp1, $4  }
0x8d: {  	[tilespmem:s26], [sflag:$0x5] =	stream.linear.gather [hbm4b:s6+s3], $0xC80, $0x38;
	[tilespmem:$0x1D680] =	vst v63  }
0x8e: {  	_ =	swait.ge [sflag:s22], $0xC80  }
0x8f: {  	[sflag:s22] =	ssyncset.done $0x0  }
0x90: {  	[sflag:s22] =	ssyncadd.s32 $0xFFFFF380  }
0x91: {  	[tilespmem:s28], [sflag:$0x2] =	stream.indirect.gather [hbm4b:s14+s24], $0x8, s24, s24, $0xb8;
	[tilespmem:$0x1D680] =	vst v63  }
0x92: {  	_ =	swait.ge [sflag:s29], $0x6400  }
0x93: {  	[sflag:s29] =	ssyncset.done $0x0  }
0x94: {  	[sflag:s29] =	ssyncadd.s32 $0xFFFF9C00  }
0x95: {  	[spmem:s1] =	stream.indirect.scatter.add.f32 [tilespmem:s25], [sflag:$0x3], $0x8, s23, s24, $0xb8;
	[tilespmem:$0x1D680] =	vst v63  }
0x96: {  	_ =	swait.ge [sflag:s30], $0x6400  }
0x97: {  	[sflag:s30] =	ssyncset.done $0x0  }
0x98: {  	[sflag:s30] =	ssyncadd.s32 $0xFFFF9C00  }
0x99: {  	[spmem:s1] =	stream.indirect.scatter.add.f32 [tilespmem:s28], [sflag:$0x4], $0x8, s26, s24, $0xb8;
	[tilespmem:$0x1D680] =	vst v63  }
0x9a: {  	_ =	swait.ge [sflag:s31], $0x6400  }
0x9b: {  	[sflag:s31] =	ssyncset.done $0x0  }
0x9c: {  	[sflag:s31] =	ssyncadd.s32 $0xFFFF9C00  }
0x9d: {  	s5 =	stileid.u32;
	_ =	swait.ge [sflag:s0], $0x6400  }
0x9e: {  	s6 =	sshrl.u32 s4, $0x3;
	s2 =	sadd.s32 $0x1, s2;
	[sflag:s0] =	ssyncset.done $0x0  }
0x9f: {  	s5 =	sshll.u32 s5, $0x6;
	p0 =	sne.s32 s2, s18;
	[sflag:s0] =	ssyncadd.s32 $0xFFFF9C00  }
.Ltmp2:
0xa0: {  	s5 =	sor.u32 $0x1C05, s5;
	[bflag:$0x0] =	sbarrier.arrive $0xFFFF;
	(pc) =	sbr.rel @p0 .LBB2_1-.Ltmp2, $4  }
0xa1: {  	[hbm:s17], [sflag:s5] =	dma.local [spmem:s6], $0x1880  }
0xa2: {  	_ =	swait.ge [sflag:s22], $0x1880  }
0xa3: {  	[sflag:s22] =	ssyncset.done $0x0  }
0xa4: {  	[sflag:s22] =	ssyncadd.s32 $0xFFFFE780  }
0xa5: {  	_ =	sfence.sel $0x180000  }
0xa6: {  	[bflag:$0x0] =	sbarrier.arrive $0xFFFF  }
0xa7: {  	_ =	strace $0x9000004D  }
0xa8: {  	s0 =	stileid.u32;
	[bflag:$0x2] =	sbarrier.arrive $0xFFFF  }
0xa9: {  	p0 =	sne.s32 s0, $0x0;
	s0 =	rddreg [dreg:$0x2]  }
0xaa: {  	s0 =	sadd.s32 @!p0 $0x100000, s0  }
0xab: {  	[sflag:s0] =	ssyncadd.tile.s32 @!p0 $0x1;
	_ =	shalt  }
.Lfunc_end2:
_tile_overlayer_lowered:
.L_overlay_start_2:
0xac: {  	(tag) =	ssettag $0x2  }
0xad: {  	s0 =	rddreg [dreg:$0x0];
	s2 =	stileid.u32  }
0xae: {  	s1 =	rddreg [dreg:$0x1];
	p0 =	sne.s32 s2, $0x0  }
0xaf: {  	s3 =	rddreg [dreg:$0x2];
	[bflag:$0x3] =	sbarrier.arrive $0xFFFF;
	s2 =	simm.s32 @!p0 $0x1C05  }
0xb0: {  	[timem:s3], [sflag:s2] =	dma.local @!p0 [hbm:s0], s1  }
0xb1: {  	s0 =	simm.s32 @!p0 $0x5  }
0xb2: {  	_ =	swait.ge @!p0 [sflag:s0], s1  }
0xb3: {  	s1 =	ssub.s32 @!p0 $0x0, s1;
	[sflag:s0] =	ssyncset.done @!p0 $0x0  }
0xb4: {  	[sflag:s0] =	ssyncadd.s32 @!p0 s1  }
0xb5: {  	[bflag:$0x3] =	sbarrier.arrive $0xFFFF  }
0xb6: {  	_ =	shalt  }

// kernel: kernel.9.cloned.1.call-start
scs
__scs_entry_jumppad:
0x0: {  	(pc) =	sbr.rel $0x88, $3  }
0x1: {  	(tag) =	ssettag $0x0;
	lr =	simm.s32 $0x1  }
0x2: {  	[smem:$0x3F9B] =	sst lr;
	_ =	strace $0xD0000000  }
0x3: {  	_ = 	snop  }
0x4: {  	_ = 	snop  }
0x5: {  	_ = 	snop  }
0x6: {  	_ = 	snop  }
0x7: {  	_ = 	snop  }
__scs_overlays_trampoline_lowered:
0x8: {  	[smem:$0x3FAA] =	sst s0  }
0x9: {  	[smem:$0x3FAB] =	sst s1  }
0xa: {  	[smem:$0x3FAC] =	sst s2  }
0xb: {  	[smem:$0x3FAD] =	sst s3  }
0xc: {  	[smem:$0x3FAE] =	sst s4  }
0xd: {  	[smem:$0x3FAF] =	sst s5  }
0xe: {  	[smem:$0x3FB0] =	sst s6  }
0xf: {  	[smem:$0x3FB1] =	sst s7  }
0x10: {  	[smem:$0x3FB2] =	sst s8  }
0x11: {  	[smem:$0x3FB3] =	sst s9;
	s0 =	simm.s32 @!p0 $0x0  }
0x12: {  	s1 =	sld [smem:$0x3F99];
	s0 =	simm.s32 @p0 $0x1  }
0x13: {  	[smem:$0x3FB4] =	sst s0;
	s0 =	simm.s32 @!p1 $0x0  }
0x14: {  	s2 =	sld [smem:$0x3F98];
	s0 =	simm.s32 @p1 $0x1  }
0x15: {  	[smem:$0x3FB5] =	sst s0;
	s0 =	simm.s32 @!p2 $0x0  }
0x16: {  	s3 =	sld [smem:$0x3FDB];
	s0 =	simm.s32 @p2 $0x1  }
0x17: {  	s4 =	simm.s32 $0x1BF5;
	[smem:$0x3FB7] =	sst s0  }
0x18: {  	s0 =	sld [smem:$0x3F9A];
	_ =	swait.ge [sflag:s4], $0x0  }
0x19: {  	s7 =	sld [smem:$0x3F9B]  }
0x1a: {  	s8 =	sadd.s32 $0xFFFFE003, lr  }
0x1b: {  	s9 =	sadd.s32 $0xFFFFFEF7, lr;
	s5 =	simm.s32 $0xFFFFFFFF;
	p2 =	slt.u32 s8, $0xFFFFF086  }
0x1c: {  	p1 =	slt.u32 s9, $0xF7A;
	s5 =	simm.s32 @!p2 $0x0  }
0x1d: {  	s5 =	simm.s32 @p1 $0x1;
	p0 =	seq.s32 s7, s2  }
0x1e: {  	s7 =	smul.u32 @!p0 $0xF7A, s2;
	p2 =	seq.s32 @!p0 s5, $0x0  }
0x1f: {  	s9 =	smul.u32 $0xF7A, s1;
	s8 =	simm.s32 @!p0 $0x1BF5;
	p2 =	por !p2, p0  }
0x20: {  	[sflag:s8] =	ssyncset.s32 @!p0 $0xFFFFF086;
	s6 =	sadd.s32 @!p0 s3, s7;
	s7 =	simm.s32 @!p0 $0x108  }
0x21: {  	s3 =	sadd.s32 s3, s9;
	s6 =	sadd.s32 @!p0 $0x88, s6;
	s7 =	simm.s32 @p2 $0x1082  }
0x22: {  	[simem:s7], [sflag:s8] =	dma.local @!p0 [hbm:s6], $0xF7A  }
0x23: {  	s9 =	sor.u32 $0xD0000000, s2;
	s6 =	simm.s32 $0x108;
	_ =	swait.ge @!p0 [sflag:s8], $0x0  }
0x24: {  	s3 =	sadd.s32 $0x88, s3;
	s6 =	simm.s32 @!p1 $0x1082;
	[sflag:s4] =	ssyncset.s32 $0xFFFFF086  }
0x25: {  	[simem:s6], [sflag:s4] =	dma.local [hbm:s3], $0xF7A  }
0x26: {  	[smem:$0x3F9B] =	sst s1;
	(tag) =	ssettag s2;
	_ =	strace s9  }
0x27: {  	s1 =	sld [smem:$0x3FAB]  }
0x28: {  	s2 =	sld [smem:$0x3FAC]  }
0x29: {  	s4 =	sld [smem:$0x3FAE]  }
0x2a: {  	p0 =	seq.s32 s5, $0x0;
	s5 =	sld [smem:$0x3FAF]  }
0x2b: {  	s6 =	sld [smem:$0x3FB0]  }
0x2c: {  	s7 =	sld [smem:$0x3FB1]  }
0x2d: {  	s3 =	simm.s32 $0x108;
	s8 =	sld [smem:$0x3FB2]  }
0x2e: {  	s3 =	simm.s32 @!p0 $0x1082;
	s9 =	sld [smem:$0x3FB3]  }
0x2f: {  	lr =	sadd.s32 s0, s3;
	s0 =	sld [smem:$0x3FAA]  }
0x30: {  	s3 =	sld [smem:$0x3FAD]  }
0x31: {  	[smem:$0x3FB6] =	sst s10  }
0x32: {  	s10 =	sld [smem:$0x3FB4];
	_ =	sdelay $0x3  }
0x33: {  	p0 =	seq.s32 s10, $0x1;
	s10 =	sld [smem:$0x3FB6];
	_ =	sdelay $0x3  }
0x34: {  	[smem:$0x3FB6] =	sst s10  }
0x35: {  	s10 =	sld [smem:$0x3FB5];
	_ =	sdelay $0x3  }
0x36: {  	p1 =	seq.s32 s10, $0x1;
	s10 =	sld [smem:$0x3FB6];
	_ =	sdelay $0x3  }
0x37: {  	[smem:$0x3FB6] =	sst s10  }
0x38: {  	s10 =	sld [smem:$0x3FB7]  }
0x39: {  	_ = 	snop;
	(pc) =	sbr.ind lr, $3  }
0x3a: {  	_ = 	snop  }
0x3b: {  	_ = 	snop  }
0x3c: {  	p2 =	seq.s32 s10, $0x1;
	s10 =	sld [smem:$0x3FB6]  }
0x3d: {  	_ =	shalt  }
0x3e: {  	_ =	shalt  }
0x3f: {  	_ =	shalt  }
0x40: {  	_ =	shalt  }
0x41: {  	_ =	shalt  }
0x42: {  	_ =	shalt  }
0x43: {  	_ =	shalt  }
0x44: {  	_ =	shalt  }
0x45: {  	_ =	shalt  }
0x46: {  	_ =	shalt  }
0x47: {  	_ =	shalt  }
0x48: {  	_ =	shalt  }
0x49: {  	_ =	shalt  }
0x4a: {  	_ =	shalt  }
0x4b: {  	_ =	shalt  }
0x4c: {  	_ =	shalt  }
0x4d: {  	_ =	shalt  }
0x4e: {  	_ =	shalt  }
0x4f: {  	_ =	shalt  }
0x50: {  	_ =	shalt  }
0x51: {  	_ =	shalt  }
0x52: {  	_ =	shalt  }
0x53: {  	_ =	shalt  }
0x54: {  	_ =	shalt  }
0x55: {  	_ =	shalt  }
0x56: {  	_ =	shalt  }
0x57: {  	_ =	shalt  }
0x58: {  	_ =	shalt  }
0x59: {  	_ =	shalt  }
0x5a: {  	_ =	shalt  }
0x5b: {  	_ =	shalt  }
0x5c: {  	_ =	shalt  }
0x5d: {  	_ =	shalt  }
0x5e: {  	_ =	shalt  }
0x5f: {  	_ =	shalt  }
0x60: {  	_ =	shalt  }
0x61: {  	_ =	shalt  }
0x62: {  	_ =	shalt  }
0x63: {  	_ =	shalt  }
0x64: {  	_ =	shalt  }
0x65: {  	_ =	shalt  }
0x66: {  	_ =	shalt  }
0x67: {  	_ =	shalt  }
0x68: {  	_ =	shalt  }
0x69: {  	_ =	shalt  }
0x6a: {  	_ =	shalt  }
0x6b: {  	_ =	shalt  }
0x6c: {  	_ =	shalt  }
0x6d: {  	_ =	shalt  }
0x6e: {  	_ =	shalt  }
0x6f: {  	_ =	shalt  }
0x70: {  	_ =	shalt  }
0x71: {  	_ =	shalt  }
0x72: {  	_ =	shalt  }
0x73: {  	_ =	shalt  }
0x74: {  	_ =	shalt  }
0x75: {  	_ =	shalt  }
0x76: {  	_ =	shalt  }
0x77: {  	_ =	shalt  }
0x78: {  	_ =	shalt  }
0x79: {  	_ =	shalt  }
0x7a: {  	_ =	shalt  }
0x7b: {  	_ =	shalt  }
0x7c: {  	_ =	shalt  }
0x7d: {  	_ =	shalt  }
0x7e: {  	_ =	shalt  }
0x7f: {  	_ =	shalt  }
0x80: {  	_ =	shalt  }
0x81: {  	_ =	shalt  }
0x82: {  	_ =	shalt  }
0x83: {  	_ =	shalt  }
0x84: {  	_ =	shalt  }
0x85: {  	_ =	shalt  }
0x86: {  	_ =	shalt  }
0x87: {  	_ =	shalt  }
.Lfunc_end0:
.L_simem_size_0:
called_computation_lowered:
.L_overlay_start_0:
0x88: {  	s2 =	sld [smem:$0x3FD9]  }
0x89: {  	s3 =	sld [smem:$0x3FFE];
	_ =	sdelay $0x1  }
0x8a: {  	s1 =	srdreg.scid  }
0x8b: {  	s0 =	sand.u32 $0x1, s1  }
0x8c: {  	s17 =	sshll.u32 s0, $0xA;
	s2 =	sadd.s32 s3, s2  }
0x8d: {  	s2 =	sadd.s32 s2, s17  }
0x8e: {  	[smem:$0x3FC2] =	sst s2  }
0x8f: {  	_ = 	snop  }
0x90: {  	s2 =	sld [smem:$0x3FD0];
	(tm) =	ssettm $0x1  }
0x91: {  	s18 =	sld [smem:$0x3FFB];
	_ =	sdelay $0x3  }
0x92: {  	_ =	strace s18  }
0x93: {  	s3 =	sld [smem:$0x3FFC];
	_ =	sdelay $0x3  }
0x94: {  	_ =	strace s3  }
0x95: {  	s3 =	sld [smem:$0x3FFD];
	_ =	sdelay $0x3  }
0x96: {  	_ =	strace s3  }
0x97: {  	_ =	strace $0x8FFFFFFF  }
0x98: {  	s19 =	sld [smem:$0x3FDB];
	_ =	sdelay $0x1  }
0x99: {  	s4 =	simm.s32 $_scs_section_size  }
0x9a: {  	s5 =	simm.s32 $_size__tile_overlayer_lowered;
	s6 =	simm.s32 $_tile_overlayer_lowered  }
0x9b: {  	s22 =	simm.s32 $0x1BFF;
	s21 =	sshll.u32 s6, $0x1;
	s3 =	sadd.s32 s4, s19  }
0x9c: {  	s7 =	simm.s32 $0x0;
	s20 =	sshll.u32 s5, $0x1;
	s5 =	sadd.s32 s21, s3  }
0x9d: {  	[timem:s7], [sflag:s22] =	dma.local [hbm:s5], s20  }
0x9e: {  	_ =	swait.ge [sflag:s22], s20  }
0x9f: {  	s4 =	ssub.s32 $0x0, s20;
	[sflag:s22] =	ssyncset.done $0x0  }
0xa0: {  	[sflag:s22] =	ssyncadd.s32 s4;
	_ =	sdelay $0x1  }
0xa1: {  	s23 =	simm.s32 $0x1B8B  }
0xa2: {  	_ =	swait.ge [sflag:s23], $0x1  }
0xa3: {  	[sflag:s23] =	ssyncset.done $0x0  }
0xa4: {  	s25 =	simm.s32 $0x1B8E;
	s24 =	sld [smem:$0x3FFE];
	[sflag:s23] =	ssyncadd.s32 $0xFFFFFFFF  }
0xa5: {  	s26 =	simm.s32 $execute0_lowered;
	[smem:$0x3FD2] =	sst s25  }
0xa6: {  	s5 =	sshll.u32 s26, $0x1;
	_ =	strace $0x80000046;
	[dreg:$0x1] =	wrdreg $0xFFFFFFFF  }
0xa7: {  	s28 =	simm.s32 $_size_execute0_lowered;
	s3 =	sadd.s32 s3, s5;
	[dreg:$0x0] =	wrdreg $0x0  }
0xa8: {  	s5 =	sshll.u32 s28, $0x1;
	[dreg:$0x2] =	wrdreg s3  }
0xa9: {  	[dreg:$0x3] =	wrdreg s5  }
0xaa: {  	[dreg:$0x4] =	wrdreg $0xC0  }
0xab: {  	_ =	task [dreg:s7], $0x5FFFF  }
0xac: {  	[dreg:$0x1] =	wrdreg $0xFFFFFFFF  }
0xad: {  	[dreg:$0x0] =	wrdreg $0x60  }
0xae: {  	[dreg:$0x2] =	wrdreg s24  }
0xaf: {  	[dreg:$0x3] =	wrdreg s2  }
0xb0: {  	[dreg:$0x4] =	wrdreg $0x38800  }
0xb1: {  	[dreg:$0x5] =	wrdreg $0x9  }
0xb2: {  	_ =	task.clear_ibuf [dreg:s7], $0x6FFFF;
	_ =	strace $0x90000046  }
0xb3: {  	s29 =	simm.s32 $0x9;
	_ =	strace $0x80000048  }
0xb4: {  	_ =	swait.ge [sflag:s29], $0x1  }
0xb5: {  	[sflag:s29] =	ssyncadd.s32 $0xFFFFFFFF  }
0xb6: {  	_ =	strace $0x90000048  }
0xb7: {  	_ =	sfence  }
0xb8: {  	s30 =	sld [smem:$0x0];
	_ =	sdelay $0x2  }
0xb9: {  	s31 =	sshll.u32 s1, $0xD;
	s1 =	sshrl.u32 s1, $0x2  }
0xba: {  	s3 =	sand.u32 $0x4000, s31;
	s1 =	sadd.s32 s1, s30  }
0xbb: {  	s0 =	sor.u32 s3, s0;
	s1 =	sshll.u32 s1, $0x11  }
0xbc: {  	s0 =	sor.u32 s1, s0  }
0xbd: {  	s0 =	sadd.s32 $0x8F2B, s0  }
0xbe: {  	[sflag:s0] =	ssyncadd.remote.s32 $0x1  }
0xbf: {  	_ =	sfence.sel $0xFFFF  }
0xc0: {  	[dreg:$0x0] =	wrdreg $0xFFFFFFFF;
	(pc) =	sbr.abs _section_cstart, $3  }
0xc1: {  	[dreg:$0x1] =	wrdreg $0xFFFFFFFF  }
0xc2: {  	_ =	task.clear_ibuf [dreg:s7], $0x2FFFF;
	_ =	strace $0x9FFFFFFF  }
0xc3: {  	(tm) =	ssettm $0x7FFFFFFF  }
tec
execute0_lowered:
.L_overlay_start_1:
0x0: {  	(tag) =	ssettag $0x1  }
0x1: {  	s4 =	rddreg [dreg:$0x0]  }
0x2: {  	s0 =	srdreg.scid;
	s5 =	rddreg [dreg:$0x1]  }
0x3: {  	s2 =	rddreg [dreg:$0x2];
	s6 =	sand.u32 $0x1, s0  }
0x4: {  	s0 =	stileid.u32;
	s7 =	smul.u32 $0x190000, s6  }
0x5: {  	s1 =	rddreg [dreg:$0x3];
	s8 =	smul.u32 $0x19000, s0  }
0x6: {  	s3 =	simm.s32 $0x0;
	s13 =	simm.s32 $0x0;
	s9 =	smul.u32 $0x1880, s0  }
0x7: {  	[smem:$0x7FF] =	sst s3;
	s10 =	smul.u32 $0x18800, s6;
	s6 =	ssub.s32 $0x2, s6  }
0x8: {  	_ =	strace $0x80000047;
	s11 =	sshll.u32 s0, $0x6;
	s31 =	sshrl.u32 s6, $0x1  }
0x9: {  	s11 =	sor.u32 $0x1C01, s11;
	s7 =	sadd.s32 s8, s7;
	s30 =	sadd.s32 s9, s10  }
0xa: {  	s6 =	ssub.s32 s6, s31;
	s10 =	simm.s32 $0x1000;
	s7 =	sshrl.u32 s7, $0x3  }
0xb: {  	s8 =	sshrl.u32 s30, $0x3;
	s6 =	smax.u32 s6, $0x1;
	s7 =	sadd.s32 s7, s4  }
0xc: {  	s4 =	sadd.s32 s9, s2;
	s5 =	sadd.s32 s5, s8;
	s8 =	simm.s32 $0x2000  }
0xd: {  	v0 =	vimm.f32 $1.000000000e+00;
	v1 =	vimm.f32 $0.0e+00;
	s9 =	simm.s32 $0x1;
	s7 =	sadd.s32 $0x1A00, s7;
	s12 =	sshrl.u32 s4, $0x3  }
.LBB2_1:
0xe: {  	s14 =	simm.s32 $0x0  }
.LBB2_2:
0xf: {  	p0 =	sne.s32 s14, $0x3FC0  }
.Ltmp0:
0x10: {  	_ = 	snop;
	(pc) =	sbr.rel @p0 .LBB2_2-.Ltmp0, $3  }
0x11: {  	_ =	sdelay $0x1  }
0x12: {  	s15 =	sshra.s32 s14, $0x2  }
0x13: {  	s14 =	sadd.s32 $0x40, s14;
	[tilespmem:s15+$0x1000] =	vst v0  }
0x14: {  	s14 =	simm.s32 $0x40;
	s15 =	simm.s32 $0x0  }
.LBB2_4:
0x15: {  	p0 =	sne.s32 s14, $0x61C0;
	[tilespmem:s15+$0x2000] =	vst v1;
	s15 =	smov.u32 s14;
	s14 =	sadd.s32 $0x40, s14  }
.Ltmp1:
0x16: {  	(pc) =	sbr.rel @p0 .LBB2_4-.Ltmp1, $2  }
0x17: {  	_ =	sdelay $0x2  }
0x18: {  	s15 =	sshra.s32 s15, $0x2  }
0x19: {  	[tilespmem:s15+$0x2000] =	vst v1  }
0x1a: {  	[spmem:s4] =	stream.linear.scatter [tilespmem:s8], [sflag:$0x1], $0x1880, $0x38;
	[tilespmem:$0x5100] =	vst v63  }
0x1b: {  	_ =	swait.ge [sflag:s9], $0x1880  }
0x1c: {  	[sflag:s9] =	ssyncset.done $0x0  }
0x1d: {  	[sflag:s9] =	ssyncadd.s32 $0xFFFFE780  }
0x1e: {  	s14 =	sadd.s32 $0x0, s7;
	[bflag:$0x0] =	sbarrier.arrive $0xFFFF  }
0x1f: {  	[tilespmem:s3], [sflag:$0x1] =	stream.linear.gather [hbm4b:s14+s3], $0x1000, $0x38;
	[tilespmem:$0x5100] =	vst v63  }
0x20: {  	_ =	swait.ge [sflag:s9], $0x1000  }
0x21: {  	[sflag:s9] =	ssyncset.done $0x0  }
0x22: {  	[sflag:s9] =	ssyncadd.s32 $0xFFFFF000  }
0x23: {  	[spmem:s2] =	stream.indirect.scatter.add.f32 [tilespmem:s10], [sflag:$0x1], $0x1, s3, s10, $0xb8;
	[tilespmem:$0x5100] =	vst v63  }
0x24: {  	_ =	swait.ge [sflag:s9], $0x1000  }
0x25: {  	s15 =	simm.s32 $0x400;
	s14 =	simm.s32 $0x200;
	[sflag:s9] =	ssyncset.done $0x0  }
.LBB2_6:
0x26: {  	s16 =	sadd.s32 s14, s7  }
0x27: {  	[sflag:s9] =	ssyncadd.s32 $0xFFFFF000;
	s14 =	smov.u32 s15;
	s17 =	sadd.s32 $0x200, s15  }
0x28: {  	[tilespmem:s3], [sflag:$0x1] =	stream.linear.gather [hbm4b:s16+s3], $0x1000, $0x38;
	[tilespmem:$0x5100] =	vst v63  }
0x29: {  	p0 =	sne.s32 s15, $0x3000;
	_ =	swait.ge [sflag:s9], $0x1000  }
.Ltmp2:
0x2a: {  	[sflag:s9] =	ssyncset.done $0x0;
	(pc) =	sbr.rel @p0 .LBB2_6-.Ltmp2, $4  }
0x2b: {  	[sflag:s9] =	ssyncadd.s32 $0xFFFFF000  }
0x2c: {  	[spmem:s2] =	stream.indirect.scatter.add.f32 [tilespmem:s10], [sflag:$0x1], $0x1, s3, s10, $0xb8;
	[tilespmem:$0x5100] =	vst v63  }
0x2d: {  	_ =	swait.ge [sflag:s9], $0x1000  }
0x2e: {  	s15 =	smov.u32 s17;
	[sflag:s9] =	ssyncset.done $0x0  }
0x2f: {  	s14 =	sadd.s32 s14, s7;
	[sflag:s9] =	ssyncadd.s32 $0xFFFFF000  }
0x30: {  	[tilespmem:s3], [sflag:$0x1] =	stream.linear.gather [hbm4b:s14+s3], $0x1000, $0x38;
	[tilespmem:$0x5100] =	vst v63  }
0x31: {  	_ =	swait.ge [sflag:s9], $0x1000  }
0x32: {  	[sflag:s9] =	ssyncset.done $0x0  }
0x33: {  	[sflag:s9] =	ssyncadd.s32 $0xFFFFF000  }
0x34: {  	[spmem:s2] =	stream.indirect.scatter.add.f32 [tilespmem:s10], [sflag:$0x1], $0x1, s3, s10, $0xb8;
	[tilespmem:$0x5100] =	vst v63  }
0x35: {  	_ =	swait.ge [sflag:s9], $0x1000  }
0x36: {  	s13 =	sadd.s32 $0x1, s13;
	[sflag:s9] =	ssyncset.done $0x0  }
0x37: {  	p0 =	sne.s32 s13, s6;
	[sflag:s9] =	ssyncadd.s32 $0xFFFFF000  }
.Ltmp3:
0x38: {  	[bflag:$0x0] =	sbarrier.arrive $0xFFFF;
	(pc) =	sbr.rel @p0 .LBB2_1-.Ltmp3, $4  }
0x39: {  	[hbm:s5], [sflag:s11] =	dma.local [spmem:s12], $0x310  }
0x3a: {  	_ =	swait.ge [sflag:s9], $0x310  }
0x3b: {  	[sflag:s9] =	ssyncset.done $0x0  }
0x3c: {  	[sflag:s9] =	ssyncadd.s32 $0xFFFFFCF0  }
0x3d: {  	_ =	sfence.sel $0x180000  }
0x3e: {  	[bflag:$0x0] =	sbarrier.arrive $0xFFFF  }
0x3f: {  	p0 =	sne.s32 s0, $0x0;
	_ =	strace $0x90000047  }
0x40: {  	s0 =	sadd.s32 @!p0 $0x100000, s1;
	[bflag:$0x2] =	sbarrier.arrive $0xFFFF  }
0x41: {  	[sflag:s0] =	ssyncadd.tile.s32 @!p0 $0x1;
	_ =	shalt  }
.Lfunc_end2:
_tile_overlayer_lowered:
.L_overlay_start_2:
0x42: {  	(tag) =	ssettag $0x2  }
0x43: {  	s0 =	rddreg [dreg:$0x0];
	s2 =	stileid.u32  }
0x44: {  	s1 =	rddreg [dreg:$0x1];
	p0 =	sne.s32 s2, $0x0  }
0x45: {  	s3 =	rddreg [dreg:$0x2];
	[bflag:$0x3] =	sbarrier.arrive $0xFFFF;
	s2 =	simm.s32 @!p0 $0x1C01  }
0x46: {  	[timem:s3], [sflag:s2] =	dma.local @!p0 [hbm:s0], s1  }
0x47: {  	s0 =	simm.s32 @!p0 $0x1  }
0x48: {  	_ =	swait.ge @!p0 [sflag:s0], s1  }
0x49: {  	s1 =	ssub.s32 @!p0 $0x0, s1;
	[sflag:s0] =	ssyncset.done @!p0 $0x0  }
0x4a: {  	[sflag:s0] =	ssyncadd.s32 @!p0 s1  }
0x4b: {  	[bflag:$0x3] =	sbarrier.arrive $0xFFFF  }
0x4c: {  	_ =	shalt  }

</sc_bundles>
